<compile_context>
chip_gen: v7x
topology: tpu7x:2x2x1
jax: 0.10.2.dev20260603
libtpu: 0.0.44.dev20260713+nightly
codegen_flags: <defaults>
</compile_context>

<pallas_src>
import functools

import jax
import jax.numpy as jnp
from jax import lax
from jax.experimental import pallas as pl
from jax.experimental.pallas import tpu as pltpu
from jax.experimental.pallas import tpu_sc as plsc

NC = 2
NS = 16
L = 16


def _sc_sigma(m, idx, kvec, x):
    E, D = m.shape
    N = x.shape[0]
    HALF = N // NC
    T = 48
    NBUF = 8
    AROWS = HALF + 8
    RPW_A = ((HALF // NS) + 7) // 8 * 8
    RPW_B = HALF - (NS - 1) * RPW_A

    mesh = plsc.VectorSubcoreMesh(core_axis_name="c", subcore_axis_name="s")

    @functools.partial(
        pl.kernel,
        out_type=jax.ShapeDtypeStruct((N, D), jnp.float32),
        mesh=mesh,
        scratch_types=[
            [pltpu.VMEM((T,), jnp.int32) for _ in range(NBUF)],
            [pltpu.VMEM((T, D), jnp.float32) for _ in range(NBUF)],
            [pltpu.SemaphoreType.DMA for _ in range(NBUF)],
            [pltpu.SemaphoreType.DMA for _ in range(NBUF)],
            pltpu.VMEM((L,), jnp.int32),
            pltpu.VMEM_SHARED((AROWS, D), jnp.float32),
        ],
    )
    def body(m_hbm, idx_hbm, k_hbm, x_hbm, out_hbm,
             idx_v, m_v, isem, msem, k_v, acc_sh):
        c = lax.axis_index("c")
        s = lax.axis_index("s")

        pltpu.sync_copy(k_hbm, k_v)
        k = k_v[...][0]

        lo_sc = jnp.where(c == 0, 0, (k // 8) * 8)
        hi_sc = jnp.where(c == 0, jnp.minimum((k + 7) // 8 * 8, E), E)
        cnt = hi_sc - lo_sc
        per8 = ((cnt + NS - 1) // NS + 7) // 8 * 8
        sub_lo = lo_sc + s * per8
        sub_hi = jnp.minimum(sub_lo + per8, hi_sc)
        nt = jnp.maximum((sub_hi - sub_lo + T - 1) // T, 0)
        base = c * HALF

        def load_tile(t, b):
            e_c = pl.multiple_of(jnp.minimum(sub_lo + t * T, E - T), 8)
            pltpu.async_copy(idx_hbm.at[pl.ds(e_c, T)], idx_v[b], isem[b])
            pltpu.async_copy(m_hbm.at[pl.ds(e_c, T)], m_v[b], msem[b])

        for b in range(NBUF):
            @pl.when(b < nt)
            def _():
                load_tile(b, b)

        off = pl.multiple_of(s * RPW_A, 8)
        xoff = pl.multiple_of(base + s * RPW_A, 8)

        @pl.when(s < NS - 1)
        def _():
            pltpu.sync_copy(x_hbm.at[pl.ds(xoff, RPW_A)],
                            acc_sh.at[pl.ds(off, RPW_A)])

        @pl.when(s == NS - 1)
        def _():
            pltpu.sync_copy(
                x_hbm.at[pl.ds(pl.multiple_of(base + (NS - 1) * RPW_A, 8),
                               RPW_B)],
                acc_sh.at[pl.ds((NS - 1) * RPW_A, RPW_B)])

        plsc.subcore_barrier()

        def process_tile(t, b):
            e_c = pl.multiple_of(jnp.minimum(sub_lo + t * T, E - T), 8)
            e_l = sub_lo + t * T
            pltpu.make_async_copy(
                idx_hbm.at[pl.ds(e_c, T)], idx_v[b], isem[b]).wait()
            pltpu.make_async_copy(
                m_hbm.at[pl.ds(e_c, T)], m_v[b], msem[b]).wait()
            hi_keep = jnp.minimum(e_l + T, sub_hi)
            for j in range(T // L):
                pos = e_c + j * L + lax.iota(jnp.int32, L)
                v = idx_v[b][pl.ds(j * L, L)]
                local = v - base
                keep = ((local >= 0) & (local < HALF)
                        & (pos >= e_l) & (pos < hi_keep))
                idx_v[b][pl.ds(j * L, L)] = jnp.where(keep, local, HALF)
            pltpu.sync_copy(m_v[b], acc_sh.at[idx_v[b]], add=True)

            @pl.when(t + NBUF < nt)
            def _():
                load_tile(t + NBUF, b)

        def group_body(g, carry):
            for b in range(NBUF):
                @pl.when(g * NBUF + b < nt)
                def _():
                    process_tile(g * NBUF + b, b)
            return carry

        lax.fori_loop(0, (nt + NBUF - 1) // NBUF, group_body, 0)
        plsc.subcore_barrier()

        @pl.when(s < NS - 1)
        def _():
            pltpu.sync_copy(acc_sh.at[pl.ds(off, RPW_A)],
                            out_hbm.at[pl.ds(xoff, RPW_A)])

        @pl.when(s == NS - 1)
        def _():
            pltpu.sync_copy(
                acc_sh.at[pl.ds((NS - 1) * RPW_A, RPW_B)],
                out_hbm.at[pl.ds(pl.multiple_of(base + (NS - 1) * RPW_A, 8),
                                 RPW_B)])

    return body(m, idx, kvec, x)


def kernel(m, i, n, x):
    N = x.shape[0]
    idx = jnp.asarray(i, jnp.int32)
    k = jnp.sum((idx < N // NC).astype(jnp.int32)).astype(jnp.int32)
    kvec = jnp.broadcast_to(k, (L,))
    return _sc_sigma(m, idx, kvec, x)

# --- scband reference (transcript-rebuilt; emitter-appended) ---
"""Pipeline reference for scband-sigma-13142599926477 (READ-ONLY COPY).

The authoritative reference and input builder live on the scoring server;
editing this copy changes nothing except your own understanding.
"""

import jax, jax.numpy as jnp
import numpy as np


def setup_inputs(seed: int = 0) -> dict:
    key = jax.random.key(seed)
    k_m, k_i, k_x = jax.random.split(key, 3)
    E = 320000
    N = 10000
    D = 128
    m = jax.random.normal(k_m, (E, D), dtype=jnp.float32)
    i = jnp.sort(jax.random.randint(k_i, (E,), 0, N, dtype=jnp.int64))
    x = jax.random.normal(k_x, (N, D), dtype=jnp.float32)
    return {"m": m, "i": i, "n": N, "x": x}


def reference(m, i, n, x):
    # Sigma aggregation: for each node, sum all incoming messages (scatter-add
    # keyed by destination index i over n nodes), combined with the current
    # node label x (self + sum-of-messages aggregation).
    agg = jax.ops.segment_sum(m, jnp.mod(i, n), num_segments=x.shape[0])
    return x + agg

if __name__ == "__main__":
    import jax
    _d = setup_inputs()
    print(jax.jit(kernel)(*tuple(_d.values())))

</pallas_src>

<mosaic_0001>
#map = affine_map<(d0, d1) -> (0, 0)>
#map1 = affine_map<(d0, d1) -> (0)>
module attributes {stable_mosaic.version = 14 : i64} {
  func.func @body(%arg0: i32, %arg1: i32, %arg2: memref<320000x128xf32, #tpu.memory_space<hbm>>, %arg3: memref<320000xi32, #tpu.memory_space<hbm>>, %arg4: memref<16xi32, #tpu.memory_space<hbm>>, %arg5: memref<10000x128xf32, #tpu.memory_space<hbm>>, %arg6: memref<10000x128xf32, #tpu.memory_space<hbm>>, %arg7: memref<48xi32, #tpu.memory_space<vmem>>, %arg8: memref<48xi32, #tpu.memory_space<vmem>>, %arg9: memref<48xi32, #tpu.memory_space<vmem>>, %arg10: memref<48xi32, #tpu.memory_space<vmem>>, %arg11: memref<48xi32, #tpu.memory_space<vmem>>, %arg12: memref<48xi32, #tpu.memory_space<vmem>>, %arg13: memref<48xi32, #tpu.memory_space<vmem>>, %arg14: memref<48xi32, #tpu.memory_space<vmem>>, %arg15: memref<48x128xf32, #tpu.memory_space<vmem>>, %arg16: memref<48x128xf32, #tpu.memory_space<vmem>>, %arg17: memref<48x128xf32, #tpu.memory_space<vmem>>, %arg18: memref<48x128xf32, #tpu.memory_space<vmem>>, %arg19: memref<48x128xf32, #tpu.memory_space<vmem>>, %arg20: memref<48x128xf32, #tpu.memory_space<vmem>>, %arg21: memref<48x128xf32, #tpu.memory_space<vmem>>, %arg22: memref<48x128xf32, #tpu.memory_space<vmem>>, %arg23: memref<!tpu.dma_semaphore, #tpu.memory_space<semaphore_mem>>, %arg24: memref<!tpu.dma_semaphore, #tpu.memory_space<semaphore_mem>>, %arg25: memref<!tpu.dma_semaphore, #tpu.memory_space<semaphore_mem>>, %arg26: memref<!tpu.dma_semaphore, #tpu.memory_space<semaphore_mem>>, %arg27: memref<!tpu.dma_semaphore, #tpu.memory_space<semaphore_mem>>, %arg28: memref<!tpu.dma_semaphore, #tpu.memory_space<semaphore_mem>>, %arg29: memref<!tpu.dma_semaphore, #tpu.memory_space<semaphore_mem>>, %arg30: memref<!tpu.dma_semaphore, #tpu.memory_space<semaphore_mem>>, %arg31: memref<!tpu.dma_semaphore, #tpu.memory_space<semaphore_mem>>, %arg32: memref<!tpu.dma_semaphore, #tpu.memory_space<semaphore_mem>>, %arg33: memref<!tpu.dma_semaphore, #tpu.memory_space<semaphore_mem>>, %arg34: memref<!tpu.dma_semaphore, #tpu.memory_space<semaphore_mem>>, %arg35: memref<!tpu.dma_semaphore, #tpu.memory_space<semaphore_mem>>, %arg36: memref<!tpu.dma_semaphore, #tpu.memory_space<semaphore_mem>>, %arg37: memref<!tpu.dma_semaphore, #tpu.memory_space<semaphore_mem>>, %arg38: memref<!tpu.dma_semaphore, #tpu.memory_space<semaphore_mem>>, %arg39: memref<16xi32, #tpu.memory_space<vmem>>, %arg40: memref<5008x128xf32, #tpu.memory_space<vmem_shared>>) attributes {dimension_semantics = [#tpu.dimension_semantics<core_parallel>, #tpu.dimension_semantics<subcore_parallel>], iteration_bounds = array<i64: 2, 16>, scalar_prefetch = 0 : i64, scratch_operands = 34 : i64, tpu.core_type = #tpu.core_type<sc_vector_subcore>, window_params = [{transform_indices = #map}, {transform_indices = #map1}, {transform_indices = #map1}, {transform_indices = #map}, {transform_indices = #map}]} {
    "tpu.region"() ({
      %run_scoped3A = tpu.sem_alloc : memref<!tpu.dma_semaphore, #tpu.memory_space<semaphore_mem>>
      tpu.enqueue_dma source(%arg4 : memref<16xi32, #tpu.memory_space<hbm>>) target(%arg39 : memref<16xi32, #tpu.memory_space<vmem>>) target_semaphore(%run_scoped3A : memref<!tpu.dma_semaphore, #tpu.memory_space<semaphore_mem>>)
      tpu.wait_dma2 semaphore(%run_scoped3A : memref<!tpu.dma_semaphore, #tpu.memory_space<semaphore_mem>>) src(%arg4 : memref<16xi32, #tpu.memory_space<hbm>>) dst(%arg39 : memref<16xi32, #tpu.memory_space<vmem>>)
      tpu.yield
    }) : () -> ()
    %get3A = arith.constant 0 : index
    %get3A_0 = tpu.vector_load %arg39[%get3A] {strides = array<i32>} : memref<16xi32, #tpu.memory_space<vmem>>, vector<16xi32>,
    %get3A_1 = vector.shape_cast %get3A_0 : vector<16xi32> to vector<16xi32>
    %slice3A = vector.extract_strided_slice %get3A_1 {offsets = [0], sizes = [1], strides = [1]} : vector<16xi32> to vector<1xi32>
    %squeeze3A = vector.extract %slice3A[0] : i32 from vector<1xi32>
    %eq3A = arith.constant 0 : i32
    %eq3A_2 = arith.cmpi eq, %arg0, %eq3A : i32
    %jit3A = arith.constant 8 : i32
    %div3A = arith.divsi %squeeze3A, %jit3A : i32
    %sign3A = arith.constant 0 : i32
    %sign3A_3 = arith.cmpi sgt, %squeeze3A, %sign3A : i32
    %sign3A_4 = arith.extui %sign3A_3 : i1 to i32
    %sign3A_5 = arith.constant 0 : i32
    %sign3A_6 = arith.cmpi slt, %squeeze3A, %sign3A_5 : i32
    %sign3A_7 = arith.extui %sign3A_6 : i1 to i32
    %sign3A_8 = arith.subi %sign3A_4, %sign3A_7 : i32
    %sign3A_9 = arith.constant 0 : i32
    %sign3A_10 = arith.cmpi sgt, %jit3A, %sign3A_9 : i32
    %sign3A_11 = arith.extui %sign3A_10 : i1 to i32
    %sign3A_12 = arith.constant 0 : i32
    %sign3A_13 = arith.cmpi slt, %jit3A, %sign3A_12 : i32
    %sign3A_14 = arith.extui %sign3A_13 : i1 to i32
    %sign3A_15 = arith.subi %sign3A_11, %sign3A_14 : i32
    %ne3A = arith.cmpi ne, %sign3A_8, %sign3A_15 : i32
    %rem3A = arith.remsi %squeeze3A, %jit3A : i32
    %ne3A_16 = arith.constant 0 : i32
    %ne3A_17 = arith.cmpi ne, %rem3A, %ne3A_16 : i32
    %and3A = arith.andi %ne3A, %ne3A_17 : i1
    %sub3A = arith.constant 1 : i32
    %sub3A_18 = arith.subi %div3A, %sub3A : i32
    %select_n3A = arith.select %and3A, %sub3A_18, %div3A : i32
    %mul3A = arith.constant 8 : i32
    %mul3A_19 = arith.muli %select_n3A, %mul3A : i32
    %jit3A_20 = arith.constant 0 : i32
    %select_n3A_21 = arith.select %eq3A_2, %jit3A_20, %mul3A_19 : i32
    %eq3A_22 = arith.constant 0 : i32
    %eq3A_23 = arith.cmpi eq, %arg0, %eq3A_22 : i32
    %add3A = arith.constant 7 : i32
    %add3A_24 = arith.addi %squeeze3A, %add3A : i32
    %jit3A_25 = arith.constant 8 : i32
    %div3A_26 = arith.divsi %add3A_24, %jit3A_25 : i32
    %sign3A_27 = arith.constant 0 : i32
    %sign3A_28 = arith.cmpi sgt, %add3A_24, %sign3A_27 : i32
    %sign3A_29 = arith.extui %sign3A_28 : i1 to i32
    %sign3A_30 = arith.constant 0 : i32
    %sign3A_31 = arith.cmpi slt, %add3A_24, %sign3A_30 : i32
    %sign3A_32 = arith.extui %sign3A_31 : i1 to i32
    %sign3A_33 = arith.subi %sign3A_29, %sign3A_32 : i32
    %sign3A_34 = arith.constant 0 : i32
    %sign3A_35 = arith.cmpi sgt, %jit3A_25, %sign3A_34 : i32
    %sign3A_36 = arith.extui %sign3A_35 : i1 to i32
    %sign3A_37 = arith.constant 0 : i32
    %sign3A_38 = arith.cmpi slt, %jit3A_25, %sign3A_37 : i32
    %sign3A_39 = arith.extui %sign3A_38 : i1 to i32
    %sign3A_40 = arith.subi %sign3A_36, %sign3A_39 : i32
    %ne3A_41 = arith.cmpi ne, %sign3A_33, %sign3A_40 : i32
    %rem3A_42 = arith.remsi %add3A_24, %jit3A_25 : i32
    %ne3A_43 = arith.constant 0 : i32
    %ne3A_44 = arith.cmpi ne, %rem3A_42, %ne3A_43 : i32
    %and3A_45 = arith.andi %ne3A_41, %ne3A_44 : i1
    %sub3A_46 = arith.constant 1 : i32
    %sub3A_47 = arith.subi %div3A_26, %sub3A_46 : i32
    %select_n3A_48 = arith.select %and3A_45, %sub3A_47, %div3A_26 : i32
    %mul3A_49 = arith.constant 8 : i32
    %mul3A_50 = arith.muli %select_n3A_48, %mul3A_49 : i32
    %min3A = arith.constant 320000 : i32
    %min3A_51 = arith.minsi %mul3A_50, %min3A : i32
    %jit3A_52 = arith.constant 320000 : i32
    %select_n3A_53 = arith.select %eq3A_23, %min3A_51, %jit3A_52 : i32
    %sub3A_54 = arith.subi %select_n3A_53, %select_n3A_21 : i32
    %add3A_55 = arith.constant 16 : i32
    %add3A_56 = arith.addi %sub3A_54, %add3A_55 : i32
    %sub3A_57 = arith.constant 1 : i32
    %sub3A_58 = arith.subi %add3A_56, %sub3A_57 : i32
    %jit3A_59 = arith.constant 16 : i32
    %div3A_60 = arith.divsi %sub3A_58, %jit3A_59 : i32
    %sign3A_61 = arith.constant 0 : i32
    %sign3A_62 = arith.cmpi sgt, %sub3A_58, %sign3A_61 : i32
    %sign3A_63 = arith.extui %sign3A_62 : i1 to i32
    %sign3A_64 = arith.constant 0 : i32
    %sign3A_65 = arith.cmpi slt, %sub3A_58, %sign3A_64 : i32
    %sign3A_66 = arith.extui %sign3A_65 : i1 to i32
    %sign3A_67 = arith.subi %sign3A_63, %sign3A_66 : i32
    %sign3A_68 = arith.constant 0 : i32
    %sign3A_69 = arith.cmpi sgt, %jit3A_59, %sign3A_68 : i32
    %sign3A_70 = arith.extui %sign3A_69 : i1 to i32
    %sign3A_71 = arith.constant 0 : i32
    %sign3A_72 = arith.cmpi slt, %jit3A_59, %sign3A_71 : i32
    %sign3A_73 = arith.extui %sign3A_72 : i1 to i32
    %sign3A_74 = arith.subi %sign3A_70, %sign3A_73 : i32
    %ne3A_75 = arith.cmpi ne, %sign3A_67, %sign3A_74 : i32
    %rem3A_76 = arith.remsi %sub3A_58, %jit3A_59 : i32
    %ne3A_77 = arith.constant 0 : i32
    %ne3A_78 = arith.cmpi ne, %rem3A_76, %ne3A_77 : i32
    %and3A_79 = arith.andi %ne3A_75, %ne3A_78 : i1
    %sub3A_80 = arith.constant 1 : i32
    %sub3A_81 = arith.subi %div3A_60, %sub3A_80 : i32
    %select_n3A_82 = arith.select %and3A_79, %sub3A_81, %div3A_60 : i32
    %add3A_83 = arith.constant 7 : i32
    %add3A_84 = arith.addi %select_n3A_82, %add3A_83 : i32
    %jit3A_85 = arith.constant 8 : i32
    %div3A_86 = arith.divsi %add3A_84, %jit3A_85 : i32
    %sign3A_87 = arith.constant 0 : i32
    %sign3A_88 = arith.cmpi sgt, %add3A_84, %sign3A_87 : i32
    %sign3A_89 = arith.extui %sign3A_88 : i1 to i32
    %sign3A_90 = arith.constant 0 : i32
    %sign3A_91 = arith.cmpi slt, %add3A_84, %sign3A_90 : i32
    %sign3A_92 = arith.extui %sign3A_91 : i1 to i32
    %sign3A_93 = arith.subi %sign3A_89, %sign3A_92 : i32
    %sign3A_94 = arith.constant 0 : i32
    %sign3A_95 = arith.cmpi sgt, %jit3A_85, %sign3A_94 : i32
    %sign3A_96 = arith.extui %sign3A_95 : i1 to i32
    %sign3A_97 = arith.constant 0 : i32
    %sign3A_98 = arith.cmpi slt, %jit3A_85, %sign3A_97 : i32
    %sign3A_99 = arith.extui %sign3A_98 : i1 to i32
    %sign3A_100 = arith.subi %sign3A_96, %sign3A_99 : i32
    %ne3A_101 = arith.cmpi ne, %sign3A_93, %sign3A_100 : i32
    %rem3A_102 = arith.remsi %add3A_84, %jit3A_85 : i32
    %ne3A_103 = arith.constant 0 : i32
    %ne3A_104 = arith.cmpi ne, %rem3A_102, %ne3A_103 : i32
    %and3A_105 = arith.andi %ne3A_101, %ne3A_104 : i1
    %sub3A_106 = arith.constant 1 : i32
    %sub3A_107 = arith.subi %div3A_86, %sub3A_106 : i32
    %select_n3A_108 = arith.select %and3A_105, %sub3A_107, %div3A_86 : i32
    %mul3A_109 = arith.constant 8 : i32
    %mul3A_110 = arith.muli %select_n3A_108, %mul3A_109 : i32
    %mul3A_111 = arith.muli %arg1, %mul3A_110 : i32
    %add3A_112 = arith.addi %select_n3A_21, %mul3A_111 : i32
    %add3A_113 = arith.addi %add3A_112, %mul3A_110 : i32
    %min3A_114 = arith.minsi %add3A_113, %select_n3A_53 : i32
    %sub3A_115 = arith.subi %min3A_114, %add3A_112 : i32
    %add3A_116 = arith.constant 48 : i32
    %add3A_117 = arith.addi %sub3A_115, %add3A_116 : i32
    %sub3A_118 = arith.constant 1 : i32
    %sub3A_119 = arith.subi %add3A_117, %sub3A_118 : i32
    %jit3A_120 = arith.constant 48 : i32
    %div3A_121 = arith.divsi %sub3A_119, %jit3A_120 : i32
    %sign3A_122 = arith.constant 0 : i32
    %sign3A_123 = arith.cmpi sgt, %sub3A_119, %sign3A_122 : i32
    %sign3A_124 = arith.extui %sign3A_123 : i1 to i32
    %sign3A_125 = arith.constant 0 : i32
    %sign3A_126 = arith.cmpi slt, %sub3A_119, %sign3A_125 : i32
    %sign3A_127 = arith.extui %sign3A_126 : i1 to i32
    %sign3A_128 = arith.subi %sign3A_124, %sign3A_127 : i32
    %sign3A_129 = arith.constant 0 : i32
    %sign3A_130 = arith.cmpi sgt, %jit3A_120, %sign3A_129 : i32
    %sign3A_131 = arith.extui %sign3A_130 : i1 to i32
    %sign3A_132 = arith.constant 0 : i32
    %sign3A_133 = arith.cmpi slt, %jit3A_120, %sign3A_132 : i32
    %sign3A_134 = arith.extui %sign3A_133 : i1 to i32
    %sign3A_135 = arith.subi %sign3A_131, %sign3A_134 : i32
    %ne3A_136 = arith.cmpi ne, %sign3A_128, %sign3A_135 : i32
    %rem3A_137 = arith.remsi %sub3A_119, %jit3A_120 : i32
    %ne3A_138 = arith.constant 0 : i32
    %ne3A_139 = arith.cmpi ne, %rem3A_137, %ne3A_138 : i32
    %and3A_140 = arith.andi %ne3A_136, %ne3A_139 : i1
    %sub3A_141 = arith.constant 1 : i32
    %sub3A_142 = arith.subi %div3A_121, %sub3A_141 : i32
    %select_n3A_143 = arith.select %and3A_140, %sub3A_142, %div3A_121 : i32
    %max3A = arith.constant 0 : i32
    %max3A_144 = arith.maxsi %select_n3A_143, %max3A : i32
    %mul3A_145 = arith.constant 5000 : i32
    %mul3A_146 = arith.muli %arg0, %mul3A_145 : i32
    %gt3A = arith.constant 0 : i32
    %gt3A_147 = arith.cmpi sgt, %max3A_144, %gt3A : i32
    %convert_element_type3A = arith.extui %gt3A_147 : i1 to i32
    %cond3A = arith.constant 0 : i32
    %cond3A_148 = arith.cmpi ne, %convert_element_type3A, %cond3A : i32
    scf.if %cond3A_148 {
      %add3A_247 = arith.constant 0 : i32
      %add3A_248 = arith.addi %add3A_112, %add3A_247 : i32
      %min3A_249 = arith.constant 319952 : i32
      %min3A_250 = arith.minsi %add3A_248, %min3A_249 : i32
      %multiple_of3A_251 = tpu.assume_multiple %min3A_250, 8 : i32
      %dma_start3A = tpu.memref_slice %arg3[%multiple_of3A_251] : memref<320000xi32, #tpu.memory_space<hbm>> -> memref<48xi32, #tpu.memory_space<hbm>>
      %dma_start3A_252 = tpu.memref_slice %arg3[%multiple_of3A_251] : memref<320000xi32, #tpu.memory_space<hbm>> -> memref<48xi32, #tpu.memory_space<hbm>>
      tpu.enqueue_dma source(%dma_start3A_252 : memref<48xi32, #tpu.memory_space<hbm>>) target(%arg7 : memref<48xi32, #tpu.memory_space<vmem>>) target_semaphore(%arg23 : memref<!tpu.dma_semaphore, #tpu.memory_space<semaphore_mem>>)
      %dma_start3A_253 = arith.constant 0 : i32
      %dma_start3A_254 = tpu.memref_slice %arg2[%multiple_of3A_251, %dma_start3A_253] : memref<320000x128xf32, #tpu.memory_space<hbm>> -> memref<48x128xf32, #tpu.memory_space<hbm>>
      %dma_start3A_255 = arith.constant 0 : i32
      %dma_start3A_256 = tpu.memref_slice %arg2[%multiple_of3A_251, %dma_start3A_255] : memref<320000x128xf32, #tpu.memory_space<hbm>> -> memref<48x128xf32, #tpu.memory_space<hbm>>
      tpu.enqueue_dma source(%dma_start3A_256 : memref<48x128xf32, #tpu.memory_space<hbm>>) target(%arg15 : memref<48x128xf32, #tpu.memory_space<vmem>>) target_semaphore(%arg31 : memref<!tpu.dma_semaphore, #tpu.memory_space<semaphore_mem>>)
    } else {
    }
    %gt3A_149 = arith.constant 1 : i32
    %gt3A_150 = arith.cmpi sgt, %max3A_144, %gt3A_149 : i32
    %convert_element_type3A_151 = arith.extui %gt3A_150 : i1 to i32
    %cond3A_152 = arith.constant 0 : i32
    %cond3A_153 = arith.cmpi ne, %convert_element_type3A_151, %cond3A_152 : i32
    scf.if %cond3A_153 {
      %add3A_247 = arith.constant 48 : i32
      %add3A_248 = arith.addi %add3A_112, %add3A_247 : i32
      %min3A_249 = arith.constant 319952 : i32
      %min3A_250 = arith.minsi %add3A_248, %min3A_249 : i32
      %multiple_of3A_251 = tpu.assume_multiple %min3A_250, 8 : i32
      %dma_start3A = tpu.memref_slice %arg3[%multiple_of3A_251] : memref<320000xi32, #tpu.memory_space<hbm>> -> memref<48xi32, #tpu.memory_space<hbm>>
      %dma_start3A_252 = tpu.memref_slice %arg3[%multiple_of3A_251] : memref<320000xi32, #tpu.memory_space<hbm>> -> memref<48xi32, #tpu.memory_space<hbm>>
      tpu.enqueue_dma source(%dma_start3A_252 : memref<48xi32, #tpu.memory_space<hbm>>) target(%arg8 : memref<48xi32, #tpu.memory_space<vmem>>) target_semaphore(%arg24 : memref<!tpu.dma_semaphore, #tpu.memory_space<semaphore_mem>>)
      %dma_start3A_253 = arith.constant 0 : i32
      %dma_start3A_254 = tpu.memref_slice %arg2[%multiple_of3A_251, %dma_start3A_253] : memref<320000x128xf32, #tpu.memory_space<hbm>> -> memref<48x128xf32, #tpu.memory_space<hbm>>
      %dma_start3A_255 = arith.constant 0 : i32
      %dma_start3A_256 = tpu.memref_slice %arg2[%multiple_of3A_251, %dma_start3A_255] : memref<320000x128xf32, #tpu.memory_space<hbm>> -> memref<48x128xf32, #tpu.memory_space<hbm>>
      tpu.enqueue_dma source(%dma_start3A_256 : memref<48x128xf32, #tpu.memory_space<hbm>>) target(%arg16 : memref<48x128xf32, #tpu.memory_space<vmem>>) target_semaphore(%arg32 : memref<!tpu.dma_semaphore, #tpu.memory_space<semaphore_mem>>)
    } else {
    }
    %gt3A_154 = arith.constant 2 : i32
    %gt3A_155 = arith.cmpi sgt, %max3A_144, %gt3A_154 : i32
    %convert_element_type3A_156 = arith.extui %gt3A_155 : i1 to i32
    %cond3A_157 = arith.constant 0 : i32
    %cond3A_158 = arith.cmpi ne, %convert_element_type3A_156, %cond3A_157 : i32
    scf.if %cond3A_158 {
      %add3A_247 = arith.constant 96 : i32
      %add3A_248 = arith.addi %add3A_112, %add3A_247 : i32
      %min3A_249 = arith.constant 319952 : i32
      %min3A_250 = arith.minsi %add3A_248, %min3A_249 : i32
      %multiple_of3A_251 = tpu.assume_multiple %min3A_250, 8 : i32
      %dma_start3A = tpu.memref_slice %arg3[%multiple_of3A_251] : memref<320000xi32, #tpu.memory_space<hbm>> -> memref<48xi32, #tpu.memory_space<hbm>>
      %dma_start3A_252 = tpu.memref_slice %arg3[%multiple_of3A_251] : memref<320000xi32, #tpu.memory_space<hbm>> -> memref<48xi32, #tpu.memory_space<hbm>>
      tpu.enqueue_dma source(%dma_start3A_252 : memref<48xi32, #tpu.memory_space<hbm>>) target(%arg9 : memref<48xi32, #tpu.memory_space<vmem>>) target_semaphore(%arg25 : memref<!tpu.dma_semaphore, #tpu.memory_space<semaphore_mem>>)
      %dma_start3A_253 = arith.constant 0 : i32
      %dma_start3A_254 = tpu.memref_slice %arg2[%multiple_of3A_251, %dma_start3A_253] : memref<320000x128xf32, #tpu.memory_space<hbm>> -> memref<48x128xf32, #tpu.memory_space<hbm>>
      %dma_start3A_255 = arith.constant 0 : i32
      %dma_start3A_256 = tpu.memref_slice %arg2[%multiple_of3A_251, %dma_start3A_255] : memref<320000x128xf32, #tpu.memory_space<hbm>> -> memref<48x128xf32, #tpu.memory_space<hbm>>
      tpu.enqueue_dma source(%dma_start3A_256 : memref<48x128xf32, #tpu.memory_space<hbm>>) target(%arg17 : memref<48x128xf32, #tpu.memory_space<vmem>>) target_semaphore(%arg33 : memref<!tpu.dma_semaphore, #tpu.memory_space<semaphore_mem>>)
    } else {
    }
    %gt3A_159 = arith.constant 3 : i32
    %gt3A_160 = arith.cmpi sgt, %max3A_144, %gt3A_159 : i32
    %convert_element_type3A_161 = arith.extui %gt3A_160 : i1 to i32
    %cond3A_162 = arith.constant 0 : i32
    %cond3A_163 = arith.cmpi ne, %convert_element_type3A_161, %cond3A_162 : i32
    scf.if %cond3A_163 {
      %add3A_247 = arith.constant 144 : i32
      %add3A_248 = arith.addi %add3A_112, %add3A_247 : i32
      %min3A_249 = arith.constant 319952 : i32
      %min3A_250 = arith.minsi %add3A_248, %min3A_249 : i32
      %multiple_of3A_251 = tpu.assume_multiple %min3A_250, 8 : i32
      %dma_start3A = tpu.memref_slice %arg3[%multiple_of3A_251] : memref<320000xi32, #tpu.memory_space<hbm>> -> memref<48xi32, #tpu.memory_space<hbm>>
      %dma_start3A_252 = tpu.memref_slice %arg3[%multiple_of3A_251] : memref<320000xi32, #tpu.memory_space<hbm>> -> memref<48xi32, #tpu.memory_space<hbm>>
      tpu.enqueue_dma source(%dma_start3A_252 : memref<48xi32, #tpu.memory_space<hbm>>) target(%arg10 : memref<48xi32, #tpu.memory_space<vmem>>) target_semaphore(%arg26 : memref<!tpu.dma_semaphore, #tpu.memory_space<semaphore_mem>>)
      %dma_start3A_253 = arith.constant 0 : i32
      %dma_start3A_254 = tpu.memref_slice %arg2[%multiple_of3A_251, %dma_start3A_253] : memref<320000x128xf32, #tpu.memory_space<hbm>> -> memref<48x128xf32, #tpu.memory_space<hbm>>
      %dma_start3A_255 = arith.constant 0 : i32
      %dma_start3A_256 = tpu.memref_slice %arg2[%multiple_of3A_251, %dma_start3A_255] : memref<320000x128xf32, #tpu.memory_space<hbm>> -> memref<48x128xf32, #tpu.memory_space<hbm>>
      tpu.enqueue_dma source(%dma_start3A_256 : memref<48x128xf32, #tpu.memory_space<hbm>>) target(%arg18 : memref<48x128xf32, #tpu.memory_space<vmem>>) target_semaphore(%arg34 : memref<!tpu.dma_semaphore, #tpu.memory_space<semaphore_mem>>)
    } else {
    }
    %gt3A_164 = arith.constant 4 : i32
    %gt3A_165 = arith.cmpi sgt, %max3A_144, %gt3A_164 : i32
    %convert_element_type3A_166 = arith.extui %gt3A_165 : i1 to i32
    %cond3A_167 = arith.constant 0 : i32
    %cond3A_168 = arith.cmpi ne, %convert_element_type3A_166, %cond3A_167 : i32
    scf.if %cond3A_168 {
      %add3A_247 = arith.constant 192 : i32
      %add3A_248 = arith.addi %add3A_112, %add3A_247 : i32
      %min3A_249 = arith.constant 319952 : i32
      %min3A_250 = arith.minsi %add3A_248, %min3A_249 : i32
      %multiple_of3A_251 = tpu.assume_multiple %min3A_250, 8 : i32
      %dma_start3A = tpu.memref_slice %arg3[%multiple_of3A_251] : memref<320000xi32, #tpu.memory_space<hbm>> -> memref<48xi32, #tpu.memory_space<hbm>>
      %dma_start3A_252 = tpu.memref_slice %arg3[%multiple_of3A_251] : memref<320000xi32, #tpu.memory_space<hbm>> -> memref<48xi32, #tpu.memory_space<hbm>>
      tpu.enqueue_dma source(%dma_start3A_252 : memref<48xi32, #tpu.memory_space<hbm>>) target(%arg11 : memref<48xi32, #tpu.memory_space<vmem>>) target_semaphore(%arg27 : memref<!tpu.dma_semaphore, #tpu.memory_space<semaphore_mem>>)
      %dma_start3A_253 = arith.constant 0 : i32
      %dma_start3A_254 = tpu.memref_slice %arg2[%multiple_of3A_251, %dma_start3A_253] : memref<320000x128xf32, #tpu.memory_space<hbm>> -> memref<48x128xf32, #tpu.memory_space<hbm>>
      %dma_start3A_255 = arith.constant 0 : i32
      %dma_start3A_256 = tpu.memref_slice %arg2[%multiple_of3A_251, %dma_start3A_255] : memref<320000x128xf32, #tpu.memory_space<hbm>> -> memref<48x128xf32, #tpu.memory_space<hbm>>
      tpu.enqueue_dma source(%dma_start3A_256 : memref<48x128xf32, #tpu.memory_space<hbm>>) target(%arg19 : memref<48x128xf32, #tpu.memory_space<vmem>>) target_semaphore(%arg35 : memref<!tpu.dma_semaphore, #tpu.memory_space<semaphore_mem>>)
    } else {
    }
    %gt3A_169 = arith.constant 5 : i32
    %gt3A_170 = arith.cmpi sgt, %max3A_144, %gt3A_169 : i32
    %convert_element_type3A_171 = arith.extui %gt3A_170 : i1 to i32
    %cond3A_172 = arith.constant 0 : i32
    %cond3A_173 = arith.cmpi ne, %convert_element_type3A_171, %cond3A_172 : i32
    scf.if %cond3A_173 {
      %add3A_247 = arith.constant 240 : i32
      %add3A_248 = arith.addi %add3A_112, %add3A_247 : i32
      %min3A_249 = arith.constant 319952 : i32
      %min3A_250 = arith.minsi %add3A_248, %min3A_249 : i32
      %multiple_of3A_251 = tpu.assume_multiple %min3A_250, 8 : i32
      %dma_start3A = tpu.memref_slice %arg3[%multiple_of3A_251] : memref<320000xi32, #tpu.memory_space<hbm>> -> memref<48xi32, #tpu.memory_space<hbm>>
      %dma_start3A_252 = tpu.memref_slice %arg3[%multiple_of3A_251] : memref<320000xi32, #tpu.memory_space<hbm>> -> memref<48xi32, #tpu.memory_space<hbm>>
      tpu.enqueue_dma source(%dma_start3A_252 : memref<48xi32, #tpu.memory_space<hbm>>) target(%arg12 : memref<48xi32, #tpu.memory_space<vmem>>) target_semaphore(%arg28 : memref<!tpu.dma_semaphore, #tpu.memory_space<semaphore_mem>>)
      %dma_start3A_253 = arith.constant 0 : i32
      %dma_start3A_254 = tpu.memref_slice %arg2[%multiple_of3A_251, %dma_start3A_253] : memref<320000x128xf32, #tpu.memory_space<hbm>> -> memref<48x128xf32, #tpu.memory_space<hbm>>
      %dma_start3A_255 = arith.constant 0 : i32
      %dma_start3A_256 = tpu.memref_slice %arg2[%multiple_of3A_251, %dma_start3A_255] : memref<320000x128xf32, #tpu.memory_space<hbm>> -> memref<48x128xf32, #tpu.memory_space<hbm>>
      tpu.enqueue_dma source(%dma_start3A_256 : memref<48x128xf32, #tpu.memory_space<hbm>>) target(%arg20 : memref<48x128xf32, #tpu.memory_space<vmem>>) target_semaphore(%arg36 : memref<!tpu.dma_semaphore, #tpu.memory_space<semaphore_mem>>)
    } else {
    }
    %gt3A_174 = arith.constant 6 : i32
    %gt3A_175 = arith.cmpi sgt, %max3A_144, %gt3A_174 : i32
    %convert_element_type3A_176 = arith.extui %gt3A_175 : i1 to i32
    %cond3A_177 = arith.constant 0 : i32
    %cond3A_178 = arith.cmpi ne, %convert_element_type3A_176, %cond3A_177 : i32
    scf.if %cond3A_178 {
      %add3A_247 = arith.constant 288 : i32
      %add3A_248 = arith.addi %add3A_112, %add3A_247 : i32
      %min3A_249 = arith.constant 319952 : i32
      %min3A_250 = arith.minsi %add3A_248, %min3A_249 : i32
      %multiple_of3A_251 = tpu.assume_multiple %min3A_250, 8 : i32
      %dma_start3A = tpu.memref_slice %arg3[%multiple_of3A_251] : memref<320000xi32, #tpu.memory_space<hbm>> -> memref<48xi32, #tpu.memory_space<hbm>>
      %dma_start3A_252 = tpu.memref_slice %arg3[%multiple_of3A_251] : memref<320000xi32, #tpu.memory_space<hbm>> -> memref<48xi32, #tpu.memory_space<hbm>>
      tpu.enqueue_dma source(%dma_start3A_252 : memref<48xi32, #tpu.memory_space<hbm>>) target(%arg13 : memref<48xi32, #tpu.memory_space<vmem>>) target_semaphore(%arg29 : memref<!tpu.dma_semaphore, #tpu.memory_space<semaphore_mem>>)
      %dma_start3A_253 = arith.constant 0 : i32
      %dma_start3A_254 = tpu.memref_slice %arg2[%multiple_of3A_251, %dma_start3A_253] : memref<320000x128xf32, #tpu.memory_space<hbm>> -> memref<48x128xf32, #tpu.memory_space<hbm>>
      %dma_start3A_255 = arith.constant 0 : i32
      %dma_start3A_256 = tpu.memref_slice %arg2[%multiple_of3A_251, %dma_start3A_255] : memref<320000x128xf32, #tpu.memory_space<hbm>> -> memref<48x128xf32, #tpu.memory_space<hbm>>
      tpu.enqueue_dma source(%dma_start3A_256 : memref<48x128xf32, #tpu.memory_space<hbm>>) target(%arg21 : memref<48x128xf32, #tpu.memory_space<vmem>>) target_semaphore(%arg37 : memref<!tpu.dma_semaphore, #tpu.memory_space<semaphore_mem>>)
    } else {
    }
    %gt3A_179 = arith.constant 7 : i32
    %gt3A_180 = arith.cmpi sgt, %max3A_144, %gt3A_179 : i32
    %convert_element_type3A_181 = arith.extui %gt3A_180 : i1 to i32
    %cond3A_182 = arith.constant 0 : i32
    %cond3A_183 = arith.cmpi ne, %convert_element_type3A_181, %cond3A_182 : i32
    scf.if %cond3A_183 {
      %add3A_247 = arith.constant 336 : i32
      %add3A_248 = arith.addi %add3A_112, %add3A_247 : i32
      %min3A_249 = arith.constant 319952 : i32
      %min3A_250 = arith.minsi %add3A_248, %min3A_249 : i32
      %multiple_of3A_251 = tpu.assume_multiple %min3A_250, 8 : i32
      %dma_start3A = tpu.memref_slice %arg3[%multiple_of3A_251] : memref<320000xi32, #tpu.memory_space<hbm>> -> memref<48xi32, #tpu.memory_space<hbm>>
      %dma_start3A_252 = tpu.memref_slice %arg3[%multiple_of3A_251] : memref<320000xi32, #tpu.memory_space<hbm>> -> memref<48xi32, #tpu.memory_space<hbm>>
      tpu.enqueue_dma source(%dma_start3A_252 : memref<48xi32, #tpu.memory_space<hbm>>) target(%arg14 : memref<48xi32, #tpu.memory_space<vmem>>) target_semaphore(%arg30 : memref<!tpu.dma_semaphore, #tpu.memory_space<semaphore_mem>>)
      %dma_start3A_253 = arith.constant 0 : i32
      %dma_start3A_254 = tpu.memref_slice %arg2[%multiple_of3A_251, %dma_start3A_253] : memref<320000x128xf32, #tpu.memory_space<hbm>> -> memref<48x128xf32, #tpu.memory_space<hbm>>
      %dma_start3A_255 = arith.constant 0 : i32
      %dma_start3A_256 = tpu.memref_slice %arg2[%multiple_of3A_251, %dma_start3A_255] : memref<320000x128xf32, #tpu.memory_space<hbm>> -> memref<48x128xf32, #tpu.memory_space<hbm>>
      tpu.enqueue_dma source(%dma_start3A_256 : memref<48x128xf32, #tpu.memory_space<hbm>>) target(%arg22 : memref<48x128xf32, #tpu.memory_space<vmem>>) target_semaphore(%arg38 : memref<!tpu.dma_semaphore, #tpu.memory_space<semaphore_mem>>)
    } else {
    }
    %mul3A_184 = arith.constant 312 : i32
    %mul3A_185 = arith.muli %arg1, %mul3A_184 : i32
    %multiple_of3A = tpu.assume_multiple %mul3A_185, 8 : i32
    %mul3A_186 = arith.constant 312 : i32
    %mul3A_187 = arith.muli %arg1, %mul3A_186 : i32
    %add3A_188 = arith.addi %mul3A_146, %mul3A_187 : i32
    %multiple_of3A_189 = tpu.assume_multiple %add3A_188, 8 : i32
    %lt3A = arith.constant 15 : i32
    %lt3A_190 = arith.cmpi slt, %arg1, %lt3A : i32
    %convert_element_type3A_191 = arith.extui %lt3A_190 : i1 to i32
    %cond3A_192 = arith.constant 0 : i32
    %cond3A_193 = arith.cmpi ne, %convert_element_type3A_191, %cond3A_192 : i32
    scf.if %cond3A_193 {
      "tpu.region"() ({
        %run_scoped3A = tpu.sem_alloc : memref<!tpu.dma_semaphore, #tpu.memory_space<semaphore_mem>>
        %dma_start3A = arith.constant 0 : i32
        %dma_start3A_247 = tpu.memref_slice %arg40[%multiple_of3A, %dma_start3A] : memref<5008x128xf32, #tpu.memory_space<vmem_shared>> -> memref<312x128xf32, #tpu.memory_space<vmem_shared>>
        %dma_start3A_248 = arith.constant 0 : i32
        %dma_start3A_249 = tpu.memref_slice %arg5[%multiple_of3A_189, %dma_start3A_248] : memref<10000x128xf32, #tpu.memory_space<hbm>> -> memref<312x128xf32, #tpu.memory_space<hbm>>
        tpu.enqueue_dma source(%dma_start3A_249 : memref<312x128xf32, #tpu.memory_space<hbm>>) target(%dma_start3A_247 : memref<312x128xf32, #tpu.memory_space<vmem_shared>>) target_semaphore(%run_scoped3A : memref<!tpu.dma_semaphore, #tpu.memory_space<semaphore_mem>>)
        %dma_wait3A = arith.constant 0 : i32
        %dma_wait3A_250 = tpu.memref_slice %arg40[%multiple_of3A, %dma_wait3A] : memref<5008x128xf32, #tpu.memory_space<vmem_shared>> -> memref<312x128xf32, #tpu.memory_space<vmem_shared>>
        %dma_wait3A_251 = arith.constant 0 : i32
        %dma_wait3A_252 = tpu.memref_slice %arg5[%multiple_of3A_189, %dma_wait3A_251] : memref<10000x128xf32, #tpu.memory_space<hbm>> -> memref<312x128xf32, #tpu.memory_space<hbm>>
        tpu.wait_dma2 semaphore(%run_scoped3A : memref<!tpu.dma_semaphore, #tpu.memory_space<semaphore_mem>>) src(%dma_wait3A_252 : memref<312x128xf32, #tpu.memory_space<hbm>>) dst(%dma_wait3A_250 : memref<312x128xf32, #tpu.memory_space<vmem_shared>>)
        tpu.yield
      }) : () -> ()
    } else {
    }
    %eq3A_194 = arith.constant 15 : i32
    %eq3A_195 = arith.cmpi eq, %arg1, %eq3A_194 : i32
    %convert_element_type3A_196 = arith.extui %eq3A_195 : i1 to i32
    %cond3A_197 = arith.constant 0 : i32
    %cond3A_198 = arith.cmpi ne, %convert_element_type3A_196, %cond3A_197 : i32
    scf.if %cond3A_198 {
      %add3A_247 = arith.constant 4680 : i32
      %add3A_248 = arith.addi %mul3A_146, %add3A_247 : i32
      %multiple_of3A_249 = tpu.assume_multiple %add3A_248, 8 : i32
      "tpu.region"() ({
        %run_scoped3A = tpu.sem_alloc : memref<!tpu.dma_semaphore, #tpu.memory_space<semaphore_mem>>
        %dma_start3A = arith.constant 4680 : i32
        %dma_start3A_250 = arith.constant 0 : i32
        %dma_start3A_251 = tpu.memref_slice %arg40[%dma_start3A, %dma_start3A_250] : memref<5008x128xf32, #tpu.memory_space<vmem_shared>> -> memref<320x128xf32, #tpu.memory_space<vmem_shared>>
        %dma_start3A_252 = arith.constant 0 : i32
        %dma_start3A_253 = tpu.memref_slice %arg5[%multiple_of3A_249, %dma_start3A_252] : memref<10000x128xf32, #tpu.memory_space<hbm>> -> memref<320x128xf32, #tpu.memory_space<hbm>>
        tpu.enqueue_dma source(%dma_start3A_253 : memref<320x128xf32, #tpu.memory_space<hbm>>) target(%dma_start3A_251 : memref<320x128xf32, #tpu.memory_space<vmem_shared>>) target_semaphore(%run_scoped3A : memref<!tpu.dma_semaphore, #tpu.memory_space<semaphore_mem>>)
        %dma_wait3A = arith.constant 4680 : i32
        %dma_wait3A_254 = arith.constant 0 : i32
        %dma_wait3A_255 = tpu.memref_slice %arg40[%dma_wait3A, %dma_wait3A_254] : memref<5008x128xf32, #tpu.memory_space<vmem_shared>> -> memref<320x128xf32, #tpu.memory_space<vmem_shared>>
        %dma_wait3A_256 = arith.constant 0 : i32
        %dma_wait3A_257 = tpu.memref_slice %arg5[%multiple_of3A_249, %dma_wait3A_256] : memref<10000x128xf32, #tpu.memory_space<hbm>> -> memref<320x128xf32, #tpu.memory_space<hbm>>
        tpu.wait_dma2 semaphore(%run_scoped3A : memref<!tpu.dma_semaphore, #tpu.memory_space<semaphore_mem>>) src(%dma_wait3A_257 : memref<320x128xf32, #tpu.memory_space<hbm>>) dst(%dma_wait3A_255 : memref<320x128xf32, #tpu.memory_space<vmem_shared>>)
        tpu.yield
      }) : () -> ()
    } else {
    }
    %barrier3A = arith.constant 0 : index
    tpu.barrier barrier_id(%barrier3A)
    %add3A_199 = arith.constant 8 : i32
    %add3A_200 = arith.addi %max3A_144, %add3A_199 : i32
    %sub3A_201 = arith.constant 1 : i32
    %sub3A_202 = arith.subi %add3A_200, %sub3A_201 : i32
    %jit3A_203 = arith.constant 8 : i32
    %div3A_204 = arith.divsi %sub3A_202, %jit3A_203 : i32
    %sign3A_205 = arith.constant 0 : i32
    %sign3A_206 = arith.cmpi sgt, %sub3A_202, %sign3A_205 : i32
    %sign3A_207 = arith.extui %sign3A_206 : i1 to i32
    %sign3A_208 = arith.constant 0 : i32
    %sign3A_209 = arith.cmpi slt, %sub3A_202, %sign3A_208 : i32
    %sign3A_210 = arith.extui %sign3A_209 : i1 to i32
    %sign3A_211 = arith.subi %sign3A_207, %sign3A_210 : i32
    %sign3A_212 = arith.constant 0 : i32
    %sign3A_213 = arith.cmpi sgt, %jit3A_203, %sign3A_212 : i32
    %sign3A_214 = arith.extui %sign3A_213 : i1 to i32
    %sign3A_215 = arith.constant 0 : i32
    %sign3A_216 = arith.cmpi slt, %jit3A_203, %sign3A_215 : i32
    %sign3A_217 = arith.extui %sign3A_216 : i1 to i32
    %sign3A_218 = arith.subi %sign3A_214, %sign3A_217 : i32
    %ne3A_219 = arith.cmpi ne, %sign3A_211, %sign3A_218 : i32
    %rem3A_220 = arith.remsi %sub3A_202, %jit3A_203 : i32
    %ne3A_221 = arith.constant 0 : i32
    %ne3A_222 = arith.cmpi ne, %rem3A_220, %ne3A_221 : i32
    %and3A_223 = arith.andi %ne3A_219, %ne3A_222 : i1
    %sub3A_224 = arith.constant 1 : i32
    %sub3A_225 = arith.subi %div3A_204, %sub3A_224 : i32
    %select_n3A_226 = arith.select %and3A_223, %sub3A_225, %div3A_204 : i32
    %while3A = arith.constant 0 : i32
    %while3A_227 = arith.constant 0 : i32
    %while3A_228 = arith.subi %select_n3A_226, %while3A_227 : i32
    %while3A_229 = arith.addi %while3A_227, %while3A_228 : i32
    %while3A_230 = arith.constant 1 : i32
    %while3A_231 = arith.divsi %while3A_228, %while3A_230 : i32
    %while3A_232 = arith.muli %while3A_231, %while3A_230 : i32
    %while3A_233 = arith.addi %while3A_227, %while3A_232 : i32
    %while3A_234 = arith.constant 1 : i32
    scf.for %while3A_247 = %while3A_227 to %while3A_233 step %while3A_234  : i32 {
      %mul3A_248 = arith.constant 8 : i32
      %mul3A_249 = arith.muli %while3A_247, %mul3A_248 : i32
      %add3A_250 = arith.constant 0 : i32
      %add3A_251 = arith.addi %mul3A_249, %add3A_250 : i32
      %lt3A_252 = arith.cmpi slt, %add3A_251, %max3A_144 : i32
      %convert_element_type3A_253 = arith.extui %lt3A_252 : i1 to i32
      %cond3A_254 = arith.constant 0 : i32
      %cond3A_255 = arith.cmpi ne, %convert_element_type3A_253, %cond3A_254 : i32
      scf.if %cond3A_255 {
        %mul3A_312 = arith.constant 8 : i32
        %mul3A_313 = arith.muli %while3A_247, %mul3A_312 : i32
        %add3A_314 = arith.constant 0 : i32
        %add3A_315 = arith.addi %mul3A_313, %add3A_314 : i32
        %mul3A_316 = arith.constant 48 : i32
        %mul3A_317 = arith.muli %add3A_315, %mul3A_316 : i32
        %add3A_318 = arith.addi %add3A_112, %mul3A_317 : i32
        %min3A_319 = arith.constant 319952 : i32
        %min3A_320 = arith.minsi %add3A_318, %min3A_319 : i32
        %multiple_of3A_321 = tpu.assume_multiple %min3A_320, 8 : i32
        %mul3A_322 = arith.constant 48 : i32
        %mul3A_323 = arith.muli %add3A_315, %mul3A_322 : i32
        %add3A_324 = arith.addi %add3A_112, %mul3A_323 : i32
        %dma_wait3A = tpu.memref_slice %arg3[%multiple_of3A_321] : memref<320000xi32, #tpu.memory_space<hbm>> -> memref<48xi32, #tpu.memory_space<hbm>>
        %dma_wait3A_325 = tpu.memref_slice %arg3[%multiple_of3A_321] : memref<320000xi32, #tpu.memory_space<hbm>> -> memref<48xi32, #tpu.memory_space<hbm>>
        tpu.wait_dma2 semaphore(%arg23 : memref<!tpu.dma_semaphore, #tpu.memory_space<semaphore_mem>>) src(%dma_wait3A_325 : memref<48xi32, #tpu.memory_space<hbm>>) dst(%arg7 : memref<48xi32, #tpu.memory_space<vmem>>)
        %dma_wait3A_326 = arith.constant 0 : i32
        %dma_wait3A_327 = tpu.memref_slice %arg2[%multiple_of3A_321, %dma_wait3A_326] : memref<320000x128xf32, #tpu.memory_space<hbm>> -> memref<48x128xf32, #tpu.memory_space<hbm>>
        %dma_wait3A_328 = arith.constant 0 : i32
        %dma_wait3A_329 = tpu.memref_slice %arg2[%multiple_of3A_321, %dma_wait3A_328] : memref<320000x128xf32, #tpu.memory_space<hbm>> -> memref<48x128xf32, #tpu.memory_space<hbm>>
        tpu.wait_dma2 semaphore(%arg31 : memref<!tpu.dma_semaphore, #tpu.memory_space<semaphore_mem>>) src(%dma_wait3A_329 : memref<48x128xf32, #tpu.memory_space<hbm>>) dst(%arg15 : memref<48x128xf32, #tpu.memory_space<vmem>>)
        %add3A_330 = arith.constant 48 : i32
        %add3A_331 = arith.addi %add3A_324, %add3A_330 : i32
        %min3A_332 = arith.minsi %add3A_331, %min3A_114 : i32
        %add3A_333 = arith.constant 0 : i32
        %add3A_334 = arith.addi %multiple_of3A_321, %add3A_333 : i32
        %iota3A = tpu.iota {dimensions = array<i32: 0>} : vector<16xi32>
        %add3A_335 = vector.broadcast %add3A_334 : i32 to vector<16xi32>
        %add3A_336 = arith.addi %add3A_335, %iota3A : vector<16xi32>
        %get3A_337 = arith.constant 0 : index
        %get3A_338 = tpu.vector_load %arg7[%get3A_337] {strides = array<i32>} : memref<48xi32, #tpu.memory_space<vmem>>, vector<16xi32>,
        %get3A_339 = vector.shape_cast %get3A_338 : vector<16xi32> to vector<16xi32>
        %sub3A_340 = vector.broadcast %mul3A_146 : i32 to vector<16xi32>
        %sub3A_341 = arith.subi %get3A_339, %sub3A_340 : vector<16xi32>
        %ge3A = arith.constant 0 : i32
        %ge3A_342 = vector.broadcast %ge3A : i32 to vector<16xi32>
        %ge3A_343 = arith.cmpi sge, %sub3A_341, %ge3A_342 : vector<16xi32>
        %lt3A_344 = arith.constant 5000 : i32
        %lt3A_345 = vector.broadcast %lt3A_344 : i32 to vector<16xi32>
        %lt3A_346 = arith.cmpi slt, %sub3A_341, %lt3A_345 : vector<16xi32>
        %and3A_347 = arith.andi %ge3A_343, %lt3A_346 : vector<16xi1>
        %ge3A_348 = vector.broadcast %add3A_324 : i32 to vector<16xi32>
        %ge3A_349 = arith.cmpi sge, %add3A_336, %ge3A_348 : vector<16xi32>
        %and3A_350 = arith.andi %and3A_347, %ge3A_349 : vector<16xi1>
        %lt3A_351 = vector.broadcast %min3A_332 : i32 to vector<16xi32>
        %lt3A_352 = arith.cmpi slt, %add3A_336, %lt3A_351 : vector<16xi32>
        %and3A_353 = arith.andi %and3A_350, %lt3A_352 : vector<16xi1>
        %jit3A_354 = arith.constant 5000 : i32
        %broadcast_in_dim3A = vector.broadcast %jit3A_354 : i32 to vector<16xi32>
        %select_n3A_355 = arith.select %and3A_353, %sub3A_341, %broadcast_in_dim3A : vector<16xi1>, vector<16xi32>
        %swap3A = arith.constant 0 : index
        %swap3A_356 = tpu.vector_load %arg7[%swap3A] {strides = array<i32>} : memref<48xi32, #tpu.memory_space<vmem>>, vector<16xi32>,
        %swap3A_357 = vector.shape_cast %swap3A_356 : vector<16xi32> to vector<16xi32>
        %swap3A_358 = vector.shape_cast %select_n3A_355 : vector<16xi32> to vector<16xi32>
        tpu.vector_store %arg7[%swap3A], %swap3A_358 {strides = array<i32>} : memref<48xi32, #tpu.memory_space<vmem>>, vector<16xi32>,
        %add3A_359 = arith.constant 16 : i32
        %add3A_360 = arith.addi %multiple_of3A_321, %add3A_359 : i32
        %iota3A_361 = tpu.iota {dimensions = array<i32: 0>} : vector<16xi32>
        %add3A_362 = vector.broadcast %add3A_360 : i32 to vector<16xi32>
        %add3A_363 = arith.addi %add3A_362, %iota3A_361 : vector<16xi32>
        %get3A_364 = arith.constant 16 : index
        %get3A_365 = tpu.vector_load %arg7[%get3A_364] {strides = array<i32>} : memref<48xi32, #tpu.memory_space<vmem>>, vector<16xi32>,
        %get3A_366 = vector.shape_cast %get3A_365 : vector<16xi32> to vector<16xi32>
        %sub3A_367 = vector.broadcast %mul3A_146 : i32 to vector<16xi32>
        %sub3A_368 = arith.subi %get3A_366, %sub3A_367 : vector<16xi32>
        %ge3A_369 = arith.constant 0 : i32
        %ge3A_370 = vector.broadcast %ge3A_369 : i32 to vector<16xi32>
        %ge3A_371 = arith.cmpi sge, %sub3A_368, %ge3A_370 : vector<16xi32>
        %lt3A_372 = arith.constant 5000 : i32
        %lt3A_373 = vector.broadcast %lt3A_372 : i32 to vector<16xi32>
        %lt3A_374 = arith.cmpi slt, %sub3A_368, %lt3A_373 : vector<16xi32>
        %and3A_375 = arith.andi %ge3A_371, %lt3A_374 : vector<16xi1>
        %ge3A_376 = vector.broadcast %add3A_324 : i32 to vector<16xi32>
        %ge3A_377 = arith.cmpi sge, %add3A_363, %ge3A_376 : vector<16xi32>
        %and3A_378 = arith.andi %and3A_375, %ge3A_377 : vector<16xi1>
        %lt3A_379 = vector.broadcast %min3A_332 : i32 to vector<16xi32>
        %lt3A_380 = arith.cmpi slt, %add3A_363, %lt3A_379 : vector<16xi32>
        %and3A_381 = arith.andi %and3A_378, %lt3A_380 : vector<16xi1>
        %jit3A_382 = arith.constant 5000 : i32
        %broadcast_in_dim3A_383 = vector.broadcast %jit3A_382 : i32 to vector<16xi32>
        %select_n3A_384 = arith.select %and3A_381, %sub3A_368, %broadcast_in_dim3A_383 : vector<16xi1>, vector<16xi32>
        %swap3A_385 = arith.constant 16 : index
        %swap3A_386 = tpu.vector_load %arg7[%swap3A_385] {strides = array<i32>} : memref<48xi32, #tpu.memory_space<vmem>>, vector<16xi32>,
        %swap3A_387 = vector.shape_cast %swap3A_386 : vector<16xi32> to vector<16xi32>
        %swap3A_388 = vector.shape_cast %select_n3A_384 : vector<16xi32> to vector<16xi32>
        tpu.vector_store %arg7[%swap3A_385], %swap3A_388 {strides = array<i32>} : memref<48xi32, #tpu.memory_space<vmem>>, vector<16xi32>,
        %add3A_389 = arith.constant 32 : i32
        %add3A_390 = arith.addi %multiple_of3A_321, %add3A_389 : i32
        %iota3A_391 = tpu.iota {dimensions = array<i32: 0>} : vector<16xi32>
        %add3A_392 = vector.broadcast %add3A_390 : i32 to vector<16xi32>
        %add3A_393 = arith.addi %add3A_392, %iota3A_391 : vector<16xi32>
        %get3A_394 = arith.constant 32 : index
        %get3A_395 = tpu.vector_load %arg7[%get3A_394] {strides = array<i32>} : memref<48xi32, #tpu.memory_space<vmem>>, vector<16xi32>,
        %get3A_396 = vector.shape_cast %get3A_395 : vector<16xi32> to vector<16xi32>
        %sub3A_397 = vector.broadcast %mul3A_146 : i32 to vector<16xi32>
        %sub3A_398 = arith.subi %get3A_396, %sub3A_397 : vector<16xi32>
        %ge3A_399 = arith.constant 0 : i32
        %ge3A_400 = vector.broadcast %ge3A_399 : i32 to vector<16xi32>
        %ge3A_401 = arith.cmpi sge, %sub3A_398, %ge3A_400 : vector<16xi32>
        %lt3A_402 = arith.constant 5000 : i32
        %lt3A_403 = vector.broadcast %lt3A_402 : i32 to vector<16xi32>
        %lt3A_404 = arith.cmpi slt, %sub3A_398, %lt3A_403 : vector<16xi32>
        %and3A_405 = arith.andi %ge3A_401, %lt3A_404 : vector<16xi1>
        %ge3A_406 = vector.broadcast %add3A_324 : i32 to vector<16xi32>
        %ge3A_407 = arith.cmpi sge, %add3A_393, %ge3A_406 : vector<16xi32>
        %and3A_408 = arith.andi %and3A_405, %ge3A_407 : vector<16xi1>
        %lt3A_409 = vector.broadcast %min3A_332 : i32 to vector<16xi32>
        %lt3A_410 = arith.cmpi slt, %add3A_393, %lt3A_409 : vector<16xi32>
        %and3A_411 = arith.andi %and3A_408, %lt3A_410 : vector<16xi1>
        %jit3A_412 = arith.constant 5000 : i32
        %broadcast_in_dim3A_413 = vector.broadcast %jit3A_412 : i32 to vector<16xi32>
        %select_n3A_414 = arith.select %and3A_411, %sub3A_398, %broadcast_in_dim3A_413 : vector<16xi1>, vector<16xi32>
        %swap3A_415 = arith.constant 32 : index
        %swap3A_416 = tpu.vector_load %arg7[%swap3A_415] {strides = array<i32>} : memref<48xi32, #tpu.memory_space<vmem>>, vector<16xi32>,
        %swap3A_417 = vector.shape_cast %swap3A_416 : vector<16xi32> to vector<16xi32>
        %swap3A_418 = vector.shape_cast %select_n3A_414 : vector<16xi32> to vector<16xi32>
        tpu.vector_store %arg7[%swap3A_415], %swap3A_418 {strides = array<i32>} : memref<48xi32, #tpu.memory_space<vmem>>, vector<16xi32>,
        "tpu.region"() ({
          %run_scoped3A = tpu.sem_alloc : memref<!tpu.dma_semaphore, #tpu.memory_space<semaphore_mem>>
          %dma_start3A = arith.constant 0 : i32
          %dma_start3A_425 = arith.constant 0 : i32
          %dma_start3A_426 = tpu.memref_slice %arg40[%dma_start3A, %dma_start3A_425] : memref<5008x128xf32, #tpu.memory_space<vmem_shared>> -> memref<5008x128xf32, #tpu.memory_space<vmem_shared>>
          tpu.enqueue_indirect_dma source(%arg15 : memref<48x128xf32, #tpu.memory_space<vmem>>) target(%dma_start3A_426 : memref<5008x128xf32, #tpu.memory_space<vmem_shared>>) offsets(%arg7 : memref<48xi32, #tpu.memory_space<vmem>>) semaphore(%run_scoped3A : memref<!tpu.dma_semaphore, #tpu.memory_space<semaphore_mem>>) {add = true}
          %dma_wait3A_427 = arith.constant 0 : i32
          %dma_wait3A_428 = arith.constant 0 : i32
          %dma_wait3A_429 = tpu.memref_slice %arg40[%dma_wait3A_427, %dma_wait3A_428] : memref<5008x128xf32, #tpu.memory_space<vmem_shared>> -> memref<5008x128xf32, #tpu.memory_space<vmem_shared>>
          tpu.wait_indirect_dma semaphore(%run_scoped3A : memref<!tpu.dma_semaphore, #tpu.memory_space<semaphore_mem>>) src(%arg15 : memref<48x128xf32, #tpu.memory_space<vmem>>) dst(%dma_wait3A_429 : memref<5008x128xf32, #tpu.memory_space<vmem_shared>>)
          tpu.yield
        }) : () -> ()
        %add3A_419 = arith.constant 8 : i32
        %add3A_420 = arith.addi %add3A_315, %add3A_419 : i32
        %lt3A_421 = arith.cmpi slt, %add3A_420, %max3A_144 : i32
        %convert_element_type3A_422 = arith.extui %lt3A_421 : i1 to i32
        %cond3A_423 = arith.constant 0 : i32
        %cond3A_424 = arith.cmpi ne, %convert_element_type3A_422, %cond3A_423 : i32
        scf.if %cond3A_424 {
          %add3A_425 = arith.constant 8 : i32
          %add3A_426 = arith.addi %add3A_315, %add3A_425 : i32
          %mul3A_427 = arith.constant 48 : i32
          %mul3A_428 = arith.muli %add3A_426, %mul3A_427 : i32
          %add3A_429 = arith.addi %add3A_112, %mul3A_428 : i32
          %min3A_430 = arith.constant 319952 : i32
          %min3A_431 = arith.minsi %add3A_429, %min3A_430 : i32
          %multiple_of3A_432 = tpu.assume_multiple %min3A_431, 8 : i32
          %dma_start3A = tpu.memref_slice %arg3[%multiple_of3A_432] : memref<320000xi32, #tpu.memory_space<hbm>> -> memref<48xi32, #tpu.memory_space<hbm>>
          %dma_start3A_433 = tpu.memref_slice %arg3[%multiple_of3A_432] : memref<320000xi32, #tpu.memory_space<hbm>> -> memref<48xi32, #tpu.memory_space<hbm>>
          tpu.enqueue_dma source(%dma_start3A_433 : memref<48xi32, #tpu.memory_space<hbm>>) target(%arg7 : memref<48xi32, #tpu.memory_space<vmem>>) target_semaphore(%arg23 : memref<!tpu.dma_semaphore, #tpu.memory_space<semaphore_mem>>)
          %dma_start3A_434 = arith.constant 0 : i32
          %dma_start3A_435 = tpu.memref_slice %arg2[%multiple_of3A_432, %dma_start3A_434] : memref<320000x128xf32, #tpu.memory_space<hbm>> -> memref<48x128xf32, #tpu.memory_space<hbm>>
          %dma_start3A_436 = arith.constant 0 : i32
          %dma_start3A_437 = tpu.memref_slice %arg2[%multiple_of3A_432, %dma_start3A_436] : memref<320000x128xf32, #tpu.memory_space<hbm>> -> memref<48x128xf32, #tpu.memory_space<hbm>>
          tpu.enqueue_dma source(%dma_start3A_437 : memref<48x128xf32, #tpu.memory_space<hbm>>) target(%arg15 : memref<48x128xf32, #tpu.memory_space<vmem>>) target_semaphore(%arg31 : memref<!tpu.dma_semaphore, #tpu.memory_space<semaphore_mem>>)
        } else {
        }
      } else {
      }
      %mul3A_256 = arith.constant 8 : i32
      %mul3A_257 = arith.muli %while3A_247, %mul3A_256 : i32
      %add3A_258 = arith.constant 1 : i32
      %add3A_259 = arith.addi %mul3A_257, %add3A_258 : i32
      %lt3A_260 = arith.cmpi slt, %add3A_259, %max3A_144 : i32
      %convert_element_type3A_261 = arith.extui %lt3A_260 : i1 to i32
      %cond3A_262 = arith.constant 0 : i32
      %cond3A_263 = arith.cmpi ne, %convert_element_type3A_261, %cond3A_262 : i32
      scf.if %cond3A_263 {
        %mul3A_312 = arith.constant 8 : i32
        %mul3A_313 = arith.muli %while3A_247, %mul3A_312 : i32
        %add3A_314 = arith.constant 1 : i32
        %add3A_315 = arith.addi %mul3A_313, %add3A_314 : i32
        %mul3A_316 = arith.constant 48 : i32
        %mul3A_317 = arith.muli %add3A_315, %mul3A_316 : i32
        %add3A_318 = arith.addi %add3A_112, %mul3A_317 : i32
        %min3A_319 = arith.constant 319952 : i32
        %min3A_320 = arith.minsi %add3A_318, %min3A_319 : i32
        %multiple_of3A_321 = tpu.assume_multiple %min3A_320, 8 : i32
        %mul3A_322 = arith.constant 48 : i32
        %mul3A_323 = arith.muli %add3A_315, %mul3A_322 : i32
        %add3A_324 = arith.addi %add3A_112, %mul3A_323 : i32
        %dma_wait3A = tpu.memref_slice %arg3[%multiple_of3A_321] : memref<320000xi32, #tpu.memory_space<hbm>> -> memref<48xi32, #tpu.memory_space<hbm>>
        %dma_wait3A_325 = tpu.memref_slice %arg3[%multiple_of3A_321] : memref<320000xi32, #tpu.memory_space<hbm>> -> memref<48xi32, #tpu.memory_space<hbm>>
        tpu.wait_dma2 semaphore(%arg24 : memref<!tpu.dma_semaphore, #tpu.memory_space<semaphore_mem>>) src(%dma_wait3A_325 : memref<48xi32, #tpu.memory_space<hbm>>) dst(%arg8 : memref<48xi32, #tpu.memory_space<vmem>>)
        %dma_wait3A_326 = arith.constant 0 : i32
        %dma_wait3A_327 = tpu.memref_slice %arg2[%multiple_of3A_321, %dma_wait3A_326] : memref<320000x128xf32, #tpu.memory_space<hbm>> -> memref<48x128xf32, #tpu.memory_space<hbm>>
        %dma_wait3A_328 = arith.constant 0 : i32
        %dma_wait3A_329 = tpu.memref_slice %arg2[%multiple_of3A_321, %dma_wait3A_328] : memref<320000x128xf32, #tpu.memory_space<hbm>> -> memref<48x128xf32, #tpu.memory_space<hbm>>
        tpu.wait_dma2 semaphore(%arg32 : memref<!tpu.dma_semaphore, #tpu.memory_space<semaphore_mem>>) src(%dma_wait3A_329 : memref<48x128xf32, #tpu.memory_space<hbm>>) dst(%arg16 : memref<48x128xf32, #tpu.memory_space<vmem>>)
        %add3A_330 = arith.constant 48 : i32
        %add3A_331 = arith.addi %add3A_324, %add3A_330 : i32
        %min3A_332 = arith.minsi %add3A_331, %min3A_114 : i32
        %add3A_333 = arith.constant 0 : i32
        %add3A_334 = arith.addi %multiple_of3A_321, %add3A_333 : i32
        %iota3A = tpu.iota {dimensions = array<i32: 0>} : vector<16xi32>
        %add3A_335 = vector.broadcast %add3A_334 : i32 to vector<16xi32>
        %add3A_336 = arith.addi %add3A_335, %iota3A : vector<16xi32>
        %get3A_337 = arith.constant 0 : index
        %get3A_338 = tpu.vector_load %arg8[%get3A_337] {strides = array<i32>} : memref<48xi32, #tpu.memory_space<vmem>>, vector<16xi32>,
        %get3A_339 = vector.shape_cast %get3A_338 : vector<16xi32> to vector<16xi32>
        %sub3A_340 = vector.broadcast %mul3A_146 : i32 to vector<16xi32>
        %sub3A_341 = arith.subi %get3A_339, %sub3A_340 : vector<16xi32>
        %ge3A = arith.constant 0 : i32
        %ge3A_342 = vector.broadcast %ge3A : i32 to vector<16xi32>
        %ge3A_343 = arith.cmpi sge, %sub3A_341, %ge3A_342 : vector<16xi32>
        %lt3A_344 = arith.constant 5000 : i32
        %lt3A_345 = vector.broadcast %lt3A_344 : i32 to vector<16xi32>
        %lt3A_346 = arith.cmpi slt, %sub3A_341, %lt3A_345 : vector<16xi32>
        %and3A_347 = arith.andi %ge3A_343, %lt3A_346 : vector<16xi1>
        %ge3A_348 = vector.broadcast %add3A_324 : i32 to vector<16xi32>
        %ge3A_349 = arith.cmpi sge, %add3A_336, %ge3A_348 : vector<16xi32>
        %and3A_350 = arith.andi %and3A_347, %ge3A_349 : vector<16xi1>
        %lt3A_351 = vector.broadcast %min3A_332 : i32 to vector<16xi32>
        %lt3A_352 = arith.cmpi slt, %add3A_336, %lt3A_351 : vector<16xi32>
        %and3A_353 = arith.andi %and3A_350, %lt3A_352 : vector<16xi1>
        %jit3A_354 = arith.constant 5000 : i32
        %broadcast_in_dim3A = vector.broadcast %jit3A_354 : i32 to vector<16xi32>
        %select_n3A_355 = arith.select %and3A_353, %sub3A_341, %broadcast_in_dim3A : vector<16xi1>, vector<16xi32>
        %swap3A = arith.constant 0 : index
        %swap3A_356 = tpu.vector_load %arg8[%swap3A] {strides = array<i32>} : memref<48xi32, #tpu.memory_space<vmem>>, vector<16xi32>,
        %swap3A_357 = vector.shape_cast %swap3A_356 : vector<16xi32> to vector<16xi32>
        %swap3A_358 = vector.shape_cast %select_n3A_355 : vector<16xi32> to vector<16xi32>
        tpu.vector_store %arg8[%swap3A], %swap3A_358 {strides = array<i32>} : memref<48xi32, #tpu.memory_space<vmem>>, vector<16xi32>,
        %add3A_359 = arith.constant 16 : i32
        %add3A_360 = arith.addi %multiple_of3A_321, %add3A_359 : i32
        %iota3A_361 = tpu.iota {dimensions = array<i32: 0>} : vector<16xi32>
        %add3A_362 = vector.broadcast %add3A_360 : i32 to vector<16xi32>
        %add3A_363 = arith.addi %add3A_362, %iota3A_361 : vector<16xi32>
        %get3A_364 = arith.constant 16 : index
        %get3A_365 = tpu.vector_load %arg8[%get3A_364] {strides = array<i32>} : memref<48xi32, #tpu.memory_space<vmem>>, vector<16xi32>,
        %get3A_366 = vector.shape_cast %get3A_365 : vector<16xi32> to vector<16xi32>
        %sub3A_367 = vector.broadcast %mul3A_146 : i32 to vector<16xi32>
        %sub3A_368 = arith.subi %get3A_366, %sub3A_367 : vector<16xi32>
        %ge3A_369 = arith.constant 0 : i32
        %ge3A_370 = vector.broadcast %ge3A_369 : i32 to vector<16xi32>
        %ge3A_371 = arith.cmpi sge, %sub3A_368, %ge3A_370 : vector<16xi32>
        %lt3A_372 = arith.constant 5000 : i32
        %lt3A_373 = vector.broadcast %lt3A_372 : i32 to vector<16xi32>
        %lt3A_374 = arith.cmpi slt, %sub3A_368, %lt3A_373 : vector<16xi32>
        %and3A_375 = arith.andi %ge3A_371, %lt3A_374 : vector<16xi1>
        %ge3A_376 = vector.broadcast %add3A_324 : i32 to vector<16xi32>
        %ge3A_377 = arith.cmpi sge, %add3A_363, %ge3A_376 : vector<16xi32>
        %and3A_378 = arith.andi %and3A_375, %ge3A_377 : vector<16xi1>
        %lt3A_379 = vector.broadcast %min3A_332 : i32 to vector<16xi32>
        %lt3A_380 = arith.cmpi slt, %add3A_363, %lt3A_379 : vector<16xi32>
        %and3A_381 = arith.andi %and3A_378, %lt3A_380 : vector<16xi1>
        %jit3A_382 = arith.constant 5000 : i32
        %broadcast_in_dim3A_383 = vector.broadcast %jit3A_382 : i32 to vector<16xi32>
        %select_n3A_384 = arith.select %and3A_381, %sub3A_368, %broadcast_in_dim3A_383 : vector<16xi1>, vector<16xi32>
        %swap3A_385 = arith.constant 16 : index
        %swap3A_386 = tpu.vector_load %arg8[%swap3A_385] {strides = array<i32>} : memref<48xi32, #tpu.memory_space<vmem>>, vector<16xi32>,
        %swap3A_387 = vector.shape_cast %swap3A_386 : vector<16xi32> to vector<16xi32>
        %swap3A_388 = vector.shape_cast %select_n3A_384 : vector<16xi32> to vector<16xi32>
        tpu.vector_store %arg8[%swap3A_385], %swap3A_388 {strides = array<i32>} : memref<48xi32, #tpu.memory_space<vmem>>, vector<16xi32>,
        %add3A_389 = arith.constant 32 : i32
        %add3A_390 = arith.addi %multiple_of3A_321, %add3A_389 : i32
        %iota3A_391 = tpu.iota {dimensions = array<i32: 0>} : vector<16xi32>
        %add3A_392 = vector.broadcast %add3A_390 : i32 to vector<16xi32>
        %add3A_393 = arith.addi %add3A_392, %iota3A_391 : vector<16xi32>
        %get3A_394 = arith.constant 32 : index
        %get3A_395 = tpu.vector_load %arg8[%get3A_394] {strides = array<i32>} : memref<48xi32, #tpu.memory_space<vmem>>, vector<16xi32>,
        %get3A_396 = vector.shape_cast %get3A_395 : vector<16xi32> to vector<16xi32>
        %sub3A_397 = vector.broadcast %mul3A_146 : i32 to vector<16xi32>
        %sub3A_398 = arith.subi %get3A_396, %sub3A_397 : vector<16xi32>
        %ge3A_399 = arith.constant 0 : i32
        %ge3A_400 = vector.broadcast %ge3A_399 : i32 to vector<16xi32>
        %ge3A_401 = arith.cmpi sge, %sub3A_398, %ge3A_400 : vector<16xi32>
        %lt3A_402 = arith.constant 5000 : i32
        %lt3A_403 = vector.broadcast %lt3A_402 : i32 to vector<16xi32>
        %lt3A_404 = arith.cmpi slt, %sub3A_398, %lt3A_403 : vector<16xi32>
        %and3A_405 = arith.andi %ge3A_401, %lt3A_404 : vector<16xi1>
        %ge3A_406 = vector.broadcast %add3A_324 : i32 to vector<16xi32>
        %ge3A_407 = arith.cmpi sge, %add3A_393, %ge3A_406 : vector<16xi32>
        %and3A_408 = arith.andi %and3A_405, %ge3A_407 : vector<16xi1>
        %lt3A_409 = vector.broadcast %min3A_332 : i32 to vector<16xi32>
        %lt3A_410 = arith.cmpi slt, %add3A_393, %lt3A_409 : vector<16xi32>
        %and3A_411 = arith.andi %and3A_408, %lt3A_410 : vector<16xi1>
        %jit3A_412 = arith.constant 5000 : i32
        %broadcast_in_dim3A_413 = vector.broadcast %jit3A_412 : i32 to vector<16xi32>
        %select_n3A_414 = arith.select %and3A_411, %sub3A_398, %broadcast_in_dim3A_413 : vector<16xi1>, vector<16xi32>
        %swap3A_415 = arith.constant 32 : index
        %swap3A_416 = tpu.vector_load %arg8[%swap3A_415] {strides = array<i32>} : memref<48xi32, #tpu.memory_space<vmem>>, vector<16xi32>,
        %swap3A_417 = vector.shape_cast %swap3A_416 : vector<16xi32> to vector<16xi32>
        %swap3A_418 = vector.shape_cast %select_n3A_414 : vector<16xi32> to vector<16xi32>
        tpu.vector_store %arg8[%swap3A_415], %swap3A_418 {strides = array<i32>} : memref<48xi32, #tpu.memory_space<vmem>>, vector<16xi32>,
        "tpu.region"() ({
          %run_scoped3A = tpu.sem_alloc : memref<!tpu.dma_semaphore, #tpu.memory_space<semaphore_mem>>
          %dma_start3A = arith.constant 0 : i32
          %dma_start3A_425 = arith.constant 0 : i32
          %dma_start3A_426 = tpu.memref_slice %arg40[%dma_start3A, %dma_start3A_425] : memref<5008x128xf32, #tpu.memory_space<vmem_shared>> -> memref<5008x128xf32, #tpu.memory_space<vmem_shared>>
          tpu.enqueue_indirect_dma source(%arg16 : memref<48x128xf32, #tpu.memory_space<vmem>>) target(%dma_start3A_426 : memref<5008x128xf32, #tpu.memory_space<vmem_shared>>) offsets(%arg8 : memref<48xi32, #tpu.memory_space<vmem>>) semaphore(%run_scoped3A : memref<!tpu.dma_semaphore, #tpu.memory_space<semaphore_mem>>) {add = true}
          %dma_wait3A_427 = arith.constant 0 : i32
          %dma_wait3A_428 = arith.constant 0 : i32
          %dma_wait3A_429 = tpu.memref_slice %arg40[%dma_wait3A_427, %dma_wait3A_428] : memref<5008x128xf32, #tpu.memory_space<vmem_shared>> -> memref<5008x128xf32, #tpu.memory_space<vmem_shared>>
          tpu.wait_indirect_dma semaphore(%run_scoped3A : memref<!tpu.dma_semaphore, #tpu.memory_space<semaphore_mem>>) src(%arg16 : memref<48x128xf32, #tpu.memory_space<vmem>>) dst(%dma_wait3A_429 : memref<5008x128xf32, #tpu.memory_space<vmem_shared>>)
          tpu.yield
        }) : () -> ()
        %add3A_419 = arith.constant 8 : i32
        %add3A_420 = arith.addi %add3A_315, %add3A_419 : i32
        %lt3A_421 = arith.cmpi slt, %add3A_420, %max3A_144 : i32
        %convert_element_type3A_422 = arith.extui %lt3A_421 : i1 to i32
        %cond3A_423 = arith.constant 0 : i32
        %cond3A_424 = arith.cmpi ne, %convert_element_type3A_422, %cond3A_423 : i32
        scf.if %cond3A_424 {
          %add3A_425 = arith.constant 8 : i32
          %add3A_426 = arith.addi %add3A_315, %add3A_425 : i32
          %mul3A_427 = arith.constant 48 : i32
          %mul3A_428 = arith.muli %add3A_426, %mul3A_427 : i32
          %add3A_429 = arith.addi %add3A_112, %mul3A_428 : i32
          %min3A_430 = arith.constant 319952 : i32
          %min3A_431 = arith.minsi %add3A_429, %min3A_430 : i32
          %multiple_of3A_432 = tpu.assume_multiple %min3A_431, 8 : i32
          %dma_start3A = tpu.memref_slice %arg3[%multiple_of3A_432] : memref<320000xi32, #tpu.memory_space<hbm>> -> memref<48xi32, #tpu.memory_space<hbm>>
          %dma_start3A_433 = tpu.memref_slice %arg3[%multiple_of3A_432] : memref<320000xi32, #tpu.memory_space<hbm>> -> memref<48xi32, #tpu.memory_space<hbm>>
          tpu.enqueue_dma source(%dma_start3A_433 : memref<48xi32, #tpu.memory_space<hbm>>) target(%arg8 : memref<48xi32, #tpu.memory_space<vmem>>) target_semaphore(%arg24 : memref<!tpu.dma_semaphore, #tpu.memory_space<semaphore_mem>>)
          %dma_start3A_434 = arith.constant 0 : i32
          %dma_start3A_435 = tpu.memref_slice %arg2[%multiple_of3A_432, %dma_start3A_434] : memref<320000x128xf32, #tpu.memory_space<hbm>> -> memref<48x128xf32, #tpu.memory_space<hbm>>
          %dma_start3A_436 = arith.constant 0 : i32
          %dma_start3A_437 = tpu.memref_slice %arg2[%multiple_of3A_432, %dma_start3A_436] : memref<320000x128xf32, #tpu.memory_space<hbm>> -> memref<48x128xf32, #tpu.memory_space<hbm>>
          tpu.enqueue_dma source(%dma_start3A_437 : memref<48x128xf32, #tpu.memory_space<hbm>>) target(%arg16 : memref<48x128xf32, #tpu.memory_space<vmem>>) target_semaphore(%arg32 : memref<!tpu.dma_semaphore, #tpu.memory_space<semaphore_mem>>)
        } else {
        }
      } else {
      }
      %mul3A_264 = arith.constant 8 : i32
      %mul3A_265 = arith.muli %while3A_247, %mul3A_264 : i32
      %add3A_266 = arith.constant 2 : i32
      %add3A_267 = arith.addi %mul3A_265, %add3A_266 : i32
      %lt3A_268 = arith.cmpi slt, %add3A_267, %max3A_144 : i32
      %convert_element_type3A_269 = arith.extui %lt3A_268 : i1 to i32
      %cond3A_270 = arith.constant 0 : i32
      %cond3A_271 = arith.cmpi ne, %convert_element_type3A_269, %cond3A_270 : i32
      scf.if %cond3A_271 {
        %mul3A_312 = arith.constant 8 : i32
        %mul3A_313 = arith.muli %while3A_247, %mul3A_312 : i32
        %add3A_314 = arith.constant 2 : i32
        %add3A_315 = arith.addi %mul3A_313, %add3A_314 : i32
        %mul3A_316 = arith.constant 48 : i32
        %mul3A_317 = arith.muli %add3A_315, %mul3A_316 : i32
        %add3A_318 = arith.addi %add3A_112, %mul3A_317 : i32
        %min3A_319 = arith.constant 319952 : i32
        %min3A_320 = arith.minsi %add3A_318, %min3A_319 : i32
        %multiple_of3A_321 = tpu.assume_multiple %min3A_320, 8 : i32
        %mul3A_322 = arith.constant 48 : i32
        %mul3A_323 = arith.muli %add3A_315, %mul3A_322 : i32
        %add3A_324 = arith.addi %add3A_112, %mul3A_323 : i32
        %dma_wait3A = tpu.memref_slice %arg3[%multiple_of3A_321] : memref<320000xi32, #tpu.memory_space<hbm>> -> memref<48xi32, #tpu.memory_space<hbm>>
        %dma_wait3A_325 = tpu.memref_slice %arg3[%multiple_of3A_321] : memref<320000xi32, #tpu.memory_space<hbm>> -> memref<48xi32, #tpu.memory_space<hbm>>
        tpu.wait_dma2 semaphore(%arg25 : memref<!tpu.dma_semaphore, #tpu.memory_space<semaphore_mem>>) src(%dma_wait3A_325 : memref<48xi32, #tpu.memory_space<hbm>>) dst(%arg9 : memref<48xi32, #tpu.memory_space<vmem>>)
        %dma_wait3A_326 = arith.constant 0 : i32
        %dma_wait3A_327 = tpu.memref_slice %arg2[%multiple_of3A_321, %dma_wait3A_326] : memref<320000x128xf32, #tpu.memory_space<hbm>> -> memref<48x128xf32, #tpu.memory_space<hbm>>
        %dma_wait3A_328 = arith.constant 0 : i32
        %dma_wait3A_329 = tpu.memref_slice %arg2[%multiple_of3A_321, %dma_wait3A_328] : memref<320000x128xf32, #tpu.memory_space<hbm>> -> memref<48x128xf32, #tpu.memory_space<hbm>>
        tpu.wait_dma2 semaphore(%arg33 : memref<!tpu.dma_semaphore, #tpu.memory_space<semaphore_mem>>) src(%dma_wait3A_329 : memref<48x128xf32, #tpu.memory_space<hbm>>) dst(%arg17 : memref<48x128xf32, #tpu.memory_space<vmem>>)
        %add3A_330 = arith.constant 48 : i32
        %add3A_331 = arith.addi %add3A_324, %add3A_330 : i32
        %min3A_332 = arith.minsi %add3A_331, %min3A_114 : i32
        %add3A_333 = arith.constant 0 : i32
        %add3A_334 = arith.addi %multiple_of3A_321, %add3A_333 : i32
        %iota3A = tpu.iota {dimensions = array<i32: 0>} : vector<16xi32>
        %add3A_335 = vector.broadcast %add3A_334 : i32 to vector<16xi32>
        %add3A_336 = arith.addi %add3A_335, %iota3A : vector<16xi32>
        %get3A_337 = arith.constant 0 : index
        %get3A_338 = tpu.vector_load %arg9[%get3A_337] {strides = array<i32>} : memref<48xi32, #tpu.memory_space<vmem>>, vector<16xi32>,
        %get3A_339 = vector.shape_cast %get3A_338 : vector<16xi32> to vector<16xi32>
        %sub3A_340 = vector.broadcast %mul3A_146 : i32 to vector<16xi32>
        %sub3A_341 = arith.subi %get3A_339, %sub3A_340 : vector<16xi32>
        %ge3A = arith.constant 0 : i32
        %ge3A_342 = vector.broadcast %ge3A : i32 to vector<16xi32>
        %ge3A_343 = arith.cmpi sge, %sub3A_341, %ge3A_342 : vector<16xi32>
        %lt3A_344 = arith.constant 5000 : i32
        %lt3A_345 = vector.broadcast %lt3A_344 : i32 to vector<16xi32>
        %lt3A_346 = arith.cmpi slt, %sub3A_341, %lt3A_345 : vector<16xi32>
        %and3A_347 = arith.andi %ge3A_343, %lt3A_346 : vector<16xi1>
        %ge3A_348 = vector.broadcast %add3A_324 : i32 to vector<16xi32>
        %ge3A_349 = arith.cmpi sge, %add3A_336, %ge3A_348 : vector<16xi32>
        %and3A_350 = arith.andi %and3A_347, %ge3A_349 : vector<16xi1>
        %lt3A_351 = vector.broadcast %min3A_332 : i32 to vector<16xi32>
        %lt3A_352 = arith.cmpi slt, %add3A_336, %lt3A_351 : vector<16xi32>
        %and3A_353 = arith.andi %and3A_350, %lt3A_352 : vector<16xi1>
        %jit3A_354 = arith.constant 5000 : i32
        %broadcast_in_dim3A = vector.broadcast %jit3A_354 : i32 to vector<16xi32>
        %select_n3A_355 = arith.select %and3A_353, %sub3A_341, %broadcast_in_dim3A : vector<16xi1>, vector<16xi32>
        %swap3A = arith.constant 0 : index
        %swap3A_356 = tpu.vector_load %arg9[%swap3A] {strides = array<i32>} : memref<48xi32, #tpu.memory_space<vmem>>, vector<16xi32>,
        %swap3A_357 = vector.shape_cast %swap3A_356 : vector<16xi32> to vector<16xi32>
        %swap3A_358 = vector.shape_cast %select_n3A_355 : vector<16xi32> to vector<16xi32>
        tpu.vector_store %arg9[%swap3A], %swap3A_358 {strides = array<i32>} : memref<48xi32, #tpu.memory_space<vmem>>, vector<16xi32>,
        %add3A_359 = arith.constant 16 : i32
        %add3A_360 = arith.addi %multiple_of3A_321, %add3A_359 : i32
        %iota3A_361 = tpu.iota {dimensions = array<i32: 0>} : vector<16xi32>
        %add3A_362 = vector.broadcast %add3A_360 : i32 to vector<16xi32>
        %add3A_363 = arith.addi %add3A_362, %iota3A_361 : vector<16xi32>
        %get3A_364 = arith.constant 16 : index
        %get3A_365 = tpu.vector_load %arg9[%get3A_364] {strides = array<i32>} : memref<48xi32, #tpu.memory_space<vmem>>, vector<16xi32>,
        %get3A_366 = vector.shape_cast %get3A_365 : vector<16xi32> to vector<16xi32>
        %sub3A_367 = vector.broadcast %mul3A_146 : i32 to vector<16xi32>
        %sub3A_368 = arith.subi %get3A_366, %sub3A_367 : vector<16xi32>
        %ge3A_369 = arith.constant 0 : i32
        %ge3A_370 = vector.broadcast %ge3A_369 : i32 to vector<16xi32>
        %ge3A_371 = arith.cmpi sge, %sub3A_368, %ge3A_370 : vector<16xi32>
        %lt3A_372 = arith.constant 5000 : i32
        %lt3A_373 = vector.broadcast %lt3A_372 : i32 to vector<16xi32>
        %lt3A_374 = arith.cmpi slt, %sub3A_368, %lt3A_373 : vector<16xi32>
        %and3A_375 = arith.andi %ge3A_371, %lt3A_374 : vector<16xi1>
        %ge3A_376 = vector.broadcast %add3A_324 : i32 to vector<16xi32>
        %ge3A_377 = arith.cmpi sge, %add3A_363, %ge3A_376 : vector<16xi32>
        %and3A_378 = arith.andi %and3A_375, %ge3A_377 : vector<16xi1>
        %lt3A_379 = vector.broadcast %min3A_332 : i32 to vector<16xi32>
        %lt3A_380 = arith.cmpi slt, %add3A_363, %lt3A_379 : vector<16xi32>
        %and3A_381 = arith.andi %and3A_378, %lt3A_380 : vector<16xi1>
        %jit3A_382 = arith.constant 5000 : i32
        %broadcast_in_dim3A_383 = vector.broadcast %jit3A_382 : i32 to vector<16xi32>
        %select_n3A_384 = arith.select %and3A_381, %sub3A_368, %broadcast_in_dim3A_383 : vector<16xi1>, vector<16xi32>
        %swap3A_385 = arith.constant 16 : index
        %swap3A_386 = tpu.vector_load %arg9[%swap3A_385] {strides = array<i32>} : memref<48xi32, #tpu.memory_space<vmem>>, vector<16xi32>,
        %swap3A_387 = vector.shape_cast %swap3A_386 : vector<16xi32> to vector<16xi32>
        %swap3A_388 = vector.shape_cast %select_n3A_384 : vector<16xi32> to vector<16xi32>
        tpu.vector_store %arg9[%swap3A_385], %swap3A_388 {strides = array<i32>} : memref<48xi32, #tpu.memory_space<vmem>>, vector<16xi32>,
        %add3A_389 = arith.constant 32 : i32
        %add3A_390 = arith.addi %multiple_of3A_321, %add3A_389 : i32
        %iota3A_391 = tpu.iota {dimensions = array<i32: 0>} : vector<16xi32>
        %add3A_392 = vector.broadcast %add3A_390 : i32 to vector<16xi32>
        %add3A_393 = arith.addi %add3A_392, %iota3A_391 : vector<16xi32>
        %get3A_394 = arith.constant 32 : index
        %get3A_395 = tpu.vector_load %arg9[%get3A_394] {strides = array<i32>} : memref<48xi32, #tpu.memory_space<vmem>>, vector<16xi32>,
        %get3A_396 = vector.shape_cast %get3A_395 : vector<16xi32> to vector<16xi32>
        %sub3A_397 = vector.broadcast %mul3A_146 : i32 to vector<16xi32>
        %sub3A_398 = arith.subi %get3A_396, %sub3A_397 : vector<16xi32>
        %ge3A_399 = arith.constant 0 : i32
        %ge3A_400 = vector.broadcast %ge3A_399 : i32 to vector<16xi32>
        %ge3A_401 = arith.cmpi sge, %sub3A_398, %ge3A_400 : vector<16xi32>
        %lt3A_402 = arith.constant 5000 : i32
        %lt3A_403 = vector.broadcast %lt3A_402 : i32 to vector<16xi32>
        %lt3A_404 = arith.cmpi slt, %sub3A_398, %lt3A_403 : vector<16xi32>
        %and3A_405 = arith.andi %ge3A_401, %lt3A_404 : vector<16xi1>
        %ge3A_406 = vector.broadcast %add3A_324 : i32 to vector<16xi32>
        %ge3A_407 = arith.cmpi sge, %add3A_393, %ge3A_406 : vector<16xi32>
        %and3A_408 = arith.andi %and3A_405, %ge3A_407 : vector<16xi1>
        %lt3A_409 = vector.broadcast %min3A_332 : i32 to vector<16xi32>
        %lt3A_410 = arith.cmpi slt, %add3A_393, %lt3A_409 : vector<16xi32>
        %and3A_411 = arith.andi %and3A_408, %lt3A_410 : vector<16xi1>
        %jit3A_412 = arith.constant 5000 : i32
        %broadcast_in_dim3A_413 = vector.broadcast %jit3A_412 : i32 to vector<16xi32>
        %select_n3A_414 = arith.select %and3A_411, %sub3A_398, %broadcast_in_dim3A_413 : vector<16xi1>, vector<16xi32>
        %swap3A_415 = arith.constant 32 : index
        %swap3A_416 = tpu.vector_load %arg9[%swap3A_415] {strides = array<i32>} : memref<48xi32, #tpu.memory_space<vmem>>, vector<16xi32>,
        %swap3A_417 = vector.shape_cast %swap3A_416 : vector<16xi32> to vector<16xi32>
        %swap3A_418 = vector.shape_cast %select_n3A_414 : vector<16xi32> to vector<16xi32>
        tpu.vector_store %arg9[%swap3A_415], %swap3A_418 {strides = array<i32>} : memref<48xi32, #tpu.memory_space<vmem>>, vector<16xi32>,
        "tpu.region"() ({
          %run_scoped3A = tpu.sem_alloc : memref<!tpu.dma_semaphore, #tpu.memory_space<semaphore_mem>>
          %dma_start3A = arith.constant 0 : i32
          %dma_start3A_425 = arith.constant 0 : i32
          %dma_start3A_426 = tpu.memref_slice %arg40[%dma_start3A, %dma_start3A_425] : memref<5008x128xf32, #tpu.memory_space<vmem_shared>> -> memref<5008x128xf32, #tpu.memory_space<vmem_shared>>
          tpu.enqueue_indirect_dma source(%arg17 : memref<48x128xf32, #tpu.memory_space<vmem>>) target(%dma_start3A_426 : memref<5008x128xf32, #tpu.memory_space<vmem_shared>>) offsets(%arg9 : memref<48xi32, #tpu.memory_space<vmem>>) semaphore(%run_scoped3A : memref<!tpu.dma_semaphore, #tpu.memory_space<semaphore_mem>>) {add = true}
          %dma_wait3A_427 = arith.constant 0 : i32
          %dma_wait3A_428 = arith.constant 0 : i32
          %dma_wait3A_429 = tpu.memref_slice %arg40[%dma_wait3A_427, %dma_wait3A_428] : memref<5008x128xf32, #tpu.memory_space<vmem_shared>> -> memref<5008x128xf32, #tpu.memory_space<vmem_shared>>
          tpu.wait_indirect_dma semaphore(%run_scoped3A : memref<!tpu.dma_semaphore, #tpu.memory_space<semaphore_mem>>) src(%arg17 : memref<48x128xf32, #tpu.memory_space<vmem>>) dst(%dma_wait3A_429 : memref<5008x128xf32, #tpu.memory_space<vmem_shared>>)
          tpu.yield
        }) : () -> ()
        %add3A_419 = arith.constant 8 : i32
        %add3A_420 = arith.addi %add3A_315, %add3A_419 : i32
        %lt3A_421 = arith.cmpi slt, %add3A_420, %max3A_144 : i32
        %convert_element_type3A_422 = arith.extui %lt3A_421 : i1 to i32
        %cond3A_423 = arith.constant 0 : i32
        %cond3A_424 = arith.cmpi ne, %convert_element_type3A_422, %cond3A_423 : i32
        scf.if %cond3A_424 {
          %add3A_425 = arith.constant 8 : i32
          %add3A_426 = arith.addi %add3A_315, %add3A_425 : i32
          %mul3A_427 = arith.constant 48 : i32
          %mul3A_428 = arith.muli %add3A_426, %mul3A_427 : i32
          %add3A_429 = arith.addi %add3A_112, %mul3A_428 : i32
          %min3A_430 = arith.constant 319952 : i32
          %min3A_431 = arith.minsi %add3A_429, %min3A_430 : i32
          %multiple_of3A_432 = tpu.assume_multiple %min3A_431, 8 : i32
          %dma_start3A = tpu.memref_slice %arg3[%multiple_of3A_432] : memref<320000xi32, #tpu.memory_space<hbm>> -> memref<48xi32, #tpu.memory_space<hbm>>
          %dma_start3A_433 = tpu.memref_slice %arg3[%multiple_of3A_432] : memref<320000xi32, #tpu.memory_space<hbm>> -> memref<48xi32, #tpu.memory_space<hbm>>
          tpu.enqueue_dma source(%dma_start3A_433 : memref<48xi32, #tpu.memory_space<hbm>>) target(%arg9 : memref<48xi32, #tpu.memory_space<vmem>>) target_semaphore(%arg25 : memref<!tpu.dma_semaphore, #tpu.memory_space<semaphore_mem>>)
          %dma_start3A_434 = arith.constant 0 : i32
          %dma_start3A_435 = tpu.memref_slice %arg2[%multiple_of3A_432, %dma_start3A_434] : memref<320000x128xf32, #tpu.memory_space<hbm>> -> memref<48x128xf32, #tpu.memory_space<hbm>>
          %dma_start3A_436 = arith.constant 0 : i32
          %dma_start3A_437 = tpu.memref_slice %arg2[%multiple_of3A_432, %dma_start3A_436] : memref<320000x128xf32, #tpu.memory_space<hbm>> -> memref<48x128xf32, #tpu.memory_space<hbm>>
          tpu.enqueue_dma source(%dma_start3A_437 : memref<48x128xf32, #tpu.memory_space<hbm>>) target(%arg17 : memref<48x128xf32, #tpu.memory_space<vmem>>) target_semaphore(%arg33 : memref<!tpu.dma_semaphore, #tpu.memory_space<semaphore_mem>>)
        } else {
        }
      } else {
      }
      %mul3A_272 = arith.constant 8 : i32
      %mul3A_273 = arith.muli %while3A_247, %mul3A_272 : i32
      %add3A_274 = arith.constant 3 : i32
      %add3A_275 = arith.addi %mul3A_273, %add3A_274 : i32
      %lt3A_276 = arith.cmpi slt, %add3A_275, %max3A_144 : i32
      %convert_element_type3A_277 = arith.extui %lt3A_276 : i1 to i32
      %cond3A_278 = arith.constant 0 : i32
      %cond3A_279 = arith.cmpi ne, %convert_element_type3A_277, %cond3A_278 : i32
      scf.if %cond3A_279 {
        %mul3A_312 = arith.constant 8 : i32
        %mul3A_313 = arith.muli %while3A_247, %mul3A_312 : i32
        %add3A_314 = arith.constant 3 : i32
        %add3A_315 = arith.addi %mul3A_313, %add3A_314 : i32
        %mul3A_316 = arith.constant 48 : i32
        %mul3A_317 = arith.muli %add3A_315, %mul3A_316 : i32
        %add3A_318 = arith.addi %add3A_112, %mul3A_317 : i32
        %min3A_319 = arith.constant 319952 : i32
        %min3A_320 = arith.minsi %add3A_318, %min3A_319 : i32
        %multiple_of3A_321 = tpu.assume_multiple %min3A_320, 8 : i32
        %mul3A_322 = arith.constant 48 : i32
        %mul3A_323 = arith.muli %add3A_315, %mul3A_322 : i32
        %add3A_324 = arith.addi %add3A_112, %mul3A_323 : i32
        %dma_wait3A = tpu.memref_slice %arg3[%multiple_of3A_321] : memref<320000xi32, #tpu.memory_space<hbm>> -> memref<48xi32, #tpu.memory_space<hbm>>
        %dma_wait3A_325 = tpu.memref_slice %arg3[%multiple_of3A_321] : memref<320000xi32, #tpu.memory_space<hbm>> -> memref<48xi32, #tpu.memory_space<hbm>>
        tpu.wait_dma2 semaphore(%arg26 : memref<!tpu.dma_semaphore, #tpu.memory_space<semaphore_mem>>) src(%dma_wait3A_325 : memref<48xi32, #tpu.memory_space<hbm>>) dst(%arg10 : memref<48xi32, #tpu.memory_space<vmem>>)
        %dma_wait3A_326 = arith.constant 0 : i32
        %dma_wait3A_327 = tpu.memref_slice %arg2[%multiple_of3A_321, %dma_wait3A_326] : memref<320000x128xf32, #tpu.memory_space<hbm>> -> memref<48x128xf32, #tpu.memory_space<hbm>>
        %dma_wait3A_328 = arith.constant 0 : i32
        %dma_wait3A_329 = tpu.memref_slice %arg2[%multiple_of3A_321, %dma_wait3A_328] : memref<320000x128xf32, #tpu.memory_space<hbm>> -> memref<48x128xf32, #tpu.memory_space<hbm>>
        tpu.wait_dma2 semaphore(%arg34 : memref<!tpu.dma_semaphore, #tpu.memory_space<semaphore_mem>>) src(%dma_wait3A_329 : memref<48x128xf32, #tpu.memory_space<hbm>>) dst(%arg18 : memref<48x128xf32, #tpu.memory_space<vmem>>)
        %add3A_330 = arith.constant 48 : i32
        %add3A_331 = arith.addi %add3A_324, %add3A_330 : i32
        %min3A_332 = arith.minsi %add3A_331, %min3A_114 : i32
        %add3A_333 = arith.constant 0 : i32
        %add3A_334 = arith.addi %multiple_of3A_321, %add3A_333 : i32
        %iota3A = tpu.iota {dimensions = array<i32: 0>} : vector<16xi32>
        %add3A_335 = vector.broadcast %add3A_334 : i32 to vector<16xi32>
        %add3A_336 = arith.addi %add3A_335, %iota3A : vector<16xi32>
        %get3A_337 = arith.constant 0 : index
        %get3A_338 = tpu.vector_load %arg10[%get3A_337] {strides = array<i32>} : memref<48xi32, #tpu.memory_space<vmem>>, vector<16xi32>,
        %get3A_339 = vector.shape_cast %get3A_338 : vector<16xi32> to vector<16xi32>
        %sub3A_340 = vector.broadcast %mul3A_146 : i32 to vector<16xi32>
        %sub3A_341 = arith.subi %get3A_339, %sub3A_340 : vector<16xi32>
        %ge3A = arith.constant 0 : i32
        %ge3A_342 = vector.broadcast %ge3A : i32 to vector<16xi32>
        %ge3A_343 = arith.cmpi sge, %sub3A_341, %ge3A_342 : vector<16xi32>
        %lt3A_344 = arith.constant 5000 : i32
        %lt3A_345 = vector.broadcast %lt3A_344 : i32 to vector<16xi32>
        %lt3A_346 = arith.cmpi slt, %sub3A_341, %lt3A_345 : vector<16xi32>
        %and3A_347 = arith.andi %ge3A_343, %lt3A_346 : vector<16xi1>
        %ge3A_348 = vector.broadcast %add3A_324 : i32 to vector<16xi32>
        %ge3A_349 = arith.cmpi sge, %add3A_336, %ge3A_348 : vector<16xi32>
        %and3A_350 = arith.andi %and3A_347, %ge3A_349 : vector<16xi1>
        %lt3A_351 = vector.broadcast %min3A_332 : i32 to vector<16xi32>
        %lt3A_352 = arith.cmpi slt, %add3A_336, %lt3A_351 : vector<16xi32>
        %and3A_353 = arith.andi %and3A_350, %lt3A_352 : vector<16xi1>
        %jit3A_354 = arith.constant 5000 : i32
        %broadcast_in_dim3A = vector.broadcast %jit3A_354 : i32 to vector<16xi32>
        %select_n3A_355 = arith.select %and3A_353, %sub3A_341, %broadcast_in_dim3A : vector<16xi1>, vector<16xi32>
        %swap3A = arith.constant 0 : index
        %swap3A_356 = tpu.vector_load %arg10[%swap3A] {strides = array<i32>} : memref<48xi32, #tpu.memory_space<vmem>>, vector<16xi32>,
        %swap3A_357 = vector.shape_cast %swap3A_356 : vector<16xi32> to vector<16xi32>
        %swap3A_358 = vector.shape_cast %select_n3A_355 : vector<16xi32> to vector<16xi32>
        tpu.vector_store %arg10[%swap3A], %swap3A_358 {strides = array<i32>} : memref<48xi32, #tpu.memory_space<vmem>>, vector<16xi32>,
        %add3A_359 = arith.constant 16 : i32
        %add3A_360 = arith.addi %multiple_of3A_321, %add3A_359 : i32
        %iota3A_361 = tpu.iota {dimensions = array<i32: 0>} : vector<16xi32>
        %add3A_362 = vector.broadcast %add3A_360 : i32 to vector<16xi32>
        %add3A_363 = arith.addi %add3A_362, %iota3A_361 : vector<16xi32>
        %get3A_364 = arith.constant 16 : index
        %get3A_365 = tpu.vector_load %arg10[%get3A_364] {strides = array<i32>} : memref<48xi32, #tpu.memory_space<vmem>>, vector<16xi32>,
        %get3A_366 = vector.shape_cast %get3A_365 : vector<16xi32> to vector<16xi32>
        %sub3A_367 = vector.broadcast %mul3A_146 : i32 to vector<16xi32>
        %sub3A_368 = arith.subi %get3A_366, %sub3A_367 : vector<16xi32>
        %ge3A_369 = arith.constant 0 : i32
        %ge3A_370 = vector.broadcast %ge3A_369 : i32 to vector<16xi32>
        %ge3A_371 = arith.cmpi sge, %sub3A_368, %ge3A_370 : vector<16xi32>
        %lt3A_372 = arith.constant 5000 : i32
        %lt3A_373 = vector.broadcast %lt3A_372 : i32 to vector<16xi32>
        %lt3A_374 = arith.cmpi slt, %sub3A_368, %lt3A_373 : vector<16xi32>
        %and3A_375 = arith.andi %ge3A_371, %lt3A_374 : vector<16xi1>
        %ge3A_376 = vector.broadcast %add3A_324 : i32 to vector<16xi32>
        %ge3A_377 = arith.cmpi sge, %add3A_363, %ge3A_376 : vector<16xi32>
        %and3A_378 = arith.andi %and3A_375, %ge3A_377 : vector<16xi1>
        %lt3A_379 = vector.broadcast %min3A_332 : i32 to vector<16xi32>
        %lt3A_380 = arith.cmpi slt, %add3A_363, %lt3A_379 : vector<16xi32>
        %and3A_381 = arith.andi %and3A_378, %lt3A_380 : vector<16xi1>
        %jit3A_382 = arith.constant 5000 : i32
        %broadcast_in_dim3A_383 = vector.broadcast %jit3A_382 : i32 to vector<16xi32>
        %select_n3A_384 = arith.select %and3A_381, %sub3A_368, %broadcast_in_dim3A_383 : vector<16xi1>, vector<16xi32>
        %swap3A_385 = arith.constant 16 : index
        %swap3A_386 = tpu.vector_load %arg10[%swap3A_385] {strides = array<i32>} : memref<48xi32, #tpu.memory_space<vmem>>, vector<16xi32>,
        %swap3A_387 = vector.shape_cast %swap3A_386 : vector<16xi32> to vector<16xi32>
        %swap3A_388 = vector.shape_cast %select_n3A_384 : vector<16xi32> to vector<16xi32>
        tpu.vector_store %arg10[%swap3A_385], %swap3A_388 {strides = array<i32>} : memref<48xi32, #tpu.memory_space<vmem>>, vector<16xi32>,
        %add3A_389 = arith.constant 32 : i32
        %add3A_390 = arith.addi %multiple_of3A_321, %add3A_389 : i32
        %iota3A_391 = tpu.iota {dimensions = array<i32: 0>} : vector<16xi32>
        %add3A_392 = vector.broadcast %add3A_390 : i32 to vector<16xi32>
        %add3A_393 = arith.addi %add3A_392, %iota3A_391 : vector<16xi32>
        %get3A_394 = arith.constant 32 : index
        %get3A_395 = tpu.vector_load %arg10[%get3A_394] {strides = array<i32>} : memref<48xi32, #tpu.memory_space<vmem>>, vector<16xi32>,
        %get3A_396 = vector.shape_cast %get3A_395 : vector<16xi32> to vector<16xi32>
        %sub3A_397 = vector.broadcast %mul3A_146 : i32 to vector<16xi32>
        %sub3A_398 = arith.subi %get3A_396, %sub3A_397 : vector<16xi32>
        %ge3A_399 = arith.constant 0 : i32
        %ge3A_400 = vector.broadcast %ge3A_399 : i32 to vector<16xi32>
        %ge3A_401 = arith.cmpi sge, %sub3A_398, %ge3A_400 : vector<16xi32>
        %lt3A_402 = arith.constant 5000 : i32
        %lt3A_403 = vector.broadcast %lt3A_402 : i32 to vector<16xi32>
        %lt3A_404 = arith.cmpi slt, %sub3A_398, %lt3A_403 : vector<16xi32>
        %and3A_405 = arith.andi %ge3A_401, %lt3A_404 : vector<16xi1>
        %ge3A_406 = vector.broadcast %add3A_324 : i32 to vector<16xi32>
        %ge3A_407 = arith.cmpi sge, %add3A_393, %ge3A_406 : vector<16xi32>
        %and3A_408 = arith.andi %and3A_405, %ge3A_407 : vector<16xi1>
        %lt3A_409 = vector.broadcast %min3A_332 : i32 to vector<16xi32>
        %lt3A_410 = arith.cmpi slt, %add3A_393, %lt3A_409 : vector<16xi32>
        %and3A_411 = arith.andi %and3A_408, %lt3A_410 : vector<16xi1>
        %jit3A_412 = arith.constant 5000 : i32
        %broadcast_in_dim3A_413 = vector.broadcast %jit3A_412 : i32 to vector<16xi32>
        %select_n3A_414 = arith.select %and3A_411, %sub3A_398, %broadcast_in_dim3A_413 : vector<16xi1>, vector<16xi32>
        %swap3A_415 = arith.constant 32 : index
        %swap3A_416 = tpu.vector_load %arg10[%swap3A_415] {strides = array<i32>} : memref<48xi32, #tpu.memory_space<vmem>>, vector<16xi32>,
        %swap3A_417 = vector.shape_cast %swap3A_416 : vector<16xi32> to vector<16xi32>
        %swap3A_418 = vector.shape_cast %select_n3A_414 : vector<16xi32> to vector<16xi32>
        tpu.vector_store %arg10[%swap3A_415], %swap3A_418 {strides = array<i32>} : memref<48xi32, #tpu.memory_space<vmem>>, vector<16xi32>,
        "tpu.region"() ({
          %run_scoped3A = tpu.sem_alloc : memref<!tpu.dma_semaphore, #tpu.memory_space<semaphore_mem>>
          %dma_start3A = arith.constant 0 : i32
          %dma_start3A_425 = arith.constant 0 : i32
          %dma_start3A_426 = tpu.memref_slice %arg40[%dma_start3A, %dma_start3A_425] : memref<5008x128xf32, #tpu.memory_space<vmem_shared>> -> memref<5008x128xf32, #tpu.memory_space<vmem_shared>>
          tpu.enqueue_indirect_dma source(%arg18 : memref<48x128xf32, #tpu.memory_space<vmem>>) target(%dma_start3A_426 : memref<5008x128xf32, #tpu.memory_space<vmem_shared>>) offsets(%arg10 : memref<48xi32, #tpu.memory_space<vmem>>) semaphore(%run_scoped3A : memref<!tpu.dma_semaphore, #tpu.memory_space<semaphore_mem>>) {add = true}
          %dma_wait3A_427 = arith.constant 0 : i32
          %dma_wait3A_428 = arith.constant 0 : i32
          %dma_wait3A_429 = tpu.memref_slice %arg40[%dma_wait3A_427, %dma_wait3A_428] : memref<5008x128xf32, #tpu.memory_space<vmem_shared>> -> memref<5008x128xf32, #tpu.memory_space<vmem_shared>>
          tpu.wait_indirect_dma semaphore(%run_scoped3A : memref<!tpu.dma_semaphore, #tpu.memory_space<semaphore_mem>>) src(%arg18 : memref<48x128xf32, #tpu.memory_space<vmem>>) dst(%dma_wait3A_429 : memref<5008x128xf32, #tpu.memory_space<vmem_shared>>)
          tpu.yield
        }) : () -> ()
        %add3A_419 = arith.constant 8 : i32
        %add3A_420 = arith.addi %add3A_315, %add3A_419 : i32
        %lt3A_421 = arith.cmpi slt, %add3A_420, %max3A_144 : i32
        %convert_element_type3A_422 = arith.extui %lt3A_421 : i1 to i32
        %cond3A_423 = arith.constant 0 : i32
        %cond3A_424 = arith.cmpi ne, %convert_element_type3A_422, %cond3A_423 : i32
        scf.if %cond3A_424 {
          %add3A_425 = arith.constant 8 : i32
          %add3A_426 = arith.addi %add3A_315, %add3A_425 : i32
          %mul3A_427 = arith.constant 48 : i32
          %mul3A_428 = arith.muli %add3A_426, %mul3A_427 : i32
          %add3A_429 = arith.addi %add3A_112, %mul3A_428 : i32
          %min3A_430 = arith.constant 319952 : i32
          %min3A_431 = arith.minsi %add3A_429, %min3A_430 : i32
          %multiple_of3A_432 = tpu.assume_multiple %min3A_431, 8 : i32
          %dma_start3A = tpu.memref_slice %arg3[%multiple_of3A_432] : memref<320000xi32, #tpu.memory_space<hbm>> -> memref<48xi32, #tpu.memory_space<hbm>>
          %dma_start3A_433 = tpu.memref_slice %arg3[%multiple_of3A_432] : memref<320000xi32, #tpu.memory_space<hbm>> -> memref<48xi32, #tpu.memory_space<hbm>>
          tpu.enqueue_dma source(%dma_start3A_433 : memref<48xi32, #tpu.memory_space<hbm>>) target(%arg10 : memref<48xi32, #tpu.memory_space<vmem>>) target_semaphore(%arg26 : memref<!tpu.dma_semaphore, #tpu.memory_space<semaphore_mem>>)
          %dma_start3A_434 = arith.constant 0 : i32
          %dma_start3A_435 = tpu.memref_slice %arg2[%multiple_of3A_432, %dma_start3A_434] : memref<320000x128xf32, #tpu.memory_space<hbm>> -> memref<48x128xf32, #tpu.memory_space<hbm>>
          %dma_start3A_436 = arith.constant 0 : i32
          %dma_start3A_437 = tpu.memref_slice %arg2[%multiple_of3A_432, %dma_start3A_436] : memref<320000x128xf32, #tpu.memory_space<hbm>> -> memref<48x128xf32, #tpu.memory_space<hbm>>
          tpu.enqueue_dma source(%dma_start3A_437 : memref<48x128xf32, #tpu.memory_space<hbm>>) target(%arg18 : memref<48x128xf32, #tpu.memory_space<vmem>>) target_semaphore(%arg34 : memref<!tpu.dma_semaphore, #tpu.memory_space<semaphore_mem>>)
        } else {
        }
      } else {
      }
      %mul3A_280 = arith.constant 8 : i32
      %mul3A_281 = arith.muli %while3A_247, %mul3A_280 : i32
      %add3A_282 = arith.constant 4 : i32
      %add3A_283 = arith.addi %mul3A_281, %add3A_282 : i32
      %lt3A_284 = arith.cmpi slt, %add3A_283, %max3A_144 : i32
      %convert_element_type3A_285 = arith.extui %lt3A_284 : i1 to i32
      %cond3A_286 = arith.constant 0 : i32
      %cond3A_287 = arith.cmpi ne, %convert_element_type3A_285, %cond3A_286 : i32
      scf.if %cond3A_287 {
        %mul3A_312 = arith.constant 8 : i32
        %mul3A_313 = arith.muli %while3A_247, %mul3A_312 : i32
        %add3A_314 = arith.constant 4 : i32
        %add3A_315 = arith.addi %mul3A_313, %add3A_314 : i32
        %mul3A_316 = arith.constant 48 : i32
        %mul3A_317 = arith.muli %add3A_315, %mul3A_316 : i32
        %add3A_318 = arith.addi %add3A_112, %mul3A_317 : i32
        %min3A_319 = arith.constant 319952 : i32
        %min3A_320 = arith.minsi %add3A_318, %min3A_319 : i32
        %multiple_of3A_321 = tpu.assume_multiple %min3A_320, 8 : i32
        %mul3A_322 = arith.constant 48 : i32
        %mul3A_323 = arith.muli %add3A_315, %mul3A_322 : i32
        %add3A_324 = arith.addi %add3A_112, %mul3A_323 : i32
        %dma_wait3A = tpu.memref_slice %arg3[%multiple_of3A_321] : memref<320000xi32, #tpu.memory_space<hbm>> -> memref<48xi32, #tpu.memory_space<hbm>>
        %dma_wait3A_325 = tpu.memref_slice %arg3[%multiple_of3A_321] : memref<320000xi32, #tpu.memory_space<hbm>> -> memref<48xi32, #tpu.memory_space<hbm>>
        tpu.wait_dma2 semaphore(%arg27 : memref<!tpu.dma_semaphore, #tpu.memory_space<semaphore_mem>>) src(%dma_wait3A_325 : memref<48xi32, #tpu.memory_space<hbm>>) dst(%arg11 : memref<48xi32, #tpu.memory_space<vmem>>)
        %dma_wait3A_326 = arith.constant 0 : i32
        %dma_wait3A_327 = tpu.memref_slice %arg2[%multiple_of3A_321, %dma_wait3A_326] : memref<320000x128xf32, #tpu.memory_space<hbm>> -> memref<48x128xf32, #tpu.memory_space<hbm>>
        %dma_wait3A_328 = arith.constant 0 : i32
        %dma_wait3A_329 = tpu.memref_slice %arg2[%multiple_of3A_321, %dma_wait3A_328] : memref<320000x128xf32, #tpu.memory_space<hbm>> -> memref<48x128xf32, #tpu.memory_space<hbm>>
        tpu.wait_dma2 semaphore(%arg35 : memref<!tpu.dma_semaphore, #tpu.memory_space<semaphore_mem>>) src(%dma_wait3A_329 : memref<48x128xf32, #tpu.memory_space<hbm>>) dst(%arg19 : memref<48x128xf32, #tpu.memory_space<vmem>>)
        %add3A_330 = arith.constant 48 : i32
        %add3A_331 = arith.addi %add3A_324, %add3A_330 : i32
        %min3A_332 = arith.minsi %add3A_331, %min3A_114 : i32
        %add3A_333 = arith.constant 0 : i32
        %add3A_334 = arith.addi %multiple_of3A_321, %add3A_333 : i32
        %iota3A = tpu.iota {dimensions = array<i32: 0>} : vector<16xi32>
        %add3A_335 = vector.broadcast %add3A_334 : i32 to vector<16xi32>
        %add3A_336 = arith.addi %add3A_335, %iota3A : vector<16xi32>
        %get3A_337 = arith.constant 0 : index
        %get3A_338 = tpu.vector_load %arg11[%get3A_337] {strides = array<i32>} : memref<48xi32, #tpu.memory_space<vmem>>, vector<16xi32>,
        %get3A_339 = vector.shape_cast %get3A_338 : vector<16xi32> to vector<16xi32>
        %sub3A_340 = vector.broadcast %mul3A_146 : i32 to vector<16xi32>
        %sub3A_341 = arith.subi %get3A_339, %sub3A_340 : vector<16xi32>
        %ge3A = arith.constant 0 : i32
        %ge3A_342 = vector.broadcast %ge3A : i32 to vector<16xi32>
        %ge3A_343 = arith.cmpi sge, %sub3A_341, %ge3A_342 : vector<16xi32>
        %lt3A_344 = arith.constant 5000 : i32
        %lt3A_345 = vector.broadcast %lt3A_344 : i32 to vector<16xi32>
        %lt3A_346 = arith.cmpi slt, %sub3A_341, %lt3A_345 : vector<16xi32>
        %and3A_347 = arith.andi %ge3A_343, %lt3A_346 : vector<16xi1>
        %ge3A_348 = vector.broadcast %add3A_324 : i32 to vector<16xi32>
        %ge3A_349 = arith.cmpi sge, %add3A_336, %ge3A_348 : vector<16xi32>
        %and3A_350 = arith.andi %and3A_347, %ge3A_349 : vector<16xi1>
        %lt3A_351 = vector.broadcast %min3A_332 : i32 to vector<16xi32>
        %lt3A_352 = arith.cmpi slt, %add3A_336, %lt3A_351 : vector<16xi32>
        %and3A_353 = arith.andi %and3A_350, %lt3A_352 : vector<16xi1>
        %jit3A_354 = arith.constant 5000 : i32
        %broadcast_in_dim3A = vector.broadcast %jit3A_354 : i32 to vector<16xi32>
        %select_n3A_355 = arith.select %and3A_353, %sub3A_341, %broadcast_in_dim3A : vector<16xi1>, vector<16xi32>
        %swap3A = arith.constant 0 : index
        %swap3A_356 = tpu.vector_load %arg11[%swap3A] {strides = array<i32>} : memref<48xi32, #tpu.memory_space<vmem>>, vector<16xi32>,
        %swap3A_357 = vector.shape_cast %swap3A_356 : vector<16xi32> to vector<16xi32>
        %swap3A_358 = vector.shape_cast %select_n3A_355 : vector<16xi32> to vector<16xi32>
        tpu.vector_store %arg11[%swap3A], %swap3A_358 {strides = array<i32>} : memref<48xi32, #tpu.memory_space<vmem>>, vector<16xi32>,
        %add3A_359 = arith.constant 16 : i32
        %add3A_360 = arith.addi %multiple_of3A_321, %add3A_359 : i32
        %iota3A_361 = tpu.iota {dimensions = array<i32: 0>} : vector<16xi32>
        %add3A_362 = vector.broadcast %add3A_360 : i32 to vector<16xi32>
        %add3A_363 = arith.addi %add3A_362, %iota3A_361 : vector<16xi32>
        %get3A_364 = arith.constant 16 : index
        %get3A_365 = tpu.vector_load %arg11[%get3A_364] {strides = array<i32>} : memref<48xi32, #tpu.memory_space<vmem>>, vector<16xi32>,
        %get3A_366 = vector.shape_cast %get3A_365 : vector<16xi32> to vector<16xi32>
        %sub3A_367 = vector.broadcast %mul3A_146 : i32 to vector<16xi32>
        %sub3A_368 = arith.subi %get3A_366, %sub3A_367 : vector<16xi32>
        %ge3A_369 = arith.constant 0 : i32
        %ge3A_370 = vector.broadcast %ge3A_369 : i32 to vector<16xi32>
        %ge3A_371 = arith.cmpi sge, %sub3A_368, %ge3A_370 : vector<16xi32>
        %lt3A_372 = arith.constant 5000 : i32
        %lt3A_373 = vector.broadcast %lt3A_372 : i32 to vector<16xi32>
        %lt3A_374 = arith.cmpi slt, %sub3A_368, %lt3A_373 : vector<16xi32>
        %and3A_375 = arith.andi %ge3A_371, %lt3A_374 : vector<16xi1>
        %ge3A_376 = vector.broadcast %add3A_324 : i32 to vector<16xi32>
        %ge3A_377 = arith.cmpi sge, %add3A_363, %ge3A_376 : vector<16xi32>
        %and3A_378 = arith.andi %and3A_375, %ge3A_377 : vector<16xi1>
        %lt3A_379 = vector.broadcast %min3A_332 : i32 to vector<16xi32>
        %lt3A_380 = arith.cmpi slt, %add3A_363, %lt3A_379 : vector<16xi32>
        %and3A_381 = arith.andi %and3A_378, %lt3A_380 : vector<16xi1>
        %jit3A_382 = arith.constant 5000 : i32
        %broadcast_in_dim3A_383 = vector.broadcast %jit3A_382 : i32 to vector<16xi32>
        %select_n3A_384 = arith.select %and3A_381, %sub3A_368, %broadcast_in_dim3A_383 : vector<16xi1>, vector<16xi32>
        %swap3A_385 = arith.constant 16 : index
        %swap3A_386 = tpu.vector_load %arg11[%swap3A_385] {strides = array<i32>} : memref<48xi32, #tpu.memory_space<vmem>>, vector<16xi32>,
        %swap3A_387 = vector.shape_cast %swap3A_386 : vector<16xi32> to vector<16xi32>
        %swap3A_388 = vector.shape_cast %select_n3A_384 : vector<16xi32> to vector<16xi32>
        tpu.vector_store %arg11[%swap3A_385], %swap3A_388 {strides = array<i32>} : memref<48xi32, #tpu.memory_space<vmem>>, vector<16xi32>,
        %add3A_389 = arith.constant 32 : i32
        %add3A_390 = arith.addi %multiple_of3A_321, %add3A_389 : i32
        %iota3A_391 = tpu.iota {dimensions = array<i32: 0>} : vector<16xi32>
        %add3A_392 = vector.broadcast %add3A_390 : i32 to vector<16xi32>
        %add3A_393 = arith.addi %add3A_392, %iota3A_391 : vector<16xi32>
        %get3A_394 = arith.constant 32 : index
        %get3A_395 = tpu.vector_load %arg11[%get3A_394] {strides = array<i32>} : memref<48xi32, #tpu.memory_space<vmem>>, vector<16xi32>,
        %get3A_396 = vector.shape_cast %get3A_395 : vector<16xi32> to vector<16xi32>
        %sub3A_397 = vector.broadcast %mul3A_146 : i32 to vector<16xi32>
        %sub3A_398 = arith.subi %get3A_396, %sub3A_397 : vector<16xi32>
        %ge3A_399 = arith.constant 0 : i32
        %ge3A_400 = vector.broadcast %ge3A_399 : i32 to vector<16xi32>
        %ge3A_401 = arith.cmpi sge, %sub3A_398, %ge3A_400 : vector<16xi32>
        %lt3A_402 = arith.constant 5000 : i32
        %lt3A_403 = vector.broadcast %lt3A_402 : i32 to vector<16xi32>
        %lt3A_404 = arith.cmpi slt, %sub3A_398, %lt3A_403 : vector<16xi32>
        %and3A_405 = arith.andi %ge3A_401, %lt3A_404 : vector<16xi1>
        %ge3A_406 = vector.broadcast %add3A_324 : i32 to vector<16xi32>
        %ge3A_407 = arith.cmpi sge, %add3A_393, %ge3A_406 : vector<16xi32>
        %and3A_408 = arith.andi %and3A_405, %ge3A_407 : vector<16xi1>
        %lt3A_409 = vector.broadcast %min3A_332 : i32 to vector<16xi32>
        %lt3A_410 = arith.cmpi slt, %add3A_393, %lt3A_409 : vector<16xi32>
        %and3A_411 = arith.andi %and3A_408, %lt3A_410 : vector<16xi1>
        %jit3A_412 = arith.constant 5000 : i32
        %broadcast_in_dim3A_413 = vector.broadcast %jit3A_412 : i32 to vector<16xi32>
        %select_n3A_414 = arith.select %and3A_411, %sub3A_398, %broadcast_in_dim3A_413 : vector<16xi1>, vector<16xi32>
        %swap3A_415 = arith.constant 32 : index
        %swap3A_416 = tpu.vector_load %arg11[%swap3A_415] {strides = array<i32>} : memref<48xi32, #tpu.memory_space<vmem>>, vector<16xi32>,
        %swap3A_417 = vector.shape_cast %swap3A_416 : vector<16xi32> to vector<16xi32>
        %swap3A_418 = vector.shape_cast %select_n3A_414 : vector<16xi32> to vector<16xi32>
        tpu.vector_store %arg11[%swap3A_415], %swap3A_418 {strides = array<i32>} : memref<48xi32, #tpu.memory_space<vmem>>, vector<16xi32>,
        "tpu.region"() ({
          %run_scoped3A = tpu.sem_alloc : memref<!tpu.dma_semaphore, #tpu.memory_space<semaphore_mem>>
          %dma_start3A = arith.constant 0 : i32
          %dma_start3A_425 = arith.constant 0 : i32
          %dma_start3A_426 = tpu.memref_slice %arg40[%dma_start3A, %dma_start3A_425] : memref<5008x128xf32, #tpu.memory_space<vmem_shared>> -> memref<5008x128xf32, #tpu.memory_space<vmem_shared>>
          tpu.enqueue_indirect_dma source(%arg19 : memref<48x128xf32, #tpu.memory_space<vmem>>) target(%dma_start3A_426 : memref<5008x128xf32, #tpu.memory_space<vmem_shared>>) offsets(%arg11 : memref<48xi32, #tpu.memory_space<vmem>>) semaphore(%run_scoped3A : memref<!tpu.dma_semaphore, #tpu.memory_space<semaphore_mem>>) {add = true}
          %dma_wait3A_427 = arith.constant 0 : i32
          %dma_wait3A_428 = arith.constant 0 : i32
          %dma_wait3A_429 = tpu.memref_slice %arg40[%dma_wait3A_427, %dma_wait3A_428] : memref<5008x128xf32, #tpu.memory_space<vmem_shared>> -> memref<5008x128xf32, #tpu.memory_space<vmem_shared>>
          tpu.wait_indirect_dma semaphore(%run_scoped3A : memref<!tpu.dma_semaphore, #tpu.memory_space<semaphore_mem>>) src(%arg19 : memref<48x128xf32, #tpu.memory_space<vmem>>) dst(%dma_wait3A_429 : memref<5008x128xf32, #tpu.memory_space<vmem_shared>>)
          tpu.yield
        }) : () -> ()
        %add3A_419 = arith.constant 8 : i32
        %add3A_420 = arith.addi %add3A_315, %add3A_419 : i32
        %lt3A_421 = arith.cmpi slt, %add3A_420, %max3A_144 : i32
        %convert_element_type3A_422 = arith.extui %lt3A_421 : i1 to i32
        %cond3A_423 = arith.constant 0 : i32
        %cond3A_424 = arith.cmpi ne, %convert_element_type3A_422, %cond3A_423 : i32
        scf.if %cond3A_424 {
          %add3A_425 = arith.constant 8 : i32
          %add3A_426 = arith.addi %add3A_315, %add3A_425 : i32
          %mul3A_427 = arith.constant 48 : i32
          %mul3A_428 = arith.muli %add3A_426, %mul3A_427 : i32
          %add3A_429 = arith.addi %add3A_112, %mul3A_428 : i32
          %min3A_430 = arith.constant 319952 : i32
          %min3A_431 = arith.minsi %add3A_429, %min3A_430 : i32
          %multiple_of3A_432 = tpu.assume_multiple %min3A_431, 8 : i32
          %dma_start3A = tpu.memref_slice %arg3[%multiple_of3A_432] : memref<320000xi32, #tpu.memory_space<hbm>> -> memref<48xi32, #tpu.memory_space<hbm>>
          %dma_start3A_433 = tpu.memref_slice %arg3[%multiple_of3A_432] : memref<320000xi32, #tpu.memory_space<hbm>> -> memref<48xi32, #tpu.memory_space<hbm>>
          tpu.enqueue_dma source(%dma_start3A_433 : memref<48xi32, #tpu.memory_space<hbm>>) target(%arg11 : memref<48xi32, #tpu.memory_space<vmem>>) target_semaphore(%arg27 : memref<!tpu.dma_semaphore, #tpu.memory_space<semaphore_mem>>)
          %dma_start3A_434 = arith.constant 0 : i32
          %dma_start3A_435 = tpu.memref_slice %arg2[%multiple_of3A_432, %dma_start3A_434] : memref<320000x128xf32, #tpu.memory_space<hbm>> -> memref<48x128xf32, #tpu.memory_space<hbm>>
          %dma_start3A_436 = arith.constant 0 : i32
          %dma_start3A_437 = tpu.memref_slice %arg2[%multiple_of3A_432, %dma_start3A_436] : memref<320000x128xf32, #tpu.memory_space<hbm>> -> memref<48x128xf32, #tpu.memory_space<hbm>>
          tpu.enqueue_dma source(%dma_start3A_437 : memref<48x128xf32, #tpu.memory_space<hbm>>) target(%arg19 : memref<48x128xf32, #tpu.memory_space<vmem>>) target_semaphore(%arg35 : memref<!tpu.dma_semaphore, #tpu.memory_space<semaphore_mem>>)
        } else {
        }
      } else {
      }
      %mul3A_288 = arith.constant 8 : i32
      %mul3A_289 = arith.muli %while3A_247, %mul3A_288 : i32
      %add3A_290 = arith.constant 5 : i32
      %add3A_291 = arith.addi %mul3A_289, %add3A_290 : i32
      %lt3A_292 = arith.cmpi slt, %add3A_291, %max3A_144 : i32
      %convert_element_type3A_293 = arith.extui %lt3A_292 : i1 to i32
      %cond3A_294 = arith.constant 0 : i32
      %cond3A_295 = arith.cmpi ne, %convert_element_type3A_293, %cond3A_294 : i32
      scf.if %cond3A_295 {
        %mul3A_312 = arith.constant 8 : i32
        %mul3A_313 = arith.muli %while3A_247, %mul3A_312 : i32
        %add3A_314 = arith.constant 5 : i32
        %add3A_315 = arith.addi %mul3A_313, %add3A_314 : i32
        %mul3A_316 = arith.constant 48 : i32
        %mul3A_317 = arith.muli %add3A_315, %mul3A_316 : i32
        %add3A_318 = arith.addi %add3A_112, %mul3A_317 : i32
        %min3A_319 = arith.constant 319952 : i32
        %min3A_320 = arith.minsi %add3A_318, %min3A_319 : i32
        %multiple_of3A_321 = tpu.assume_multiple %min3A_320, 8 : i32
        %mul3A_322 = arith.constant 48 : i32
        %mul3A_323 = arith.muli %add3A_315, %mul3A_322 : i32
        %add3A_324 = arith.addi %add3A_112, %mul3A_323 : i32
        %dma_wait3A = tpu.memref_slice %arg3[%multiple_of3A_321] : memref<320000xi32, #tpu.memory_space<hbm>> -> memref<48xi32, #tpu.memory_space<hbm>>
        %dma_wait3A_325 = tpu.memref_slice %arg3[%multiple_of3A_321] : memref<320000xi32, #tpu.memory_space<hbm>> -> memref<48xi32, #tpu.memory_space<hbm>>
        tpu.wait_dma2 semaphore(%arg28 : memref<!tpu.dma_semaphore, #tpu.memory_space<semaphore_mem>>) src(%dma_wait3A_325 : memref<48xi32, #tpu.memory_space<hbm>>) dst(%arg12 : memref<48xi32, #tpu.memory_space<vmem>>)
        %dma_wait3A_326 = arith.constant 0 : i32
        %dma_wait3A_327 = tpu.memref_slice %arg2[%multiple_of3A_321, %dma_wait3A_326] : memref<320000x128xf32, #tpu.memory_space<hbm>> -> memref<48x128xf32, #tpu.memory_space<hbm>>
        %dma_wait3A_328 = arith.constant 0 : i32
        %dma_wait3A_329 = tpu.memref_slice %arg2[%multiple_of3A_321, %dma_wait3A_328] : memref<320000x128xf32, #tpu.memory_space<hbm>> -> memref<48x128xf32, #tpu.memory_space<hbm>>
        tpu.wait_dma2 semaphore(%arg36 : memref<!tpu.dma_semaphore, #tpu.memory_space<semaphore_mem>>) src(%dma_wait3A_329 : memref<48x128xf32, #tpu.memory_space<hbm>>) dst(%arg20 : memref<48x128xf32, #tpu.memory_space<vmem>>)
        %add3A_330 = arith.constant 48 : i32
        %add3A_331 = arith.addi %add3A_324, %add3A_330 : i32
        %min3A_332 = arith.minsi %add3A_331, %min3A_114 : i32
        %add3A_333 = arith.constant 0 : i32
        %add3A_334 = arith.addi %multiple_of3A_321, %add3A_333 : i32
        %iota3A = tpu.iota {dimensions = array<i32: 0>} : vector<16xi32>
        %add3A_335 = vector.broadcast %add3A_334 : i32 to vector<16xi32>
        %add3A_336 = arith.addi %add3A_335, %iota3A : vector<16xi32>
        %get3A_337 = arith.constant 0 : index
        %get3A_338 = tpu.vector_load %arg12[%get3A_337] {strides = array<i32>} : memref<48xi32, #tpu.memory_space<vmem>>, vector<16xi32>,
        %get3A_339 = vector.shape_cast %get3A_338 : vector<16xi32> to vector<16xi32>
        %sub3A_340 = vector.broadcast %mul3A_146 : i32 to vector<16xi32>
        %sub3A_341 = arith.subi %get3A_339, %sub3A_340 : vector<16xi32>
        %ge3A = arith.constant 0 : i32
        %ge3A_342 = vector.broadcast %ge3A : i32 to vector<16xi32>
        %ge3A_343 = arith.cmpi sge, %sub3A_341, %ge3A_342 : vector<16xi32>
        %lt3A_344 = arith.constant 5000 : i32
        %lt3A_345 = vector.broadcast %lt3A_344 : i32 to vector<16xi32>
        %lt3A_346 = arith.cmpi slt, %sub3A_341, %lt3A_345 : vector<16xi32>
        %and3A_347 = arith.andi %ge3A_343, %lt3A_346 : vector<16xi1>
        %ge3A_348 = vector.broadcast %add3A_324 : i32 to vector<16xi32>
        %ge3A_349 = arith.cmpi sge, %add3A_336, %ge3A_348 : vector<16xi32>
        %and3A_350 = arith.andi %and3A_347, %ge3A_349 : vector<16xi1>
        %lt3A_351 = vector.broadcast %min3A_332 : i32 to vector<16xi32>
        %lt3A_352 = arith.cmpi slt, %add3A_336, %lt3A_351 : vector<16xi32>
        %and3A_353 = arith.andi %and3A_350, %lt3A_352 : vector<16xi1>
        %jit3A_354 = arith.constant 5000 : i32
        %broadcast_in_dim3A = vector.broadcast %jit3A_354 : i32 to vector<16xi32>
        %select_n3A_355 = arith.select %and3A_353, %sub3A_341, %broadcast_in_dim3A : vector<16xi1>, vector<16xi32>
        %swap3A = arith.constant 0 : index
        %swap3A_356 = tpu.vector_load %arg12[%swap3A] {strides = array<i32>} : memref<48xi32, #tpu.memory_space<vmem>>, vector<16xi32>,
        %swap3A_357 = vector.shape_cast %swap3A_356 : vector<16xi32> to vector<16xi32>
        %swap3A_358 = vector.shape_cast %select_n3A_355 : vector<16xi32> to vector<16xi32>
        tpu.vector_store %arg12[%swap3A], %swap3A_358 {strides = array<i32>} : memref<48xi32, #tpu.memory_space<vmem>>, vector<16xi32>,
        %add3A_359 = arith.constant 16 : i32
        %add3A_360 = arith.addi %multiple_of3A_321, %add3A_359 : i32
        %iota3A_361 = tpu.iota {dimensions = array<i32: 0>} : vector<16xi32>
        %add3A_362 = vector.broadcast %add3A_360 : i32 to vector<16xi32>
        %add3A_363 = arith.addi %add3A_362, %iota3A_361 : vector<16xi32>
        %get3A_364 = arith.constant 16 : index
        %get3A_365 = tpu.vector_load %arg12[%get3A_364] {strides = array<i32>} : memref<48xi32, #tpu.memory_space<vmem>>, vector<16xi32>,
        %get3A_366 = vector.shape_cast %get3A_365 : vector<16xi32> to vector<16xi32>
        %sub3A_367 = vector.broadcast %mul3A_146 : i32 to vector<16xi32>
        %sub3A_368 = arith.subi %get3A_366, %sub3A_367 : vector<16xi32>
        %ge3A_369 = arith.constant 0 : i32
        %ge3A_370 = vector.broadcast %ge3A_369 : i32 to vector<16xi32>
        %ge3A_371 = arith.cmpi sge, %sub3A_368, %ge3A_370 : vector<16xi32>
        %lt3A_372 = arith.constant 5000 : i32
        %lt3A_373 = vector.broadcast %lt3A_372 : i32 to vector<16xi32>
        %lt3A_374 = arith.cmpi slt, %sub3A_368, %lt3A_373 : vector<16xi32>
        %and3A_375 = arith.andi %ge3A_371, %lt3A_374 : vector<16xi1>
        %ge3A_376 = vector.broadcast %add3A_324 : i32 to vector<16xi32>
        %ge3A_377 = arith.cmpi sge, %add3A_363, %ge3A_376 : vector<16xi32>
        %and3A_378 = arith.andi %and3A_375, %ge3A_377 : vector<16xi1>
        %lt3A_379 = vector.broadcast %min3A_332 : i32 to vector<16xi32>
        %lt3A_380 = arith.cmpi slt, %add3A_363, %lt3A_379 : vector<16xi32>
        %and3A_381 = arith.andi %and3A_378, %lt3A_380 : vector<16xi1>
        %jit3A_382 = arith.constant 5000 : i32
        %broadcast_in_dim3A_383 = vector.broadcast %jit3A_382 : i32 to vector<16xi32>
        %select_n3A_384 = arith.select %and3A_381, %sub3A_368, %broadcast_in_dim3A_383 : vector<16xi1>, vector<16xi32>
        %swap3A_385 = arith.constant 16 : index
        %swap3A_386 = tpu.vector_load %arg12[%swap3A_385] {strides = array<i32>} : memref<48xi32, #tpu.memory_space<vmem>>, vector<16xi32>,
        %swap3A_387 = vector.shape_cast %swap3A_386 : vector<16xi32> to vector<16xi32>
        %swap3A_388 = vector.shape_cast %select_n3A_384 : vector<16xi32> to vector<16xi32>
        tpu.vector_store %arg12[%swap3A_385], %swap3A_388 {strides = array<i32>} : memref<48xi32, #tpu.memory_space<vmem>>, vector<16xi32>,
        %add3A_389 = arith.constant 32 : i32
        %add3A_390 = arith.addi %multiple_of3A_321, %add3A_389 : i32
        %iota3A_391 = tpu.iota {dimensions = array<i32: 0>} : vector<16xi32>
        %add3A_392 = vector.broadcast %add3A_390 : i32 to vector<16xi32>
        %add3A_393 = arith.addi %add3A_392, %iota3A_391 : vector<16xi32>
        %get3A_394 = arith.constant 32 : index
        %get3A_395 = tpu.vector_load %arg12[%get3A_394] {strides = array<i32>} : memref<48xi32, #tpu.memory_space<vmem>>, vector<16xi32>,
        %get3A_396 = vector.shape_cast %get3A_395 : vector<16xi32> to vector<16xi32>
        %sub3A_397 = vector.broadcast %mul3A_146 : i32 to vector<16xi32>
        %sub3A_398 = arith.subi %get3A_396, %sub3A_397 : vector<16xi32>
        %ge3A_399 = arith.constant 0 : i32
        %ge3A_400 = vector.broadcast %ge3A_399 : i32 to vector<16xi32>
        %ge3A_401 = arith.cmpi sge, %sub3A_398, %ge3A_400 : vector<16xi32>
        %lt3A_402 = arith.constant 5000 : i32
        %lt3A_403 = vector.broadcast %lt3A_402 : i32 to vector<16xi32>
        %lt3A_404 = arith.cmpi slt, %sub3A_398, %lt3A_403 : vector<16xi32>
        %and3A_405 = arith.andi %ge3A_401, %lt3A_404 : vector<16xi1>
        %ge3A_406 = vector.broadcast %add3A_324 : i32 to vector<16xi32>
        %ge3A_407 = arith.cmpi sge, %add3A_393, %ge3A_406 : vector<16xi32>
        %and3A_408 = arith.andi %and3A_405, %ge3A_407 : vector<16xi1>
        %lt3A_409 = vector.broadcast %min3A_332 : i32 to vector<16xi32>
        %lt3A_410 = arith.cmpi slt, %add3A_393, %lt3A_409 : vector<16xi32>
        %and3A_411 = arith.andi %and3A_408, %lt3A_410 : vector<16xi1>
        %jit3A_412 = arith.constant 5000 : i32
        %broadcast_in_dim3A_413 = vector.broadcast %jit3A_412 : i32 to vector<16xi32>
        %select_n3A_414 = arith.select %and3A_411, %sub3A_398, %broadcast_in_dim3A_413 : vector<16xi1>, vector<16xi32>
        %swap3A_415 = arith.constant 32 : index
        %swap3A_416 = tpu.vector_load %arg12[%swap3A_415] {strides = array<i32>} : memref<48xi32, #tpu.memory_space<vmem>>, vector<16xi32>,
        %swap3A_417 = vector.shape_cast %swap3A_416 : vector<16xi32> to vector<16xi32>
        %swap3A_418 = vector.shape_cast %select_n3A_414 : vector<16xi32> to vector<16xi32>
        tpu.vector_store %arg12[%swap3A_415], %swap3A_418 {strides = array<i32>} : memref<48xi32, #tpu.memory_space<vmem>>, vector<16xi32>,
        "tpu.region"() ({
          %run_scoped3A = tpu.sem_alloc : memref<!tpu.dma_semaphore, #tpu.memory_space<semaphore_mem>>
          %dma_start3A = arith.constant 0 : i32
          %dma_start3A_425 = arith.constant 0 : i32
          %dma_start3A_426 = tpu.memref_slice %arg40[%dma_start3A, %dma_start3A_425] : memref<5008x128xf32, #tpu.memory_space<vmem_shared>> -> memref<5008x128xf32, #tpu.memory_space<vmem_shared>>
          tpu.enqueue_indirect_dma source(%arg20 : memref<48x128xf32, #tpu.memory_space<vmem>>) target(%dma_start3A_426 : memref<5008x128xf32, #tpu.memory_space<vmem_shared>>) offsets(%arg12 : memref<48xi32, #tpu.memory_space<vmem>>) semaphore(%run_scoped3A : memref<!tpu.dma_semaphore, #tpu.memory_space<semaphore_mem>>) {add = true}
          %dma_wait3A_427 = arith.constant 0 : i32
          %dma_wait3A_428 = arith.constant 0 : i32
          %dma_wait3A_429 = tpu.memref_slice %arg40[%dma_wait3A_427, %dma_wait3A_428] : memref<5008x128xf32, #tpu.memory_space<vmem_shared>> -> memref<5008x128xf32, #tpu.memory_space<vmem_shared>>
          tpu.wait_indirect_dma semaphore(%run_scoped3A : memref<!tpu.dma_semaphore, #tpu.memory_space<semaphore_mem>>) src(%arg20 : memref<48x128xf32, #tpu.memory_space<vmem>>) dst(%dma_wait3A_429 : memref<5008x128xf32, #tpu.memory_space<vmem_shared>>)
          tpu.yield
        }) : () -> ()
        %add3A_419 = arith.constant 8 : i32
        %add3A_420 = arith.addi %add3A_315, %add3A_419 : i32
        %lt3A_421 = arith.cmpi slt, %add3A_420, %max3A_144 : i32
        %convert_element_type3A_422 = arith.extui %lt3A_421 : i1 to i32
        %cond3A_423 = arith.constant 0 : i32
        %cond3A_424 = arith.cmpi ne, %convert_element_type3A_422, %cond3A_423 : i32
        scf.if %cond3A_424 {
          %add3A_425 = arith.constant 8 : i32
          %add3A_426 = arith.addi %add3A_315, %add3A_425 : i32
          %mul3A_427 = arith.constant 48 : i32
          %mul3A_428 = arith.muli %add3A_426, %mul3A_427 : i32
          %add3A_429 = arith.addi %add3A_112, %mul3A_428 : i32
          %min3A_430 = arith.constant 319952 : i32
          %min3A_431 = arith.minsi %add3A_429, %min3A_430 : i32
          %multiple_of3A_432 = tpu.assume_multiple %min3A_431, 8 : i32
          %dma_start3A = tpu.memref_slice %arg3[%multiple_of3A_432] : memref<320000xi32, #tpu.memory_space<hbm>> -> memref<48xi32, #tpu.memory_space<hbm>>
          %dma_start3A_433 = tpu.memref_slice %arg3[%multiple_of3A_432] : memref<320000xi32, #tpu.memory_space<hbm>> -> memref<48xi32, #tpu.memory_space<hbm>>
          tpu.enqueue_dma source(%dma_start3A_433 : memref<48xi32, #tpu.memory_space<hbm>>) target(%arg12 : memref<48xi32, #tpu.memory_space<vmem>>) target_semaphore(%arg28 : memref<!tpu.dma_semaphore, #tpu.memory_space<semaphore_mem>>)
          %dma_start3A_434 = arith.constant 0 : i32
          %dma_start3A_435 = tpu.memref_slice %arg2[%multiple_of3A_432, %dma_start3A_434] : memref<320000x128xf32, #tpu.memory_space<hbm>> -> memref<48x128xf32, #tpu.memory_space<hbm>>
          %dma_start3A_436 = arith.constant 0 : i32
          %dma_start3A_437 = tpu.memref_slice %arg2[%multiple_of3A_432, %dma_start3A_436] : memref<320000x128xf32, #tpu.memory_space<hbm>> -> memref<48x128xf32, #tpu.memory_space<hbm>>
          tpu.enqueue_dma source(%dma_start3A_437 : memref<48x128xf32, #tpu.memory_space<hbm>>) target(%arg20 : memref<48x128xf32, #tpu.memory_space<vmem>>) target_semaphore(%arg36 : memref<!tpu.dma_semaphore, #tpu.memory_space<semaphore_mem>>)
        } else {
        }
      } else {
      }
      %mul3A_296 = arith.constant 8 : i32
      %mul3A_297 = arith.muli %while3A_247, %mul3A_296 : i32
      %add3A_298 = arith.constant 6 : i32
      %add3A_299 = arith.addi %mul3A_297, %add3A_298 : i32
      %lt3A_300 = arith.cmpi slt, %add3A_299, %max3A_144 : i32
      %convert_element_type3A_301 = arith.extui %lt3A_300 : i1 to i32
      %cond3A_302 = arith.constant 0 : i32
      %cond3A_303 = arith.cmpi ne, %convert_element_type3A_301, %cond3A_302 : i32
      scf.if %cond3A_303 {
        %mul3A_312 = arith.constant 8 : i32
        %mul3A_313 = arith.muli %while3A_247, %mul3A_312 : i32
        %add3A_314 = arith.constant 6 : i32
        %add3A_315 = arith.addi %mul3A_313, %add3A_314 : i32
        %mul3A_316 = arith.constant 48 : i32
        %mul3A_317 = arith.muli %add3A_315, %mul3A_316 : i32
        %add3A_318 = arith.addi %add3A_112, %mul3A_317 : i32
        %min3A_319 = arith.constant 319952 : i32
        %min3A_320 = arith.minsi %add3A_318, %min3A_319 : i32
        %multiple_of3A_321 = tpu.assume_multiple %min3A_320, 8 : i32
        %mul3A_322 = arith.constant 48 : i32
        %mul3A_323 = arith.muli %add3A_315, %mul3A_322 : i32
        %add3A_324 = arith.addi %add3A_112, %mul3A_323 : i32
        %dma_wait3A = tpu.memref_slice %arg3[%multiple_of3A_321] : memref<320000xi32, #tpu.memory_space<hbm>> -> memref<48xi32, #tpu.memory_space<hbm>>
        %dma_wait3A_325 = tpu.memref_slice %arg3[%multiple_of3A_321] : memref<320000xi32, #tpu.memory_space<hbm>> -> memref<48xi32, #tpu.memory_space<hbm>>
        tpu.wait_dma2 semaphore(%arg29 : memref<!tpu.dma_semaphore, #tpu.memory_space<semaphore_mem>>) src(%dma_wait3A_325 : memref<48xi32, #tpu.memory_space<hbm>>) dst(%arg13 : memref<48xi32, #tpu.memory_space<vmem>>)
        %dma_wait3A_326 = arith.constant 0 : i32
        %dma_wait3A_327 = tpu.memref_slice %arg2[%multiple_of3A_321, %dma_wait3A_326] : memref<320000x128xf32, #tpu.memory_space<hbm>> -> memref<48x128xf32, #tpu.memory_space<hbm>>
        %dma_wait3A_328 = arith.constant 0 : i32
        %dma_wait3A_329 = tpu.memref_slice %arg2[%multiple_of3A_321, %dma_wait3A_328] : memref<320000x128xf32, #tpu.memory_space<hbm>> -> memref<48x128xf32, #tpu.memory_space<hbm>>
        tpu.wait_dma2 semaphore(%arg37 : memref<!tpu.dma_semaphore, #tpu.memory_space<semaphore_mem>>) src(%dma_wait3A_329 : memref<48x128xf32, #tpu.memory_space<hbm>>) dst(%arg21 : memref<48x128xf32, #tpu.memory_space<vmem>>)
        %add3A_330 = arith.constant 48 : i32
        %add3A_331 = arith.addi %add3A_324, %add3A_330 : i32
        %min3A_332 = arith.minsi %add3A_331, %min3A_114 : i32
        %add3A_333 = arith.constant 0 : i32
        %add3A_334 = arith.addi %multiple_of3A_321, %add3A_333 : i32
        %iota3A = tpu.iota {dimensions = array<i32: 0>} : vector<16xi32>
        %add3A_335 = vector.broadcast %add3A_334 : i32 to vector<16xi32>
        %add3A_336 = arith.addi %add3A_335, %iota3A : vector<16xi32>
        %get3A_337 = arith.constant 0 : index
        %get3A_338 = tpu.vector_load %arg13[%get3A_337] {strides = array<i32>} : memref<48xi32, #tpu.memory_space<vmem>>, vector<16xi32>,
        %get3A_339 = vector.shape_cast %get3A_338 : vector<16xi32> to vector<16xi32>
        %sub3A_340 = vector.broadcast %mul3A_146 : i32 to vector<16xi32>
        %sub3A_341 = arith.subi %get3A_339, %sub3A_340 : vector<16xi32>
        %ge3A = arith.constant 0 : i32
        %ge3A_342 = vector.broadcast %ge3A : i32 to vector<16xi32>
        %ge3A_343 = arith.cmpi sge, %sub3A_341, %ge3A_342 : vector<16xi32>
        %lt3A_344 = arith.constant 5000 : i32
        %lt3A_345 = vector.broadcast %lt3A_344 : i32 to vector<16xi32>
        %lt3A_346 = arith.cmpi slt, %sub3A_341, %lt3A_345 : vector<16xi32>
        %and3A_347 = arith.andi %ge3A_343, %lt3A_346 : vector<16xi1>
        %ge3A_348 = vector.broadcast %add3A_324 : i32 to vector<16xi32>
        %ge3A_349 = arith.cmpi sge, %add3A_336, %ge3A_348 : vector<16xi32>
        %and3A_350 = arith.andi %and3A_347, %ge3A_349 : vector<16xi1>
        %lt3A_351 = vector.broadcast %min3A_332 : i32 to vector<16xi32>
        %lt3A_352 = arith.cmpi slt, %add3A_336, %lt3A_351 : vector<16xi32>
        %and3A_353 = arith.andi %and3A_350, %lt3A_352 : vector<16xi1>
        %jit3A_354 = arith.constant 5000 : i32
        %broadcast_in_dim3A = vector.broadcast %jit3A_354 : i32 to vector<16xi32>
        %select_n3A_355 = arith.select %and3A_353, %sub3A_341, %broadcast_in_dim3A : vector<16xi1>, vector<16xi32>
        %swap3A = arith.constant 0 : index
        %swap3A_356 = tpu.vector_load %arg13[%swap3A] {strides = array<i32>} : memref<48xi32, #tpu.memory_space<vmem>>, vector<16xi32>,
        %swap3A_357 = vector.shape_cast %swap3A_356 : vector<16xi32> to vector<16xi32>
        %swap3A_358 = vector.shape_cast %select_n3A_355 : vector<16xi32> to vector<16xi32>
        tpu.vector_store %arg13[%swap3A], %swap3A_358 {strides = array<i32>} : memref<48xi32, #tpu.memory_space<vmem>>, vector<16xi32>,
        %add3A_359 = arith.constant 16 : i32
        %add3A_360 = arith.addi %multiple_of3A_321, %add3A_359 : i32
        %iota3A_361 = tpu.iota {dimensions = array<i32: 0>} : vector<16xi32>
        %add3A_362 = vector.broadcast %add3A_360 : i32 to vector<16xi32>
        %add3A_363 = arith.addi %add3A_362, %iota3A_361 : vector<16xi32>
        %get3A_364 = arith.constant 16 : index
        %get3A_365 = tpu.vector_load %arg13[%get3A_364] {strides = array<i32>} : memref<48xi32, #tpu.memory_space<vmem>>, vector<16xi32>,
        %get3A_366 = vector.shape_cast %get3A_365 : vector<16xi32> to vector<16xi32>
        %sub3A_367 = vector.broadcast %mul3A_146 : i32 to vector<16xi32>
        %sub3A_368 = arith.subi %get3A_366, %sub3A_367 : vector<16xi32>
        %ge3A_369 = arith.constant 0 : i32
        %ge3A_370 = vector.broadcast %ge3A_369 : i32 to vector<16xi32>
        %ge3A_371 = arith.cmpi sge, %sub3A_368, %ge3A_370 : vector<16xi32>
        %lt3A_372 = arith.constant 5000 : i32
        %lt3A_373 = vector.broadcast %lt3A_372 : i32 to vector<16xi32>
        %lt3A_374 = arith.cmpi slt, %sub3A_368, %lt3A_373 : vector<16xi32>
        %and3A_375 = arith.andi %ge3A_371, %lt3A_374 : vector<16xi1>
        %ge3A_376 = vector.broadcast %add3A_324 : i32 to vector<16xi32>
        %ge3A_377 = arith.cmpi sge, %add3A_363, %ge3A_376 : vector<16xi32>
        %and3A_378 = arith.andi %and3A_375, %ge3A_377 : vector<16xi1>
        %lt3A_379 = vector.broadcast %min3A_332 : i32 to vector<16xi32>
        %lt3A_380 = arith.cmpi slt, %add3A_363, %lt3A_379 : vector<16xi32>
        %and3A_381 = arith.andi %and3A_378, %lt3A_380 : vector<16xi1>
        %jit3A_382 = arith.constant 5000 : i32
        %broadcast_in_dim3A_383 = vector.broadcast %jit3A_382 : i32 to vector<16xi32>
        %select_n3A_384 = arith.select %and3A_381, %sub3A_368, %broadcast_in_dim3A_383 : vector<16xi1>, vector<16xi32>
        %swap3A_385 = arith.constant 16 : index
        %swap3A_386 = tpu.vector_load %arg13[%swap3A_385] {strides = array<i32>} : memref<48xi32, #tpu.memory_space<vmem>>, vector<16xi32>,
        %swap3A_387 = vector.shape_cast %swap3A_386 : vector<16xi32> to vector<16xi32>
        %swap3A_388 = vector.shape_cast %select_n3A_384 : vector<16xi32> to vector<16xi32>
        tpu.vector_store %arg13[%swap3A_385], %swap3A_388 {strides = array<i32>} : memref<48xi32, #tpu.memory_space<vmem>>, vector<16xi32>,
        %add3A_389 = arith.constant 32 : i32
        %add3A_390 = arith.addi %multiple_of3A_321, %add3A_389 : i32
        %iota3A_391 = tpu.iota {dimensions = array<i32: 0>} : vector<16xi32>
        %add3A_392 = vector.broadcast %add3A_390 : i32 to vector<16xi32>
        %add3A_393 = arith.addi %add3A_392, %iota3A_391 : vector<16xi32>
        %get3A_394 = arith.constant 32 : index
        %get3A_395 = tpu.vector_load %arg13[%get3A_394] {strides = array<i32>} : memref<48xi32, #tpu.memory_space<vmem>>, vector<16xi32>,
        %get3A_396 = vector.shape_cast %get3A_395 : vector<16xi32> to vector<16xi32>
        %sub3A_397 = vector.broadcast %mul3A_146 : i32 to vector<16xi32>
        %sub3A_398 = arith.subi %get3A_396, %sub3A_397 : vector<16xi32>
        %ge3A_399 = arith.constant 0 : i32
        %ge3A_400 = vector.broadcast %ge3A_399 : i32 to vector<16xi32>
        %ge3A_401 = arith.cmpi sge, %sub3A_398, %ge3A_400 : vector<16xi32>
        %lt3A_402 = arith.constant 5000 : i32
        %lt3A_403 = vector.broadcast %lt3A_402 : i32 to vector<16xi32>
        %lt3A_404 = arith.cmpi slt, %sub3A_398, %lt3A_403 : vector<16xi32>
        %and3A_405 = arith.andi %ge3A_401, %lt3A_404 : vector<16xi1>
        %ge3A_406 = vector.broadcast %add3A_324 : i32 to vector<16xi32>
        %ge3A_407 = arith.cmpi sge, %add3A_393, %ge3A_406 : vector<16xi32>
        %and3A_408 = arith.andi %and3A_405, %ge3A_407 : vector<16xi1>
        %lt3A_409 = vector.broadcast %min3A_332 : i32 to vector<16xi32>
        %lt3A_410 = arith.cmpi slt, %add3A_393, %lt3A_409 : vector<16xi32>
        %and3A_411 = arith.andi %and3A_408, %lt3A_410 : vector<16xi1>
        %jit3A_412 = arith.constant 5000 : i32
        %broadcast_in_dim3A_413 = vector.broadcast %jit3A_412 : i32 to vector<16xi32>
        %select_n3A_414 = arith.select %and3A_411, %sub3A_398, %broadcast_in_dim3A_413 : vector<16xi1>, vector<16xi32>
        %swap3A_415 = arith.constant 32 : index
        %swap3A_416 = tpu.vector_load %arg13[%swap3A_415] {strides = array<i32>} : memref<48xi32, #tpu.memory_space<vmem>>, vector<16xi32>,
        %swap3A_417 = vector.shape_cast %swap3A_416 : vector<16xi32> to vector<16xi32>
        %swap3A_418 = vector.shape_cast %select_n3A_414 : vector<16xi32> to vector<16xi32>
        tpu.vector_store %arg13[%swap3A_415], %swap3A_418 {strides = array<i32>} : memref<48xi32, #tpu.memory_space<vmem>>, vector<16xi32>,
        "tpu.region"() ({
          %run_scoped3A = tpu.sem_alloc : memref<!tpu.dma_semaphore, #tpu.memory_space<semaphore_mem>>
          %dma_start3A = arith.constant 0 : i32
          %dma_start3A_425 = arith.constant 0 : i32
          %dma_start3A_426 = tpu.memref_slice %arg40[%dma_start3A, %dma_start3A_425] : memref<5008x128xf32, #tpu.memory_space<vmem_shared>> -> memref<5008x128xf32, #tpu.memory_space<vmem_shared>>
          tpu.enqueue_indirect_dma source(%arg21 : memref<48x128xf32, #tpu.memory_space<vmem>>) target(%dma_start3A_426 : memref<5008x128xf32, #tpu.memory_space<vmem_shared>>) offsets(%arg13 : memref<48xi32, #tpu.memory_space<vmem>>) semaphore(%run_scoped3A : memref<!tpu.dma_semaphore, #tpu.memory_space<semaphore_mem>>) {add = true}
          %dma_wait3A_427 = arith.constant 0 : i32
          %dma_wait3A_428 = arith.constant 0 : i32
          %dma_wait3A_429 = tpu.memref_slice %arg40[%dma_wait3A_427, %dma_wait3A_428] : memref<5008x128xf32, #tpu.memory_space<vmem_shared>> -> memref<5008x128xf32, #tpu.memory_space<vmem_shared>>
          tpu.wait_indirect_dma semaphore(%run_scoped3A : memref<!tpu.dma_semaphore, #tpu.memory_space<semaphore_mem>>) src(%arg21 : memref<48x128xf32, #tpu.memory_space<vmem>>) dst(%dma_wait3A_429 : memref<5008x128xf32, #tpu.memory_space<vmem_shared>>)
          tpu.yield
        }) : () -> ()
        %add3A_419 = arith.constant 8 : i32
        %add3A_420 = arith.addi %add3A_315, %add3A_419 : i32
        %lt3A_421 = arith.cmpi slt, %add3A_420, %max3A_144 : i32
        %convert_element_type3A_422 = arith.extui %lt3A_421 : i1 to i32
        %cond3A_423 = arith.constant 0 : i32
        %cond3A_424 = arith.cmpi ne, %convert_element_type3A_422, %cond3A_423 : i32
        scf.if %cond3A_424 {
          %add3A_425 = arith.constant 8 : i32
          %add3A_426 = arith.addi %add3A_315, %add3A_425 : i32
          %mul3A_427 = arith.constant 48 : i32
          %mul3A_428 = arith.muli %add3A_426, %mul3A_427 : i32
          %add3A_429 = arith.addi %add3A_112, %mul3A_428 : i32
          %min3A_430 = arith.constant 319952 : i32
          %min3A_431 = arith.minsi %add3A_429, %min3A_430 : i32
          %multiple_of3A_432 = tpu.assume_multiple %min3A_431, 8 : i32
          %dma_start3A = tpu.memref_slice %arg3[%multiple_of3A_432] : memref<320000xi32, #tpu.memory_space<hbm>> -> memref<48xi32, #tpu.memory_space<hbm>>
          %dma_start3A_433 = tpu.memref_slice %arg3[%multiple_of3A_432] : memref<320000xi32, #tpu.memory_space<hbm>> -> memref<48xi32, #tpu.memory_space<hbm>>
          tpu.enqueue_dma source(%dma_start3A_433 : memref<48xi32, #tpu.memory_space<hbm>>) target(%arg13 : memref<48xi32, #tpu.memory_space<vmem>>) target_semaphore(%arg29 : memref<!tpu.dma_semaphore, #tpu.memory_space<semaphore_mem>>)
          %dma_start3A_434 = arith.constant 0 : i32
          %dma_start3A_435 = tpu.memref_slice %arg2[%multiple_of3A_432, %dma_start3A_434] : memref<320000x128xf32, #tpu.memory_space<hbm>> -> memref<48x128xf32, #tpu.memory_space<hbm>>
          %dma_start3A_436 = arith.constant 0 : i32
          %dma_start3A_437 = tpu.memref_slice %arg2[%multiple_of3A_432, %dma_start3A_436] : memref<320000x128xf32, #tpu.memory_space<hbm>> -> memref<48x128xf32, #tpu.memory_space<hbm>>
          tpu.enqueue_dma source(%dma_start3A_437 : memref<48x128xf32, #tpu.memory_space<hbm>>) target(%arg21 : memref<48x128xf32, #tpu.memory_space<vmem>>) target_semaphore(%arg37 : memref<!tpu.dma_semaphore, #tpu.memory_space<semaphore_mem>>)
        } else {
        }
      } else {
      }
      %mul3A_304 = arith.constant 8 : i32
      %mul3A_305 = arith.muli %while3A_247, %mul3A_304 : i32
      %add3A_306 = arith.constant 7 : i32
      %add3A_307 = arith.addi %mul3A_305, %add3A_306 : i32
      %lt3A_308 = arith.cmpi slt, %add3A_307, %max3A_144 : i32
      %convert_element_type3A_309 = arith.extui %lt3A_308 : i1 to i32
      %cond3A_310 = arith.constant 0 : i32
      %cond3A_311 = arith.cmpi ne, %convert_element_type3A_309, %cond3A_310 : i32
      scf.if %cond3A_311 {
        %mul3A_312 = arith.constant 8 : i32
        %mul3A_313 = arith.muli %while3A_247, %mul3A_312 : i32
        %add3A_314 = arith.constant 7 : i32
        %add3A_315 = arith.addi %mul3A_313, %add3A_314 : i32
        %mul3A_316 = arith.constant 48 : i32
        %mul3A_317 = arith.muli %add3A_315, %mul3A_316 : i32
        %add3A_318 = arith.addi %add3A_112, %mul3A_317 : i32
        %min3A_319 = arith.constant 319952 : i32
        %min3A_320 = arith.minsi %add3A_318, %min3A_319 : i32
        %multiple_of3A_321 = tpu.assume_multiple %min3A_320, 8 : i32
        %mul3A_322 = arith.constant 48 : i32
        %mul3A_323 = arith.muli %add3A_315, %mul3A_322 : i32
        %add3A_324 = arith.addi %add3A_112, %mul3A_323 : i32
        %dma_wait3A = tpu.memref_slice %arg3[%multiple_of3A_321] : memref<320000xi32, #tpu.memory_space<hbm>> -> memref<48xi32, #tpu.memory_space<hbm>>
        %dma_wait3A_325 = tpu.memref_slice %arg3[%multiple_of3A_321] : memref<320000xi32, #tpu.memory_space<hbm>> -> memref<48xi32, #tpu.memory_space<hbm>>
        tpu.wait_dma2 semaphore(%arg30 : memref<!tpu.dma_semaphore, #tpu.memory_space<semaphore_mem>>) src(%dma_wait3A_325 : memref<48xi32, #tpu.memory_space<hbm>>) dst(%arg14 : memref<48xi32, #tpu.memory_space<vmem>>)
        %dma_wait3A_326 = arith.constant 0 : i32
        %dma_wait3A_327 = tpu.memref_slice %arg2[%multiple_of3A_321, %dma_wait3A_326] : memref<320000x128xf32, #tpu.memory_space<hbm>> -> memref<48x128xf32, #tpu.memory_space<hbm>>
        %dma_wait3A_328 = arith.constant 0 : i32
        %dma_wait3A_329 = tpu.memref_slice %arg2[%multiple_of3A_321, %dma_wait3A_328] : memref<320000x128xf32, #tpu.memory_space<hbm>> -> memref<48x128xf32, #tpu.memory_space<hbm>>
        tpu.wait_dma2 semaphore(%arg38 : memref<!tpu.dma_semaphore, #tpu.memory_space<semaphore_mem>>) src(%dma_wait3A_329 : memref<48x128xf32, #tpu.memory_space<hbm>>) dst(%arg22 : memref<48x128xf32, #tpu.memory_space<vmem>>)
        %add3A_330 = arith.constant 48 : i32
        %add3A_331 = arith.addi %add3A_324, %add3A_330 : i32
        %min3A_332 = arith.minsi %add3A_331, %min3A_114 : i32
        %add3A_333 = arith.constant 0 : i32
        %add3A_334 = arith.addi %multiple_of3A_321, %add3A_333 : i32
        %iota3A = tpu.iota {dimensions = array<i32: 0>} : vector<16xi32>
        %add3A_335 = vector.broadcast %add3A_334 : i32 to vector<16xi32>
        %add3A_336 = arith.addi %add3A_335, %iota3A : vector<16xi32>
        %get3A_337 = arith.constant 0 : index
        %get3A_338 = tpu.vector_load %arg14[%get3A_337] {strides = array<i32>} : memref<48xi32, #tpu.memory_space<vmem>>, vector<16xi32>,
        %get3A_339 = vector.shape_cast %get3A_338 : vector<16xi32> to vector<16xi32>
        %sub3A_340 = vector.broadcast %mul3A_146 : i32 to vector<16xi32>
        %sub3A_341 = arith.subi %get3A_339, %sub3A_340 : vector<16xi32>
        %ge3A = arith.constant 0 : i32
        %ge3A_342 = vector.broadcast %ge3A : i32 to vector<16xi32>
        %ge3A_343 = arith.cmpi sge, %sub3A_341, %ge3A_342 : vector<16xi32>
        %lt3A_344 = arith.constant 5000 : i32
        %lt3A_345 = vector.broadcast %lt3A_344 : i32 to vector<16xi32>
        %lt3A_346 = arith.cmpi slt, %sub3A_341, %lt3A_345 : vector<16xi32>
        %and3A_347 = arith.andi %ge3A_343, %lt3A_346 : vector<16xi1>
        %ge3A_348 = vector.broadcast %add3A_324 : i32 to vector<16xi32>
        %ge3A_349 = arith.cmpi sge, %add3A_336, %ge3A_348 : vector<16xi32>
        %and3A_350 = arith.andi %and3A_347, %ge3A_349 : vector<16xi1>
        %lt3A_351 = vector.broadcast %min3A_332 : i32 to vector<16xi32>
        %lt3A_352 = arith.cmpi slt, %add3A_336, %lt3A_351 : vector<16xi32>
        %and3A_353 = arith.andi %and3A_350, %lt3A_352 : vector<16xi1>
        %jit3A_354 = arith.constant 5000 : i32
        %broadcast_in_dim3A = vector.broadcast %jit3A_354 : i32 to vector<16xi32>
        %select_n3A_355 = arith.select %and3A_353, %sub3A_341, %broadcast_in_dim3A : vector<16xi1>, vector<16xi32>
        %swap3A = arith.constant 0 : index
        %swap3A_356 = tpu.vector_load %arg14[%swap3A] {strides = array<i32>} : memref<48xi32, #tpu.memory_space<vmem>>, vector<16xi32>,
        %swap3A_357 = vector.shape_cast %swap3A_356 : vector<16xi32> to vector<16xi32>
        %swap3A_358 = vector.shape_cast %select_n3A_355 : vector<16xi32> to vector<16xi32>
        tpu.vector_store %arg14[%swap3A], %swap3A_358 {strides = array<i32>} : memref<48xi32, #tpu.memory_space<vmem>>, vector<16xi32>,
        %add3A_359 = arith.constant 16 : i32
        %add3A_360 = arith.addi %multiple_of3A_321, %add3A_359 : i32
        %iota3A_361 = tpu.iota {dimensions = array<i32: 0>} : vector<16xi32>
        %add3A_362 = vector.broadcast %add3A_360 : i32 to vector<16xi32>
        %add3A_363 = arith.addi %add3A_362, %iota3A_361 : vector<16xi32>
        %get3A_364 = arith.constant 16 : index
        %get3A_365 = tpu.vector_load %arg14[%get3A_364] {strides = array<i32>} : memref<48xi32, #tpu.memory_space<vmem>>, vector<16xi32>,
        %get3A_366 = vector.shape_cast %get3A_365 : vector<16xi32> to vector<16xi32>
        %sub3A_367 = vector.broadcast %mul3A_146 : i32 to vector<16xi32>
        %sub3A_368 = arith.subi %get3A_366, %sub3A_367 : vector<16xi32>
        %ge3A_369 = arith.constant 0 : i32
        %ge3A_370 = vector.broadcast %ge3A_369 : i32 to vector<16xi32>
        %ge3A_371 = arith.cmpi sge, %sub3A_368, %ge3A_370 : vector<16xi32>
        %lt3A_372 = arith.constant 5000 : i32
        %lt3A_373 = vector.broadcast %lt3A_372 : i32 to vector<16xi32>
        %lt3A_374 = arith.cmpi slt, %sub3A_368, %lt3A_373 : vector<16xi32>
        %and3A_375 = arith.andi %ge3A_371, %lt3A_374 : vector<16xi1>
        %ge3A_376 = vector.broadcast %add3A_324 : i32 to vector<16xi32>
        %ge3A_377 = arith.cmpi sge, %add3A_363, %ge3A_376 : vector<16xi32>
        %and3A_378 = arith.andi %and3A_375, %ge3A_377 : vector<16xi1>
        %lt3A_379 = vector.broadcast %min3A_332 : i32 to vector<16xi32>
        %lt3A_380 = arith.cmpi slt, %add3A_363, %lt3A_379 : vector<16xi32>
        %and3A_381 = arith.andi %and3A_378, %lt3A_380 : vector<16xi1>
        %jit3A_382 = arith.constant 5000 : i32
        %broadcast_in_dim3A_383 = vector.broadcast %jit3A_382 : i32 to vector<16xi32>
        %select_n3A_384 = arith.select %and3A_381, %sub3A_368, %broadcast_in_dim3A_383 : vector<16xi1>, vector<16xi32>
        %swap3A_385 = arith.constant 16 : index
        %swap3A_386 = tpu.vector_load %arg14[%swap3A_385] {strides = array<i32>} : memref<48xi32, #tpu.memory_space<vmem>>, vector<16xi32>,
        %swap3A_387 = vector.shape_cast %swap3A_386 : vector<16xi32> to vector<16xi32>
        %swap3A_388 = vector.shape_cast %select_n3A_384 : vector<16xi32> to vector<16xi32>
        tpu.vector_store %arg14[%swap3A_385], %swap3A_388 {strides = array<i32>} : memref<48xi32, #tpu.memory_space<vmem>>, vector<16xi32>,
        %add3A_389 = arith.constant 32 : i32
        %add3A_390 = arith.addi %multiple_of3A_321, %add3A_389 : i32
        %iota3A_391 = tpu.iota {dimensions = array<i32: 0>} : vector<16xi32>
        %add3A_392 = vector.broadcast %add3A_390 : i32 to vector<16xi32>
        %add3A_393 = arith.addi %add3A_392, %iota3A_391 : vector<16xi32>
        %get3A_394 = arith.constant 32 : index
        %get3A_395 = tpu.vector_load %arg14[%get3A_394] {strides = array<i32>} : memref<48xi32, #tpu.memory_space<vmem>>, vector<16xi32>,
        %get3A_396 = vector.shape_cast %get3A_395 : vector<16xi32> to vector<16xi32>
        %sub3A_397 = vector.broadcast %mul3A_146 : i32 to vector<16xi32>
        %sub3A_398 = arith.subi %get3A_396, %sub3A_397 : vector<16xi32>
        %ge3A_399 = arith.constant 0 : i32
        %ge3A_400 = vector.broadcast %ge3A_399 : i32 to vector<16xi32>
        %ge3A_401 = arith.cmpi sge, %sub3A_398, %ge3A_400 : vector<16xi32>
        %lt3A_402 = arith.constant 5000 : i32
        %lt3A_403 = vector.broadcast %lt3A_402 : i32 to vector<16xi32>
        %lt3A_404 = arith.cmpi slt, %sub3A_398, %lt3A_403 : vector<16xi32>
        %and3A_405 = arith.andi %ge3A_401, %lt3A_404 : vector<16xi1>
        %ge3A_406 = vector.broadcast %add3A_324 : i32 to vector<16xi32>
        %ge3A_407 = arith.cmpi sge, %add3A_393, %ge3A_406 : vector<16xi32>
        %and3A_408 = arith.andi %and3A_405, %ge3A_407 : vector<16xi1>
        %lt3A_409 = vector.broadcast %min3A_332 : i32 to vector<16xi32>
        %lt3A_410 = arith.cmpi slt, %add3A_393, %lt3A_409 : vector<16xi32>
        %and3A_411 = arith.andi %and3A_408, %lt3A_410 : vector<16xi1>
        %jit3A_412 = arith.constant 5000 : i32
        %broadcast_in_dim3A_413 = vector.broadcast %jit3A_412 : i32 to vector<16xi32>
        %select_n3A_414 = arith.select %and3A_411, %sub3A_398, %broadcast_in_dim3A_413 : vector<16xi1>, vector<16xi32>
        %swap3A_415 = arith.constant 32 : index
        %swap3A_416 = tpu.vector_load %arg14[%swap3A_415] {strides = array<i32>} : memref<48xi32, #tpu.memory_space<vmem>>, vector<16xi32>,
        %swap3A_417 = vector.shape_cast %swap3A_416 : vector<16xi32> to vector<16xi32>
        %swap3A_418 = vector.shape_cast %select_n3A_414 : vector<16xi32> to vector<16xi32>
        tpu.vector_store %arg14[%swap3A_415], %swap3A_418 {strides = array<i32>} : memref<48xi32, #tpu.memory_space<vmem>>, vector<16xi32>,
        "tpu.region"() ({
          %run_scoped3A = tpu.sem_alloc : memref<!tpu.dma_semaphore, #tpu.memory_space<semaphore_mem>>
          %dma_start3A = arith.constant 0 : i32
          %dma_start3A_425 = arith.constant 0 : i32
          %dma_start3A_426 = tpu.memref_slice %arg40[%dma_start3A, %dma_start3A_425] : memref<5008x128xf32, #tpu.memory_space<vmem_shared>> -> memref<5008x128xf32, #tpu.memory_space<vmem_shared>>
          tpu.enqueue_indirect_dma source(%arg22 : memref<48x128xf32, #tpu.memory_space<vmem>>) target(%dma_start3A_426 : memref<5008x128xf32, #tpu.memory_space<vmem_shared>>) offsets(%arg14 : memref<48xi32, #tpu.memory_space<vmem>>) semaphore(%run_scoped3A : memref<!tpu.dma_semaphore, #tpu.memory_space<semaphore_mem>>) {add = true}
          %dma_wait3A_427 = arith.constant 0 : i32
          %dma_wait3A_428 = arith.constant 0 : i32
          %dma_wait3A_429 = tpu.memref_slice %arg40[%dma_wait3A_427, %dma_wait3A_428] : memref<5008x128xf32, #tpu.memory_space<vmem_shared>> -> memref<5008x128xf32, #tpu.memory_space<vmem_shared>>
          tpu.wait_indirect_dma semaphore(%run_scoped3A : memref<!tpu.dma_semaphore, #tpu.memory_space<semaphore_mem>>) src(%arg22 : memref<48x128xf32, #tpu.memory_space<vmem>>) dst(%dma_wait3A_429 : memref<5008x128xf32, #tpu.memory_space<vmem_shared>>)
          tpu.yield
        }) : () -> ()
        %add3A_419 = arith.constant 8 : i32
        %add3A_420 = arith.addi %add3A_315, %add3A_419 : i32
        %lt3A_421 = arith.cmpi slt, %add3A_420, %max3A_144 : i32
        %convert_element_type3A_422 = arith.extui %lt3A_421 : i1 to i32
        %cond3A_423 = arith.constant 0 : i32
        %cond3A_424 = arith.cmpi ne, %convert_element_type3A_422, %cond3A_423 : i32
        scf.if %cond3A_424 {
          %add3A_425 = arith.constant 8 : i32
          %add3A_426 = arith.addi %add3A_315, %add3A_425 : i32
          %mul3A_427 = arith.constant 48 : i32
          %mul3A_428 = arith.muli %add3A_426, %mul3A_427 : i32
          %add3A_429 = arith.addi %add3A_112, %mul3A_428 : i32
          %min3A_430 = arith.constant 319952 : i32
          %min3A_431 = arith.minsi %add3A_429, %min3A_430 : i32
          %multiple_of3A_432 = tpu.assume_multiple %min3A_431, 8 : i32
          %dma_start3A = tpu.memref_slice %arg3[%multiple_of3A_432] : memref<320000xi32, #tpu.memory_space<hbm>> -> memref<48xi32, #tpu.memory_space<hbm>>
          %dma_start3A_433 = tpu.memref_slice %arg3[%multiple_of3A_432] : memref<320000xi32, #tpu.memory_space<hbm>> -> memref<48xi32, #tpu.memory_space<hbm>>
          tpu.enqueue_dma source(%dma_start3A_433 : memref<48xi32, #tpu.memory_space<hbm>>) target(%arg14 : memref<48xi32, #tpu.memory_space<vmem>>) target_semaphore(%arg30 : memref<!tpu.dma_semaphore, #tpu.memory_space<semaphore_mem>>)
          %dma_start3A_434 = arith.constant 0 : i32
          %dma_start3A_435 = tpu.memref_slice %arg2[%multiple_of3A_432, %dma_start3A_434] : memref<320000x128xf32, #tpu.memory_space<hbm>> -> memref<48x128xf32, #tpu.memory_space<hbm>>
          %dma_start3A_436 = arith.constant 0 : i32
          %dma_start3A_437 = tpu.memref_slice %arg2[%multiple_of3A_432, %dma_start3A_436] : memref<320000x128xf32, #tpu.memory_space<hbm>> -> memref<48x128xf32, #tpu.memory_space<hbm>>
          tpu.enqueue_dma source(%dma_start3A_437 : memref<48x128xf32, #tpu.memory_space<hbm>>) target(%arg22 : memref<48x128xf32, #tpu.memory_space<vmem>>) target_semaphore(%arg38 : memref<!tpu.dma_semaphore, #tpu.memory_space<semaphore_mem>>)
        } else {
        }
      } else {
      }
    }
    %while3A_235 = arith.constant 1 : i32
    scf.for %while3A_247 = %while3A_233 to %while3A_229 step %while3A_235  : i32 {
      %mul3A_248 = arith.constant 8 : i32
      %mul3A_249 = arith.muli %while3A_247, %mul3A_248 : i32
      %add3A_250 = arith.constant 0 : i32
      %add3A_251 = arith.addi %mul3A_249, %add3A_250 : i32
      %lt3A_252 = arith.cmpi slt, %add3A_251, %max3A_144 : i32
      %convert_element_type3A_253 = arith.extui %lt3A_252 : i1 to i32
      %cond3A_254 = arith.constant 0 : i32
      %cond3A_255 = arith.cmpi ne, %convert_element_type3A_253, %cond3A_254 : i32
      scf.if %cond3A_255 {
        %mul3A_312 = arith.constant 8 : i32
        %mul3A_313 = arith.muli %while3A_247, %mul3A_312 : i32
        %add3A_314 = arith.constant 0 : i32
        %add3A_315 = arith.addi %mul3A_313, %add3A_314 : i32
        %mul3A_316 = arith.constant 48 : i32
        %mul3A_317 = arith.muli %add3A_315, %mul3A_316 : i32
        %add3A_318 = arith.addi %add3A_112, %mul3A_317 : i32
        %min3A_319 = arith.constant 319952 : i32
        %min3A_320 = arith.minsi %add3A_318, %min3A_319 : i32
        %multiple_of3A_321 = tpu.assume_multiple %min3A_320, 8 : i32
        %mul3A_322 = arith.constant 48 : i32
        %mul3A_323 = arith.muli %add3A_315, %mul3A_322 : i32
        %add3A_324 = arith.addi %add3A_112, %mul3A_323 : i32
        %dma_wait3A = tpu.memref_slice %arg3[%multiple_of3A_321] : memref<320000xi32, #tpu.memory_space<hbm>> -> memref<48xi32, #tpu.memory_space<hbm>>
        %dma_wait3A_325 = tpu.memref_slice %arg3[%multiple_of3A_321] : memref<320000xi32, #tpu.memory_space<hbm>> -> memref<48xi32, #tpu.memory_space<hbm>>
        tpu.wait_dma2 semaphore(%arg23 : memref<!tpu.dma_semaphore, #tpu.memory_space<semaphore_mem>>) src(%dma_wait3A_325 : memref<48xi32, #tpu.memory_space<hbm>>) dst(%arg7 : memref<48xi32, #tpu.memory_space<vmem>>)
        %dma_wait3A_326 = arith.constant 0 : i32
        %dma_wait3A_327 = tpu.memref_slice %arg2[%multiple_of3A_321, %dma_wait3A_326] : memref<320000x128xf32, #tpu.memory_space<hbm>> -> memref<48x128xf32, #tpu.memory_space<hbm>>
        %dma_wait3A_328 = arith.constant 0 : i32
        %dma_wait3A_329 = tpu.memref_slice %arg2[%multiple_of3A_321, %dma_wait3A_328] : memref<320000x128xf32, #tpu.memory_space<hbm>> -> memref<48x128xf32, #tpu.memory_space<hbm>>
        tpu.wait_dma2 semaphore(%arg31 : memref<!tpu.dma_semaphore, #tpu.memory_space<semaphore_mem>>) src(%dma_wait3A_329 : memref<48x128xf32, #tpu.memory_space<hbm>>) dst(%arg15 : memref<48x128xf32, #tpu.memory_space<vmem>>)
        %add3A_330 = arith.constant 48 : i32
        %add3A_331 = arith.addi %add3A_324, %add3A_330 : i32
        %min3A_332 = arith.minsi %add3A_331, %min3A_114 : i32
        %add3A_333 = arith.constant 0 : i32
        %add3A_334 = arith.addi %multiple_of3A_321, %add3A_333 : i32
        %iota3A = tpu.iota {dimensions = array<i32: 0>} : vector<16xi32>
        %add3A_335 = vector.broadcast %add3A_334 : i32 to vector<16xi32>
        %add3A_336 = arith.addi %add3A_335, %iota3A : vector<16xi32>
        %get3A_337 = arith.constant 0 : index
        %get3A_338 = tpu.vector_load %arg7[%get3A_337] {strides = array<i32>} : memref<48xi32, #tpu.memory_space<vmem>>, vector<16xi32>,
        %get3A_339 = vector.shape_cast %get3A_338 : vector<16xi32> to vector<16xi32>
        %sub3A_340 = vector.broadcast %mul3A_146 : i32 to vector<16xi32>
        %sub3A_341 = arith.subi %get3A_339, %sub3A_340 : vector<16xi32>
        %ge3A = arith.constant 0 : i32
        %ge3A_342 = vector.broadcast %ge3A : i32 to vector<16xi32>
        %ge3A_343 = arith.cmpi sge, %sub3A_341, %ge3A_342 : vector<16xi32>
        %lt3A_344 = arith.constant 5000 : i32
        %lt3A_345 = vector.broadcast %lt3A_344 : i32 to vector<16xi32>
        %lt3A_346 = arith.cmpi slt, %sub3A_341, %lt3A_345 : vector<16xi32>
        %and3A_347 = arith.andi %ge3A_343, %lt3A_346 : vector<16xi1>
        %ge3A_348 = vector.broadcast %add3A_324 : i32 to vector<16xi32>
        %ge3A_349 = arith.cmpi sge, %add3A_336, %ge3A_348 : vector<16xi32>
        %and3A_350 = arith.andi %and3A_347, %ge3A_349 : vector<16xi1>
        %lt3A_351 = vector.broadcast %min3A_332 : i32 to vector<16xi32>
        %lt3A_352 = arith.cmpi slt, %add3A_336, %lt3A_351 : vector<16xi32>
        %and3A_353 = arith.andi %and3A_350, %lt3A_352 : vector<16xi1>
        %jit3A_354 = arith.constant 5000 : i32
        %broadcast_in_dim3A = vector.broadcast %jit3A_354 : i32 to vector<16xi32>
        %select_n3A_355 = arith.select %and3A_353, %sub3A_341, %broadcast_in_dim3A : vector<16xi1>, vector<16xi32>
        %swap3A = arith.constant 0 : index
        %swap3A_356 = tpu.vector_load %arg7[%swap3A] {strides = array<i32>} : memref<48xi32, #tpu.memory_space<vmem>>, vector<16xi32>,
        %swap3A_357 = vector.shape_cast %swap3A_356 : vector<16xi32> to vector<16xi32>
        %swap3A_358 = vector.shape_cast %select_n3A_355 : vector<16xi32> to vector<16xi32>
        tpu.vector_store %arg7[%swap3A], %swap3A_358 {strides = array<i32>} : memref<48xi32, #tpu.memory_space<vmem>>, vector<16xi32>,
        %add3A_359 = arith.constant 16 : i32
        %add3A_360 = arith.addi %multiple_of3A_321, %add3A_359 : i32
        %iota3A_361 = tpu.iota {dimensions = array<i32: 0>} : vector<16xi32>
        %add3A_362 = vector.broadcast %add3A_360 : i32 to vector<16xi32>
        %add3A_363 = arith.addi %add3A_362, %iota3A_361 : vector<16xi32>
        %get3A_364 = arith.constant 16 : index
        %get3A_365 = tpu.vector_load %arg7[%get3A_364] {strides = array<i32>} : memref<48xi32, #tpu.memory_space<vmem>>, vector<16xi32>,
        %get3A_366 = vector.shape_cast %get3A_365 : vector<16xi32> to vector<16xi32>
        %sub3A_367 = vector.broadcast %mul3A_146 : i32 to vector<16xi32>
        %sub3A_368 = arith.subi %get3A_366, %sub3A_367 : vector<16xi32>
        %ge3A_369 = arith.constant 0 : i32
        %ge3A_370 = vector.broadcast %ge3A_369 : i32 to vector<16xi32>
        %ge3A_371 = arith.cmpi sge, %sub3A_368, %ge3A_370 : vector<16xi32>
        %lt3A_372 = arith.constant 5000 : i32
        %lt3A_373 = vector.broadcast %lt3A_372 : i32 to vector<16xi32>
        %lt3A_374 = arith.cmpi slt, %sub3A_368, %lt3A_373 : vector<16xi32>
        %and3A_375 = arith.andi %ge3A_371, %lt3A_374 : vector<16xi1>
        %ge3A_376 = vector.broadcast %add3A_324 : i32 to vector<16xi32>
        %ge3A_377 = arith.cmpi sge, %add3A_363, %ge3A_376 : vector<16xi32>
        %and3A_378 = arith.andi %and3A_375, %ge3A_377 : vector<16xi1>
        %lt3A_379 = vector.broadcast %min3A_332 : i32 to vector<16xi32>
        %lt3A_380 = arith.cmpi slt, %add3A_363, %lt3A_379 : vector<16xi32>
        %and3A_381 = arith.andi %and3A_378, %lt3A_380 : vector<16xi1>
        %jit3A_382 = arith.constant 5000 : i32
        %broadcast_in_dim3A_383 = vector.broadcast %jit3A_382 : i32 to vector<16xi32>
        %select_n3A_384 = arith.select %and3A_381, %sub3A_368, %broadcast_in_dim3A_383 : vector<16xi1>, vector<16xi32>
        %swap3A_385 = arith.constant 16 : index
        %swap3A_386 = tpu.vector_load %arg7[%swap3A_385] {strides = array<i32>} : memref<48xi32, #tpu.memory_space<vmem>>, vector<16xi32>,
        %swap3A_387 = vector.shape_cast %swap3A_386 : vector<16xi32> to vector<16xi32>
        %swap3A_388 = vector.shape_cast %select_n3A_384 : vector<16xi32> to vector<16xi32>
        tpu.vector_store %arg7[%swap3A_385], %swap3A_388 {strides = array<i32>} : memref<48xi32, #tpu.memory_space<vmem>>, vector<16xi32>,
        %add3A_389 = arith.constant 32 : i32
        %add3A_390 = arith.addi %multiple_of3A_321, %add3A_389 : i32
        %iota3A_391 = tpu.iota {dimensions = array<i32: 0>} : vector<16xi32>
        %add3A_392 = vector.broadcast %add3A_390 : i32 to vector<16xi32>
        %add3A_393 = arith.addi %add3A_392, %iota3A_391 : vector<16xi32>
        %get3A_394 = arith.constant 32 : index
        %get3A_395 = tpu.vector_load %arg7[%get3A_394] {strides = array<i32>} : memref<48xi32, #tpu.memory_space<vmem>>, vector<16xi32>,
        %get3A_396 = vector.shape_cast %get3A_395 : vector<16xi32> to vector<16xi32>
        %sub3A_397 = vector.broadcast %mul3A_146 : i32 to vector<16xi32>
        %sub3A_398 = arith.subi %get3A_396, %sub3A_397 : vector<16xi32>
        %ge3A_399 = arith.constant 0 : i32
        %ge3A_400 = vector.broadcast %ge3A_399 : i32 to vector<16xi32>
        %ge3A_401 = arith.cmpi sge, %sub3A_398, %ge3A_400 : vector<16xi32>
        %lt3A_402 = arith.constant 5000 : i32
        %lt3A_403 = vector.broadcast %lt3A_402 : i32 to vector<16xi32>
        %lt3A_404 = arith.cmpi slt, %sub3A_398, %lt3A_403 : vector<16xi32>
        %and3A_405 = arith.andi %ge3A_401, %lt3A_404 : vector<16xi1>
        %ge3A_406 = vector.broadcast %add3A_324 : i32 to vector<16xi32>
        %ge3A_407 = arith.cmpi sge, %add3A_393, %ge3A_406 : vector<16xi32>
        %and3A_408 = arith.andi %and3A_405, %ge3A_407 : vector<16xi1>
        %lt3A_409 = vector.broadcast %min3A_332 : i32 to vector<16xi32>
        %lt3A_410 = arith.cmpi slt, %add3A_393, %lt3A_409 : vector<16xi32>
        %and3A_411 = arith.andi %and3A_408, %lt3A_410 : vector<16xi1>
        %jit3A_412 = arith.constant 5000 : i32
        %broadcast_in_dim3A_413 = vector.broadcast %jit3A_412 : i32 to vector<16xi32>
        %select_n3A_414 = arith.select %and3A_411, %sub3A_398, %broadcast_in_dim3A_413 : vector<16xi1>, vector<16xi32>
        %swap3A_415 = arith.constant 32 : index
        %swap3A_416 = tpu.vector_load %arg7[%swap3A_415] {strides = array<i32>} : memref<48xi32, #tpu.memory_space<vmem>>, vector<16xi32>,
        %swap3A_417 = vector.shape_cast %swap3A_416 : vector<16xi32> to vector<16xi32>
        %swap3A_418 = vector.shape_cast %select_n3A_414 : vector<16xi32> to vector<16xi32>
        tpu.vector_store %arg7[%swap3A_415], %swap3A_418 {strides = array<i32>} : memref<48xi32, #tpu.memory_space<vmem>>, vector<16xi32>,
        "tpu.region"() ({
          %run_scoped3A = tpu.sem_alloc : memref<!tpu.dma_semaphore, #tpu.memory_space<semaphore_mem>>
          %dma_start3A = arith.constant 0 : i32
          %dma_start3A_425 = arith.constant 0 : i32
          %dma_start3A_426 = tpu.memref_slice %arg40[%dma_start3A, %dma_start3A_425] : memref<5008x128xf32, #tpu.memory_space<vmem_shared>> -> memref<5008x128xf32, #tpu.memory_space<vmem_shared>>
          tpu.enqueue_indirect_dma source(%arg15 : memref<48x128xf32, #tpu.memory_space<vmem>>) target(%dma_start3A_426 : memref<5008x128xf32, #tpu.memory_space<vmem_shared>>) offsets(%arg7 : memref<48xi32, #tpu.memory_space<vmem>>) semaphore(%run_scoped3A : memref<!tpu.dma_semaphore, #tpu.memory_space<semaphore_mem>>) {add = true}
          %dma_wait3A_427 = arith.constant 0 : i32
          %dma_wait3A_428 = arith.constant 0 : i32
          %dma_wait3A_429 = tpu.memref_slice %arg40[%dma_wait3A_427, %dma_wait3A_428] : memref<5008x128xf32, #tpu.memory_space<vmem_shared>> -> memref<5008x128xf32, #tpu.memory_space<vmem_shared>>
          tpu.wait_indirect_dma semaphore(%run_scoped3A : memref<!tpu.dma_semaphore, #tpu.memory_space<semaphore_mem>>) src(%arg15 : memref<48x128xf32, #tpu.memory_space<vmem>>) dst(%dma_wait3A_429 : memref<5008x128xf32, #tpu.memory_space<vmem_shared>>)
          tpu.yield
        }) : () -> ()
        %add3A_419 = arith.constant 8 : i32
        %add3A_420 = arith.addi %add3A_315, %add3A_419 : i32
        %lt3A_421 = arith.cmpi slt, %add3A_420, %max3A_144 : i32
        %convert_element_type3A_422 = arith.extui %lt3A_421 : i1 to i32
        %cond3A_423 = arith.constant 0 : i32
        %cond3A_424 = arith.cmpi ne, %convert_element_type3A_422, %cond3A_423 : i32
        scf.if %cond3A_424 {
          %add3A_425 = arith.constant 8 : i32
          %add3A_426 = arith.addi %add3A_315, %add3A_425 : i32
          %mul3A_427 = arith.constant 48 : i32
          %mul3A_428 = arith.muli %add3A_426, %mul3A_427 : i32
          %add3A_429 = arith.addi %add3A_112, %mul3A_428 : i32
          %min3A_430 = arith.constant 319952 : i32
          %min3A_431 = arith.minsi %add3A_429, %min3A_430 : i32
          %multiple_of3A_432 = tpu.assume_multiple %min3A_431, 8 : i32
          %dma_start3A = tpu.memref_slice %arg3[%multiple_of3A_432] : memref<320000xi32, #tpu.memory_space<hbm>> -> memref<48xi32, #tpu.memory_space<hbm>>
          %dma_start3A_433 = tpu.memref_slice %arg3[%multiple_of3A_432] : memref<320000xi32, #tpu.memory_space<hbm>> -> memref<48xi32, #tpu.memory_space<hbm>>
          tpu.enqueue_dma source(%dma_start3A_433 : memref<48xi32, #tpu.memory_space<hbm>>) target(%arg7 : memref<48xi32, #tpu.memory_space<vmem>>) target_semaphore(%arg23 : memref<!tpu.dma_semaphore, #tpu.memory_space<semaphore_mem>>)
          %dma_start3A_434 = arith.constant 0 : i32
          %dma_start3A_435 = tpu.memref_slice %arg2[%multiple_of3A_432, %dma_start3A_434] : memref<320000x128xf32, #tpu.memory_space<hbm>> -> memref<48x128xf32, #tpu.memory_space<hbm>>
          %dma_start3A_436 = arith.constant 0 : i32
          %dma_start3A_437 = tpu.memref_slice %arg2[%multiple_of3A_432, %dma_start3A_436] : memref<320000x128xf32, #tpu.memory_space<hbm>> -> memref<48x128xf32, #tpu.memory_space<hbm>>
          tpu.enqueue_dma source(%dma_start3A_437 : memref<48x128xf32, #tpu.memory_space<hbm>>) target(%arg15 : memref<48x128xf32, #tpu.memory_space<vmem>>) target_semaphore(%arg31 : memref<!tpu.dma_semaphore, #tpu.memory_space<semaphore_mem>>)
        } else {
        }
      } else {
      }
      %mul3A_256 = arith.constant 8 : i32
      %mul3A_257 = arith.muli %while3A_247, %mul3A_256 : i32
      %add3A_258 = arith.constant 1 : i32
      %add3A_259 = arith.addi %mul3A_257, %add3A_258 : i32
      %lt3A_260 = arith.cmpi slt, %add3A_259, %max3A_144 : i32
      %convert_element_type3A_261 = arith.extui %lt3A_260 : i1 to i32
      %cond3A_262 = arith.constant 0 : i32
      %cond3A_263 = arith.cmpi ne, %convert_element_type3A_261, %cond3A_262 : i32
      scf.if %cond3A_263 {
        %mul3A_312 = arith.constant 8 : i32
        %mul3A_313 = arith.muli %while3A_247, %mul3A_312 : i32
        %add3A_314 = arith.constant 1 : i32
        %add3A_315 = arith.addi %mul3A_313, %add3A_314 : i32
        %mul3A_316 = arith.constant 48 : i32
        %mul3A_317 = arith.muli %add3A_315, %mul3A_316 : i32
        %add3A_318 = arith.addi %add3A_112, %mul3A_317 : i32
        %min3A_319 = arith.constant 319952 : i32
        %min3A_320 = arith.minsi %add3A_318, %min3A_319 : i32
        %multiple_of3A_321 = tpu.assume_multiple %min3A_320, 8 : i32
        %mul3A_322 = arith.constant 48 : i32
        %mul3A_323 = arith.muli %add3A_315, %mul3A_322 : i32
        %add3A_324 = arith.addi %add3A_112, %mul3A_323 : i32
        %dma_wait3A = tpu.memref_slice %arg3[%multiple_of3A_321] : memref<320000xi32, #tpu.memory_space<hbm>> -> memref<48xi32, #tpu.memory_space<hbm>>
        %dma_wait3A_325 = tpu.memref_slice %arg3[%multiple_of3A_321] : memref<320000xi32, #tpu.memory_space<hbm>> -> memref<48xi32, #tpu.memory_space<hbm>>
        tpu.wait_dma2 semaphore(%arg24 : memref<!tpu.dma_semaphore, #tpu.memory_space<semaphore_mem>>) src(%dma_wait3A_325 : memref<48xi32, #tpu.memory_space<hbm>>) dst(%arg8 : memref<48xi32, #tpu.memory_space<vmem>>)
        %dma_wait3A_326 = arith.constant 0 : i32
        %dma_wait3A_327 = tpu.memref_slice %arg2[%multiple_of3A_321, %dma_wait3A_326] : memref<320000x128xf32, #tpu.memory_space<hbm>> -> memref<48x128xf32, #tpu.memory_space<hbm>>
        %dma_wait3A_328 = arith.constant 0 : i32
        %dma_wait3A_329 = tpu.memref_slice %arg2[%multiple_of3A_321, %dma_wait3A_328] : memref<320000x128xf32, #tpu.memory_space<hbm>> -> memref<48x128xf32, #tpu.memory_space<hbm>>
        tpu.wait_dma2 semaphore(%arg32 : memref<!tpu.dma_semaphore, #tpu.memory_space<semaphore_mem>>) src(%dma_wait3A_329 : memref<48x128xf32, #tpu.memory_space<hbm>>) dst(%arg16 : memref<48x128xf32, #tpu.memory_space<vmem>>)
        %add3A_330 = arith.constant 48 : i32
        %add3A_331 = arith.addi %add3A_324, %add3A_330 : i32
        %min3A_332 = arith.minsi %add3A_331, %min3A_114 : i32
        %add3A_333 = arith.constant 0 : i32
        %add3A_334 = arith.addi %multiple_of3A_321, %add3A_333 : i32
        %iota3A = tpu.iota {dimensions = array<i32: 0>} : vector<16xi32>
        %add3A_335 = vector.broadcast %add3A_334 : i32 to vector<16xi32>
        %add3A_336 = arith.addi %add3A_335, %iota3A : vector<16xi32>
        %get3A_337 = arith.constant 0 : index
        %get3A_338 = tpu.vector_load %arg8[%get3A_337] {strides = array<i32>} : memref<48xi32, #tpu.memory_space<vmem>>, vector<16xi32>,
        %get3A_339 = vector.shape_cast %get3A_338 : vector<16xi32> to vector<16xi32>
        %sub3A_340 = vector.broadcast %mul3A_146 : i32 to vector<16xi32>
        %sub3A_341 = arith.subi %get3A_339, %sub3A_340 : vector<16xi32>
        %ge3A = arith.constant 0 : i32
        %ge3A_342 = vector.broadcast %ge3A : i32 to vector<16xi32>
        %ge3A_343 = arith.cmpi sge, %sub3A_341, %ge3A_342 : vector<16xi32>
        %lt3A_344 = arith.constant 5000 : i32
        %lt3A_345 = vector.broadcast %lt3A_344 : i32 to vector<16xi32>
        %lt3A_346 = arith.cmpi slt, %sub3A_341, %lt3A_345 : vector<16xi32>
        %and3A_347 = arith.andi %ge3A_343, %lt3A_346 : vector<16xi1>
        %ge3A_348 = vector.broadcast %add3A_324 : i32 to vector<16xi32>
        %ge3A_349 = arith.cmpi sge, %add3A_336, %ge3A_348 : vector<16xi32>
        %and3A_350 = arith.andi %and3A_347, %ge3A_349 : vector<16xi1>
        %lt3A_351 = vector.broadcast %min3A_332 : i32 to vector<16xi32>
        %lt3A_352 = arith.cmpi slt, %add3A_336, %lt3A_351 : vector<16xi32>
        %and3A_353 = arith.andi %and3A_350, %lt3A_352 : vector<16xi1>
        %jit3A_354 = arith.constant 5000 : i32
        %broadcast_in_dim3A = vector.broadcast %jit3A_354 : i32 to vector<16xi32>
        %select_n3A_355 = arith.select %and3A_353, %sub3A_341, %broadcast_in_dim3A : vector<16xi1>, vector<16xi32>
        %swap3A = arith.constant 0 : index
        %swap3A_356 = tpu.vector_load %arg8[%swap3A] {strides = array<i32>} : memref<48xi32, #tpu.memory_space<vmem>>, vector<16xi32>,
        %swap3A_357 = vector.shape_cast %swap3A_356 : vector<16xi32> to vector<16xi32>
        %swap3A_358 = vector.shape_cast %select_n3A_355 : vector<16xi32> to vector<16xi32>
        tpu.vector_store %arg8[%swap3A], %swap3A_358 {strides = array<i32>} : memref<48xi32, #tpu.memory_space<vmem>>, vector<16xi32>,
        %add3A_359 = arith.constant 16 : i32
        %add3A_360 = arith.addi %multiple_of3A_321, %add3A_359 : i32
        %iota3A_361 = tpu.iota {dimensions = array<i32: 0>} : vector<16xi32>
        %add3A_362 = vector.broadcast %add3A_360 : i32 to vector<16xi32>
        %add3A_363 = arith.addi %add3A_362, %iota3A_361 : vector<16xi32>
        %get3A_364 = arith.constant 16 : index
        %get3A_365 = tpu.vector_load %arg8[%get3A_364] {strides = array<i32>} : memref<48xi32, #tpu.memory_space<vmem>>, vector<16xi32>,
        %get3A_366 = vector.shape_cast %get3A_365 : vector<16xi32> to vector<16xi32>
        %sub3A_367 = vector.broadcast %mul3A_146 : i32 to vector<16xi32>
        %sub3A_368 = arith.subi %get3A_366, %sub3A_367 : vector<16xi32>
        %ge3A_369 = arith.constant 0 : i32
        %ge3A_370 = vector.broadcast %ge3A_369 : i32 to vector<16xi32>
        %ge3A_371 = arith.cmpi sge, %sub3A_368, %ge3A_370 : vector<16xi32>
        %lt3A_372 = arith.constant 5000 : i32
        %lt3A_373 = vector.broadcast %lt3A_372 : i32 to vector<16xi32>
        %lt3A_374 = arith.cmpi slt, %sub3A_368, %lt3A_373 : vector<16xi32>
        %and3A_375 = arith.andi %ge3A_371, %lt3A_374 : vector<16xi1>
        %ge3A_376 = vector.broadcast %add3A_324 : i32 to vector<16xi32>
        %ge3A_377 = arith.cmpi sge, %add3A_363, %ge3A_376 : vector<16xi32>
        %and3A_378 = arith.andi %and3A_375, %ge3A_377 : vector<16xi1>
        %lt3A_379 = vector.broadcast %min3A_332 : i32 to vector<16xi32>
        %lt3A_380 = arith.cmpi slt, %add3A_363, %lt3A_379 : vector<16xi32>
        %and3A_381 = arith.andi %and3A_378, %lt3A_380 : vector<16xi1>
        %jit3A_382 = arith.constant 5000 : i32
        %broadcast_in_dim3A_383 = vector.broadcast %jit3A_382 : i32 to vector<16xi32>
        %select_n3A_384 = arith.select %and3A_381, %sub3A_368, %broadcast_in_dim3A_383 : vector<16xi1>, vector<16xi32>
        %swap3A_385 = arith.constant 16 : index
        %swap3A_386 = tpu.vector_load %arg8[%swap3A_385] {strides = array<i32>} : memref<48xi32, #tpu.memory_space<vmem>>, vector<16xi32>,
        %swap3A_387 = vector.shape_cast %swap3A_386 : vector<16xi32> to vector<16xi32>
        %swap3A_388 = vector.shape_cast %select_n3A_384 : vector<16xi32> to vector<16xi32>
        tpu.vector_store %arg8[%swap3A_385], %swap3A_388 {strides = array<i32>} : memref<48xi32, #tpu.memory_space<vmem>>, vector<16xi32>,
        %add3A_389 = arith.constant 32 : i32
        %add3A_390 = arith.addi %multiple_of3A_321, %add3A_389 : i32
        %iota3A_391 = tpu.iota {dimensions = array<i32: 0>} : vector<16xi32>
        %add3A_392 = vector.broadcast %add3A_390 : i32 to vector<16xi32>
        %add3A_393 = arith.addi %add3A_392, %iota3A_391 : vector<16xi32>
        %get3A_394 = arith.constant 32 : index
        %get3A_395 = tpu.vector_load %arg8[%get3A_394] {strides = array<i32>} : memref<48xi32, #tpu.memory_space<vmem>>, vector<16xi32>,
        %get3A_396 = vector.shape_cast %get3A_395 : vector<16xi32> to vector<16xi32>
        %sub3A_397 = vector.broadcast %mul3A_146 : i32 to vector<16xi32>
        %sub3A_398 = arith.subi %get3A_396, %sub3A_397 : vector<16xi32>
        %ge3A_399 = arith.constant 0 : i32
        %ge3A_400 = vector.broadcast %ge3A_399 : i32 to vector<16xi32>
        %ge3A_401 = arith.cmpi sge, %sub3A_398, %ge3A_400 : vector<16xi32>
        %lt3A_402 = arith.constant 5000 : i32
        %lt3A_403 = vector.broadcast %lt3A_402 : i32 to vector<16xi32>
        %lt3A_404 = arith.cmpi slt, %sub3A_398, %lt3A_403 : vector<16xi32>
        %and3A_405 = arith.andi %ge3A_401, %lt3A_404 : vector<16xi1>
        %ge3A_406 = vector.broadcast %add3A_324 : i32 to vector<16xi32>
        %ge3A_407 = arith.cmpi sge, %add3A_393, %ge3A_406 : vector<16xi32>
        %and3A_408 = arith.andi %and3A_405, %ge3A_407 : vector<16xi1>
        %lt3A_409 = vector.broadcast %min3A_332 : i32 to vector<16xi32>
        %lt3A_410 = arith.cmpi slt, %add3A_393, %lt3A_409 : vector<16xi32>
        %and3A_411 = arith.andi %and3A_408, %lt3A_410 : vector<16xi1>
        %jit3A_412 = arith.constant 5000 : i32
        %broadcast_in_dim3A_413 = vector.broadcast %jit3A_412 : i32 to vector<16xi32>
        %select_n3A_414 = arith.select %and3A_411, %sub3A_398, %broadcast_in_dim3A_413 : vector<16xi1>, vector<16xi32>
        %swap3A_415 = arith.constant 32 : index
        %swap3A_416 = tpu.vector_load %arg8[%swap3A_415] {strides = array<i32>} : memref<48xi32, #tpu.memory_space<vmem>>, vector<16xi32>,
        %swap3A_417 = vector.shape_cast %swap3A_416 : vector<16xi32> to vector<16xi32>
        %swap3A_418 = vector.shape_cast %select_n3A_414 : vector<16xi32> to vector<16xi32>
        tpu.vector_store %arg8[%swap3A_415], %swap3A_418 {strides = array<i32>} : memref<48xi32, #tpu.memory_space<vmem>>, vector<16xi32>,
        "tpu.region"() ({
          %run_scoped3A = tpu.sem_alloc : memref<!tpu.dma_semaphore, #tpu.memory_space<semaphore_mem>>
          %dma_start3A = arith.constant 0 : i32
          %dma_start3A_425 = arith.constant 0 : i32
          %dma_start3A_426 = tpu.memref_slice %arg40[%dma_start3A, %dma_start3A_425] : memref<5008x128xf32, #tpu.memory_space<vmem_shared>> -> memref<5008x128xf32, #tpu.memory_space<vmem_shared>>
          tpu.enqueue_indirect_dma source(%arg16 : memref<48x128xf32, #tpu.memory_space<vmem>>) target(%dma_start3A_426 : memref<5008x128xf32, #tpu.memory_space<vmem_shared>>) offsets(%arg8 : memref<48xi32, #tpu.memory_space<vmem>>) semaphore(%run_scoped3A : memref<!tpu.dma_semaphore, #tpu.memory_space<semaphore_mem>>) {add = true}
          %dma_wait3A_427 = arith.constant 0 : i32
          %dma_wait3A_428 = arith.constant 0 : i32
          %dma_wait3A_429 = tpu.memref_slice %arg40[%dma_wait3A_427, %dma_wait3A_428] : memref<5008x128xf32, #tpu.memory_space<vmem_shared>> -> memref<5008x128xf32, #tpu.memory_space<vmem_shared>>
          tpu.wait_indirect_dma semaphore(%run_scoped3A : memref<!tpu.dma_semaphore, #tpu.memory_space<semaphore_mem>>) src(%arg16 : memref<48x128xf32, #tpu.memory_space<vmem>>) dst(%dma_wait3A_429 : memref<5008x128xf32, #tpu.memory_space<vmem_shared>>)
          tpu.yield
        }) : () -> ()
        %add3A_419 = arith.constant 8 : i32
        %add3A_420 = arith.addi %add3A_315, %add3A_419 : i32
        %lt3A_421 = arith.cmpi slt, %add3A_420, %max3A_144 : i32
        %convert_element_type3A_422 = arith.extui %lt3A_421 : i1 to i32
        %cond3A_423 = arith.constant 0 : i32
        %cond3A_424 = arith.cmpi ne, %convert_element_type3A_422, %cond3A_423 : i32
        scf.if %cond3A_424 {
          %add3A_425 = arith.constant 8 : i32
          %add3A_426 = arith.addi %add3A_315, %add3A_425 : i32
          %mul3A_427 = arith.constant 48 : i32
          %mul3A_428 = arith.muli %add3A_426, %mul3A_427 : i32
          %add3A_429 = arith.addi %add3A_112, %mul3A_428 : i32
          %min3A_430 = arith.constant 319952 : i32
          %min3A_431 = arith.minsi %add3A_429, %min3A_430 : i32
          %multiple_of3A_432 = tpu.assume_multiple %min3A_431, 8 : i32
          %dma_start3A = tpu.memref_slice %arg3[%multiple_of3A_432] : memref<320000xi32, #tpu.memory_space<hbm>> -> memref<48xi32, #tpu.memory_space<hbm>>
          %dma_start3A_433 = tpu.memref_slice %arg3[%multiple_of3A_432] : memref<320000xi32, #tpu.memory_space<hbm>> -> memref<48xi32, #tpu.memory_space<hbm>>
          tpu.enqueue_dma source(%dma_start3A_433 : memref<48xi32, #tpu.memory_space<hbm>>) target(%arg8 : memref<48xi32, #tpu.memory_space<vmem>>) target_semaphore(%arg24 : memref<!tpu.dma_semaphore, #tpu.memory_space<semaphore_mem>>)
          %dma_start3A_434 = arith.constant 0 : i32
          %dma_start3A_435 = tpu.memref_slice %arg2[%multiple_of3A_432, %dma_start3A_434] : memref<320000x128xf32, #tpu.memory_space<hbm>> -> memref<48x128xf32, #tpu.memory_space<hbm>>
          %dma_start3A_436 = arith.constant 0 : i32
          %dma_start3A_437 = tpu.memref_slice %arg2[%multiple_of3A_432, %dma_start3A_436] : memref<320000x128xf32, #tpu.memory_space<hbm>> -> memref<48x128xf32, #tpu.memory_space<hbm>>
          tpu.enqueue_dma source(%dma_start3A_437 : memref<48x128xf32, #tpu.memory_space<hbm>>) target(%arg16 : memref<48x128xf32, #tpu.memory_space<vmem>>) target_semaphore(%arg32 : memref<!tpu.dma_semaphore, #tpu.memory_space<semaphore_mem>>)
        } else {
        }
      } else {
      }
      %mul3A_264 = arith.constant 8 : i32
      %mul3A_265 = arith.muli %while3A_247, %mul3A_264 : i32
      %add3A_266 = arith.constant 2 : i32
      %add3A_267 = arith.addi %mul3A_265, %add3A_266 : i32
      %lt3A_268 = arith.cmpi slt, %add3A_267, %max3A_144 : i32
      %convert_element_type3A_269 = arith.extui %lt3A_268 : i1 to i32
      %cond3A_270 = arith.constant 0 : i32
      %cond3A_271 = arith.cmpi ne, %convert_element_type3A_269, %cond3A_270 : i32
      scf.if %cond3A_271 {
        %mul3A_312 = arith.constant 8 : i32
        %mul3A_313 = arith.muli %while3A_247, %mul3A_312 : i32
        %add3A_314 = arith.constant 2 : i32
        %add3A_315 = arith.addi %mul3A_313, %add3A_314 : i32
        %mul3A_316 = arith.constant 48 : i32
        %mul3A_317 = arith.muli %add3A_315, %mul3A_316 : i32
        %add3A_318 = arith.addi %add3A_112, %mul3A_317 : i32
        %min3A_319 = arith.constant 319952 : i32
        %min3A_320 = arith.minsi %add3A_318, %min3A_319 : i32
        %multiple_of3A_321 = tpu.assume_multiple %min3A_320, 8 : i32
        %mul3A_322 = arith.constant 48 : i32
        %mul3A_323 = arith.muli %add3A_315, %mul3A_322 : i32
        %add3A_324 = arith.addi %add3A_112, %mul3A_323 : i32
        %dma_wait3A = tpu.memref_slice %arg3[%multiple_of3A_321] : memref<320000xi32, #tpu.memory_space<hbm>> -> memref<48xi32, #tpu.memory_space<hbm>>
        %dma_wait3A_325 = tpu.memref_slice %arg3[%multiple_of3A_321] : memref<320000xi32, #tpu.memory_space<hbm>> -> memref<48xi32, #tpu.memory_space<hbm>>
        tpu.wait_dma2 semaphore(%arg25 : memref<!tpu.dma_semaphore, #tpu.memory_space<semaphore_mem>>) src(%dma_wait3A_325 : memref<48xi32, #tpu.memory_space<hbm>>) dst(%arg9 : memref<48xi32, #tpu.memory_space<vmem>>)
        %dma_wait3A_326 = arith.constant 0 : i32
        %dma_wait3A_327 = tpu.memref_slice %arg2[%multiple_of3A_321, %dma_wait3A_326] : memref<320000x128xf32, #tpu.memory_space<hbm>> -> memref<48x128xf32, #tpu.memory_space<hbm>>
        %dma_wait3A_328 = arith.constant 0 : i32
        %dma_wait3A_329 = tpu.memref_slice %arg2[%multiple_of3A_321, %dma_wait3A_328] : memref<320000x128xf32, #tpu.memory_space<hbm>> -> memref<48x128xf32, #tpu.memory_space<hbm>>
        tpu.wait_dma2 semaphore(%arg33 : memref<!tpu.dma_semaphore, #tpu.memory_space<semaphore_mem>>) src(%dma_wait3A_329 : memref<48x128xf32, #tpu.memory_space<hbm>>) dst(%arg17 : memref<48x128xf32, #tpu.memory_space<vmem>>)
        %add3A_330 = arith.constant 48 : i32
        %add3A_331 = arith.addi %add3A_324, %add3A_330 : i32
        %min3A_332 = arith.minsi %add3A_331, %min3A_114 : i32
        %add3A_333 = arith.constant 0 : i32
        %add3A_334 = arith.addi %multiple_of3A_321, %add3A_333 : i32
        %iota3A = tpu.iota {dimensions = array<i32: 0>} : vector<16xi32>
        %add3A_335 = vector.broadcast %add3A_334 : i32 to vector<16xi32>
        %add3A_336 = arith.addi %add3A_335, %iota3A : vector<16xi32>
        %get3A_337 = arith.constant 0 : index
        %get3A_338 = tpu.vector_load %arg9[%get3A_337] {strides = array<i32>} : memref<48xi32, #tpu.memory_space<vmem>>, vector<16xi32>,
        %get3A_339 = vector.shape_cast %get3A_338 : vector<16xi32> to vector<16xi32>
        %sub3A_340 = vector.broadcast %mul3A_146 : i32 to vector<16xi32>
        %sub3A_341 = arith.subi %get3A_339, %sub3A_340 : vector<16xi32>
        %ge3A = arith.constant 0 : i32
        %ge3A_342 = vector.broadcast %ge3A : i32 to vector<16xi32>
        %ge3A_343 = arith.cmpi sge, %sub3A_341, %ge3A_342 : vector<16xi32>
        %lt3A_344 = arith.constant 5000 : i32
        %lt3A_345 = vector.broadcast %lt3A_344 : i32 to vector<16xi32>
        %lt3A_346 = arith.cmpi slt, %sub3A_341, %lt3A_345 : vector<16xi32>
        %and3A_347 = arith.andi %ge3A_343, %lt3A_346 : vector<16xi1>
        %ge3A_348 = vector.broadcast %add3A_324 : i32 to vector<16xi32>
        %ge3A_349 = arith.cmpi sge, %add3A_336, %ge3A_348 : vector<16xi32>
        %and3A_350 = arith.andi %and3A_347, %ge3A_349 : vector<16xi1>
        %lt3A_351 = vector.broadcast %min3A_332 : i32 to vector<16xi32>
        %lt3A_352 = arith.cmpi slt, %add3A_336, %lt3A_351 : vector<16xi32>
        %and3A_353 = arith.andi %and3A_350, %lt3A_352 : vector<16xi1>
        %jit3A_354 = arith.constant 5000 : i32
        %broadcast_in_dim3A = vector.broadcast %jit3A_354 : i32 to vector<16xi32>
        %select_n3A_355 = arith.select %and3A_353, %sub3A_341, %broadcast_in_dim3A : vector<16xi1>, vector<16xi32>
        %swap3A = arith.constant 0 : index
        %swap3A_356 = tpu.vector_load %arg9[%swap3A] {strides = array<i32>} : memref<48xi32, #tpu.memory_space<vmem>>, vector<16xi32>,
        %swap3A_357 = vector.shape_cast %swap3A_356 : vector<16xi32> to vector<16xi32>
        %swap3A_358 = vector.shape_cast %select_n3A_355 : vector<16xi32> to vector<16xi32>
        tpu.vector_store %arg9[%swap3A], %swap3A_358 {strides = array<i32>} : memref<48xi32, #tpu.memory_space<vmem>>, vector<16xi32>,
        %add3A_359 = arith.constant 16 : i32
        %add3A_360 = arith.addi %multiple_of3A_321, %add3A_359 : i32
        %iota3A_361 = tpu.iota {dimensions = array<i32: 0>} : vector<16xi32>
        %add3A_362 = vector.broadcast %add3A_360 : i32 to vector<16xi32>
        %add3A_363 = arith.addi %add3A_362, %iota3A_361 : vector<16xi32>
        %get3A_364 = arith.constant 16 : index
        %get3A_365 = tpu.vector_load %arg9[%get3A_364] {strides = array<i32>} : memref<48xi32, #tpu.memory_space<vmem>>, vector<16xi32>,
        %get3A_366 = vector.shape_cast %get3A_365 : vector<16xi32> to vector<16xi32>
        %sub3A_367 = vector.broadcast %mul3A_146 : i32 to vector<16xi32>
        %sub3A_368 = arith.subi %get3A_366, %sub3A_367 : vector<16xi32>
        %ge3A_369 = arith.constant 0 : i32
        %ge3A_370 = vector.broadcast %ge3A_369 : i32 to vector<16xi32>
        %ge3A_371 = arith.cmpi sge, %sub3A_368, %ge3A_370 : vector<16xi32>
        %lt3A_372 = arith.constant 5000 : i32
        %lt3A_373 = vector.broadcast %lt3A_372 : i32 to vector<16xi32>
        %lt3A_374 = arith.cmpi slt, %sub3A_368, %lt3A_373 : vector<16xi32>
        %and3A_375 = arith.andi %ge3A_371, %lt3A_374 : vector<16xi1>
        %ge3A_376 = vector.broadcast %add3A_324 : i32 to vector<16xi32>
        %ge3A_377 = arith.cmpi sge, %add3A_363, %ge3A_376 : vector<16xi32>
        %and3A_378 = arith.andi %and3A_375, %ge3A_377 : vector<16xi1>
        %lt3A_379 = vector.broadcast %min3A_332 : i32 to vector<16xi32>
        %lt3A_380 = arith.cmpi slt, %add3A_363, %lt3A_379 : vector<16xi32>
        %and3A_381 = arith.andi %and3A_378, %lt3A_380 : vector<16xi1>
        %jit3A_382 = arith.constant 5000 : i32
        %broadcast_in_dim3A_383 = vector.broadcast %jit3A_382 : i32 to vector<16xi32>
        %select_n3A_384 = arith.select %and3A_381, %sub3A_368, %broadcast_in_dim3A_383 : vector<16xi1>, vector<16xi32>
        %swap3A_385 = arith.constant 16 : index
        %swap3A_386 = tpu.vector_load %arg9[%swap3A_385] {strides = array<i32>} : memref<48xi32, #tpu.memory_space<vmem>>, vector<16xi32>,
        %swap3A_387 = vector.shape_cast %swap3A_386 : vector<16xi32> to vector<16xi32>
        %swap3A_388 = vector.shape_cast %select_n3A_384 : vector<16xi32> to vector<16xi32>
        tpu.vector_store %arg9[%swap3A_385], %swap3A_388 {strides = array<i32>} : memref<48xi32, #tpu.memory_space<vmem>>, vector<16xi32>,
        %add3A_389 = arith.constant 32 : i32
        %add3A_390 = arith.addi %multiple_of3A_321, %add3A_389 : i32
        %iota3A_391 = tpu.iota {dimensions = array<i32: 0>} : vector<16xi32>
        %add3A_392 = vector.broadcast %add3A_390 : i32 to vector<16xi32>
        %add3A_393 = arith.addi %add3A_392, %iota3A_391 : vector<16xi32>
        %get3A_394 = arith.constant 32 : index
        %get3A_395 = tpu.vector_load %arg9[%get3A_394] {strides = array<i32>} : memref<48xi32, #tpu.memory_space<vmem>>, vector<16xi32>,
        %get3A_396 = vector.shape_cast %get3A_395 : vector<16xi32> to vector<16xi32>
        %sub3A_397 = vector.broadcast %mul3A_146 : i32 to vector<16xi32>
        %sub3A_398 = arith.subi %get3A_396, %sub3A_397 : vector<16xi32>
        %ge3A_399 = arith.constant 0 : i32
        %ge3A_400 = vector.broadcast %ge3A_399 : i32 to vector<16xi32>
        %ge3A_401 = arith.cmpi sge, %sub3A_398, %ge3A_400 : vector<16xi32>
        %lt3A_402 = arith.constant 5000 : i32
        %lt3A_403 = vector.broadcast %lt3A_402 : i32 to vector<16xi32>
        %lt3A_404 = arith.cmpi slt, %sub3A_398, %lt3A_403 : vector<16xi32>
        %and3A_405 = arith.andi %ge3A_401, %lt3A_404 : vector<16xi1>
        %ge3A_406 = vector.broadcast %add3A_324 : i32 to vector<16xi32>
        %ge3A_407 = arith.cmpi sge, %add3A_393, %ge3A_406 : vector<16xi32>
        %and3A_408 = arith.andi %and3A_405, %ge3A_407 : vector<16xi1>
        %lt3A_409 = vector.broadcast %min3A_332 : i32 to vector<16xi32>
        %lt3A_410 = arith.cmpi slt, %add3A_393, %lt3A_409 : vector<16xi32>
        %and3A_411 = arith.andi %and3A_408, %lt3A_410 : vector<16xi1>
        %jit3A_412 = arith.constant 5000 : i32
        %broadcast_in_dim3A_413 = vector.broadcast %jit3A_412 : i32 to vector<16xi32>
        %select_n3A_414 = arith.select %and3A_411, %sub3A_398, %broadcast_in_dim3A_413 : vector<16xi1>, vector<16xi32>
        %swap3A_415 = arith.constant 32 : index
        %swap3A_416 = tpu.vector_load %arg9[%swap3A_415] {strides = array<i32>} : memref<48xi32, #tpu.memory_space<vmem>>, vector<16xi32>,
        %swap3A_417 = vector.shape_cast %swap3A_416 : vector<16xi32> to vector<16xi32>
        %swap3A_418 = vector.shape_cast %select_n3A_414 : vector<16xi32> to vector<16xi32>
        tpu.vector_store %arg9[%swap3A_415], %swap3A_418 {strides = array<i32>} : memref<48xi32, #tpu.memory_space<vmem>>, vector<16xi32>,
        "tpu.region"() ({
          %run_scoped3A = tpu.sem_alloc : memref<!tpu.dma_semaphore, #tpu.memory_space<semaphore_mem>>
          %dma_start3A = arith.constant 0 : i32
          %dma_start3A_425 = arith.constant 0 : i32
          %dma_start3A_426 = tpu.memref_slice %arg40[%dma_start3A, %dma_start3A_425] : memref<5008x128xf32, #tpu.memory_space<vmem_shared>> -> memref<5008x128xf32, #tpu.memory_space<vmem_shared>>
          tpu.enqueue_indirect_dma source(%arg17 : memref<48x128xf32, #tpu.memory_space<vmem>>) target(%dma_start3A_426 : memref<5008x128xf32, #tpu.memory_space<vmem_shared>>) offsets(%arg9 : memref<48xi32, #tpu.memory_space<vmem>>) semaphore(%run_scoped3A : memref<!tpu.dma_semaphore, #tpu.memory_space<semaphore_mem>>) {add = true}
          %dma_wait3A_427 = arith.constant 0 : i32
          %dma_wait3A_428 = arith.constant 0 : i32
          %dma_wait3A_429 = tpu.memref_slice %arg40[%dma_wait3A_427, %dma_wait3A_428] : memref<5008x128xf32, #tpu.memory_space<vmem_shared>> -> memref<5008x128xf32, #tpu.memory_space<vmem_shared>>
          tpu.wait_indirect_dma semaphore(%run_scoped3A : memref<!tpu.dma_semaphore, #tpu.memory_space<semaphore_mem>>) src(%arg17 : memref<48x128xf32, #tpu.memory_space<vmem>>) dst(%dma_wait3A_429 : memref<5008x128xf32, #tpu.memory_space<vmem_shared>>)
          tpu.yield
        }) : () -> ()
        %add3A_419 = arith.constant 8 : i32
        %add3A_420 = arith.addi %add3A_315, %add3A_419 : i32
        %lt3A_421 = arith.cmpi slt, %add3A_420, %max3A_144 : i32
        %convert_element_type3A_422 = arith.extui %lt3A_421 : i1 to i32
        %cond3A_423 = arith.constant 0 : i32
        %cond3A_424 = arith.cmpi ne, %convert_element_type3A_422, %cond3A_423 : i32
        scf.if %cond3A_424 {
          %add3A_425 = arith.constant 8 : i32
          %add3A_426 = arith.addi %add3A_315, %add3A_425 : i32
          %mul3A_427 = arith.constant 48 : i32
          %mul3A_428 = arith.muli %add3A_426, %mul3A_427 : i32
          %add3A_429 = arith.addi %add3A_112, %mul3A_428 : i32
          %min3A_430 = arith.constant 319952 : i32
          %min3A_431 = arith.minsi %add3A_429, %min3A_430 : i32
          %multiple_of3A_432 = tpu.assume_multiple %min3A_431, 8 : i32
          %dma_start3A = tpu.memref_slice %arg3[%multiple_of3A_432] : memref<320000xi32, #tpu.memory_space<hbm>> -> memref<48xi32, #tpu.memory_space<hbm>>
          %dma_start3A_433 = tpu.memref_slice %arg3[%multiple_of3A_432] : memref<320000xi32, #tpu.memory_space<hbm>> -> memref<48xi32, #tpu.memory_space<hbm>>
          tpu.enqueue_dma source(%dma_start3A_433 : memref<48xi32, #tpu.memory_space<hbm>>) target(%arg9 : memref<48xi32, #tpu.memory_space<vmem>>) target_semaphore(%arg25 : memref<!tpu.dma_semaphore, #tpu.memory_space<semaphore_mem>>)
          %dma_start3A_434 = arith.constant 0 : i32
          %dma_start3A_435 = tpu.memref_slice %arg2[%multiple_of3A_432, %dma_start3A_434] : memref<320000x128xf32, #tpu.memory_space<hbm>> -> memref<48x128xf32, #tpu.memory_space<hbm>>
          %dma_start3A_436 = arith.constant 0 : i32
          %dma_start3A_437 = tpu.memref_slice %arg2[%multiple_of3A_432, %dma_start3A_436] : memref<320000x128xf32, #tpu.memory_space<hbm>> -> memref<48x128xf32, #tpu.memory_space<hbm>>
          tpu.enqueue_dma source(%dma_start3A_437 : memref<48x128xf32, #tpu.memory_space<hbm>>) target(%arg17 : memref<48x128xf32, #tpu.memory_space<vmem>>) target_semaphore(%arg33 : memref<!tpu.dma_semaphore, #tpu.memory_space<semaphore_mem>>)
        } else {
        }
      } else {
      }
      %mul3A_272 = arith.constant 8 : i32
      %mul3A_273 = arith.muli %while3A_247, %mul3A_272 : i32
      %add3A_274 = arith.constant 3 : i32
      %add3A_275 = arith.addi %mul3A_273, %add3A_274 : i32
      %lt3A_276 = arith.cmpi slt, %add3A_275, %max3A_144 : i32
      %convert_element_type3A_277 = arith.extui %lt3A_276 : i1 to i32
      %cond3A_278 = arith.constant 0 : i32
      %cond3A_279 = arith.cmpi ne, %convert_element_type3A_277, %cond3A_278 : i32
      scf.if %cond3A_279 {
        %mul3A_312 = arith.constant 8 : i32
        %mul3A_313 = arith.muli %while3A_247, %mul3A_312 : i32
        %add3A_314 = arith.constant 3 : i32
        %add3A_315 = arith.addi %mul3A_313, %add3A_314 : i32
        %mul3A_316 = arith.constant 48 : i32
        %mul3A_317 = arith.muli %add3A_315, %mul3A_316 : i32
        %add3A_318 = arith.addi %add3A_112, %mul3A_317 : i32
        %min3A_319 = arith.constant 319952 : i32
        %min3A_320 = arith.minsi %add3A_318, %min3A_319 : i32
        %multiple_of3A_321 = tpu.assume_multiple %min3A_320, 8 : i32
        %mul3A_322 = arith.constant 48 : i32
        %mul3A_323 = arith.muli %add3A_315, %mul3A_322 : i32
        %add3A_324 = arith.addi %add3A_112, %mul3A_323 : i32
        %dma_wait3A = tpu.memref_slice %arg3[%multiple_of3A_321] : memref<320000xi32, #tpu.memory_space<hbm>> -> memref<48xi32, #tpu.memory_space<hbm>>
        %dma_wait3A_325 = tpu.memref_slice %arg3[%multiple_of3A_321] : memref<320000xi32, #tpu.memory_space<hbm>> -> memref<48xi32, #tpu.memory_space<hbm>>
        tpu.wait_dma2 semaphore(%arg26 : memref<!tpu.dma_semaphore, #tpu.memory_space<semaphore_mem>>) src(%dma_wait3A_325 : memref<48xi32, #tpu.memory_space<hbm>>) dst(%arg10 : memref<48xi32, #tpu.memory_space<vmem>>)
        %dma_wait3A_326 = arith.constant 0 : i32
        %dma_wait3A_327 = tpu.memref_slice %arg2[%multiple_of3A_321, %dma_wait3A_326] : memref<320000x128xf32, #tpu.memory_space<hbm>> -> memref<48x128xf32, #tpu.memory_space<hbm>>
        %dma_wait3A_328 = arith.constant 0 : i32
        %dma_wait3A_329 = tpu.memref_slice %arg2[%multiple_of3A_321, %dma_wait3A_328] : memref<320000x128xf32, #tpu.memory_space<hbm>> -> memref<48x128xf32, #tpu.memory_space<hbm>>
        tpu.wait_dma2 semaphore(%arg34 : memref<!tpu.dma_semaphore, #tpu.memory_space<semaphore_mem>>) src(%dma_wait3A_329 : memref<48x128xf32, #tpu.memory_space<hbm>>) dst(%arg18 : memref<48x128xf32, #tpu.memory_space<vmem>>)
        %add3A_330 = arith.constant 48 : i32
        %add3A_331 = arith.addi %add3A_324, %add3A_330 : i32
        %min3A_332 = arith.minsi %add3A_331, %min3A_114 : i32
        %add3A_333 = arith.constant 0 : i32
        %add3A_334 = arith.addi %multiple_of3A_321, %add3A_333 : i32
        %iota3A = tpu.iota {dimensions = array<i32: 0>} : vector<16xi32>
        %add3A_335 = vector.broadcast %add3A_334 : i32 to vector<16xi32>
        %add3A_336 = arith.addi %add3A_335, %iota3A : vector<16xi32>
        %get3A_337 = arith.constant 0 : index
        %get3A_338 = tpu.vector_load %arg10[%get3A_337] {strides = array<i32>} : memref<48xi32, #tpu.memory_space<vmem>>, vector<16xi32>,
        %get3A_339 = vector.shape_cast %get3A_338 : vector<16xi32> to vector<16xi32>
        %sub3A_340 = vector.broadcast %mul3A_146 : i32 to vector<16xi32>
        %sub3A_341 = arith.subi %get3A_339, %sub3A_340 : vector<16xi32>
        %ge3A = arith.constant 0 : i32
        %ge3A_342 = vector.broadcast %ge3A : i32 to vector<16xi32>
        %ge3A_343 = arith.cmpi sge, %sub3A_341, %ge3A_342 : vector<16xi32>
        %lt3A_344 = arith.constant 5000 : i32
        %lt3A_345 = vector.broadcast %lt3A_344 : i32 to vector<16xi32>
        %lt3A_346 = arith.cmpi slt, %sub3A_341, %lt3A_345 : vector<16xi32>
        %and3A_347 = arith.andi %ge3A_343, %lt3A_346 : vector<16xi1>
        %ge3A_348 = vector.broadcast %add3A_324 : i32 to vector<16xi32>
        %ge3A_349 = arith.cmpi sge, %add3A_336, %ge3A_348 : vector<16xi32>
        %and3A_350 = arith.andi %and3A_347, %ge3A_349 : vector<16xi1>
        %lt3A_351 = vector.broadcast %min3A_332 : i32 to vector<16xi32>
        %lt3A_352 = arith.cmpi slt, %add3A_336, %lt3A_351 : vector<16xi32>
        %and3A_353 = arith.andi %and3A_350, %lt3A_352 : vector<16xi1>
        %jit3A_354 = arith.constant 5000 : i32
        %broadcast_in_dim3A = vector.broadcast %jit3A_354 : i32 to vector<16xi32>
        %select_n3A_355 = arith.select %and3A_353, %sub3A_341, %broadcast_in_dim3A : vector<16xi1>, vector<16xi32>
        %swap3A = arith.constant 0 : index
        %swap3A_356 = tpu.vector_load %arg10[%swap3A] {strides = array<i32>} : memref<48xi32, #tpu.memory_space<vmem>>, vector<16xi32>,
        %swap3A_357 = vector.shape_cast %swap3A_356 : vector<16xi32> to vector<16xi32>
        %swap3A_358 = vector.shape_cast %select_n3A_355 : vector<16xi32> to vector<16xi32>
        tpu.vector_store %arg10[%swap3A], %swap3A_358 {strides = array<i32>} : memref<48xi32, #tpu.memory_space<vmem>>, vector<16xi32>,
        %add3A_359 = arith.constant 16 : i32
        %add3A_360 = arith.addi %multiple_of3A_321, %add3A_359 : i32
        %iota3A_361 = tpu.iota {dimensions = array<i32: 0>} : vector<16xi32>
        %add3A_362 = vector.broadcast %add3A_360 : i32 to vector<16xi32>
        %add3A_363 = arith.addi %add3A_362, %iota3A_361 : vector<16xi32>
        %get3A_364 = arith.constant 16 : index
        %get3A_365 = tpu.vector_load %arg10[%get3A_364] {strides = array<i32>} : memref<48xi32, #tpu.memory_space<vmem>>, vector<16xi32>,
        %get3A_366 = vector.shape_cast %get3A_365 : vector<16xi32> to vector<16xi32>
        %sub3A_367 = vector.broadcast %mul3A_146 : i32 to vector<16xi32>
        %sub3A_368 = arith.subi %get3A_366, %sub3A_367 : vector<16xi32>
        %ge3A_369 = arith.constant 0 : i32
        %ge3A_370 = vector.broadcast %ge3A_369 : i32 to vector<16xi32>
        %ge3A_371 = arith.cmpi sge, %sub3A_368, %ge3A_370 : vector<16xi32>
        %lt3A_372 = arith.constant 5000 : i32
        %lt3A_373 = vector.broadcast %lt3A_372 : i32 to vector<16xi32>
        %lt3A_374 = arith.cmpi slt, %sub3A_368, %lt3A_373 : vector<16xi32>
        %and3A_375 = arith.andi %ge3A_371, %lt3A_374 : vector<16xi1>
        %ge3A_376 = vector.broadcast %add3A_324 : i32 to vector<16xi32>
        %ge3A_377 = arith.cmpi sge, %add3A_363, %ge3A_376 : vector<16xi32>
        %and3A_378 = arith.andi %and3A_375, %ge3A_377 : vector<16xi1>
        %lt3A_379 = vector.broadcast %min3A_332 : i32 to vector<16xi32>
        %lt3A_380 = arith.cmpi slt, %add3A_363, %lt3A_379 : vector<16xi32>
        %and3A_381 = arith.andi %and3A_378, %lt3A_380 : vector<16xi1>
        %jit3A_382 = arith.constant 5000 : i32
        %broadcast_in_dim3A_383 = vector.broadcast %jit3A_382 : i32 to vector<16xi32>
        %select_n3A_384 = arith.select %and3A_381, %sub3A_368, %broadcast_in_dim3A_383 : vector<16xi1>, vector<16xi32>
        %swap3A_385 = arith.constant 16 : index
        %swap3A_386 = tpu.vector_load %arg10[%swap3A_385] {strides = array<i32>} : memref<48xi32, #tpu.memory_space<vmem>>, vector<16xi32>,
        %swap3A_387 = vector.shape_cast %swap3A_386 : vector<16xi32> to vector<16xi32>
        %swap3A_388 = vector.shape_cast %select_n3A_384 : vector<16xi32> to vector<16xi32>
        tpu.vector_store %arg10[%swap3A_385], %swap3A_388 {strides = array<i32>} : memref<48xi32, #tpu.memory_space<vmem>>, vector<16xi32>,
        %add3A_389 = arith.constant 32 : i32
        %add3A_390 = arith.addi %multiple_of3A_321, %add3A_389 : i32
        %iota3A_391 = tpu.iota {dimensions = array<i32: 0>} : vector<16xi32>
        %add3A_392 = vector.broadcast %add3A_390 : i32 to vector<16xi32>
        %add3A_393 = arith.addi %add3A_392, %iota3A_391 : vector<16xi32>
        %get3A_394 = arith.constant 32 : index
        %get3A_395 = tpu.vector_load %arg10[%get3A_394] {strides = array<i32>} : memref<48xi32, #tpu.memory_space<vmem>>, vector<16xi32>,
        %get3A_396 = vector.shape_cast %get3A_395 : vector<16xi32> to vector<16xi32>
        %sub3A_397 = vector.broadcast %mul3A_146 : i32 to vector<16xi32>
        %sub3A_398 = arith.subi %get3A_396, %sub3A_397 : vector<16xi32>
        %ge3A_399 = arith.constant 0 : i32
        %ge3A_400 = vector.broadcast %ge3A_399 : i32 to vector<16xi32>
        %ge3A_401 = arith.cmpi sge, %sub3A_398, %ge3A_400 : vector<16xi32>
        %lt3A_402 = arith.constant 5000 : i32
        %lt3A_403 = vector.broadcast %lt3A_402 : i32 to vector<16xi32>
        %lt3A_404 = arith.cmpi slt, %sub3A_398, %lt3A_403 : vector<16xi32>
        %and3A_405 = arith.andi %ge3A_401, %lt3A_404 : vector<16xi1>
        %ge3A_406 = vector.broadcast %add3A_324 : i32 to vector<16xi32>
        %ge3A_407 = arith.cmpi sge, %add3A_393, %ge3A_406 : vector<16xi32>
        %and3A_408 = arith.andi %and3A_405, %ge3A_407 : vector<16xi1>
        %lt3A_409 = vector.broadcast %min3A_332 : i32 to vector<16xi32>
        %lt3A_410 = arith.cmpi slt, %add3A_393, %lt3A_409 : vector<16xi32>
        %and3A_411 = arith.andi %and3A_408, %lt3A_410 : vector<16xi1>
        %jit3A_412 = arith.constant 5000 : i32
        %broadcast_in_dim3A_413 = vector.broadcast %jit3A_412 : i32 to vector<16xi32>
        %select_n3A_414 = arith.select %and3A_411, %sub3A_398, %broadcast_in_dim3A_413 : vector<16xi1>, vector<16xi32>
        %swap3A_415 = arith.constant 32 : index
        %swap3A_416 = tpu.vector_load %arg10[%swap3A_415] {strides = array<i32>} : memref<48xi32, #tpu.memory_space<vmem>>, vector<16xi32>,
        %swap3A_417 = vector.shape_cast %swap3A_416 : vector<16xi32> to vector<16xi32>
        %swap3A_418 = vector.shape_cast %select_n3A_414 : vector<16xi32> to vector<16xi32>
        tpu.vector_store %arg10[%swap3A_415], %swap3A_418 {strides = array<i32>} : memref<48xi32, #tpu.memory_space<vmem>>, vector<16xi32>,
        "tpu.region"() ({
          %run_scoped3A = tpu.sem_alloc : memref<!tpu.dma_semaphore, #tpu.memory_space<semaphore_mem>>
          %dma_start3A = arith.constant 0 : i32
          %dma_start3A_425 = arith.constant 0 : i32
          %dma_start3A_426 = tpu.memref_slice %arg40[%dma_start3A, %dma_start3A_425] : memref<5008x128xf32, #tpu.memory_space<vmem_shared>> -> memref<5008x128xf32, #tpu.memory_space<vmem_shared>>
          tpu.enqueue_indirect_dma source(%arg18 : memref<48x128xf32, #tpu.memory_space<vmem>>) target(%dma_start3A_426 : memref<5008x128xf32, #tpu.memory_space<vmem_shared>>) offsets(%arg10 : memref<48xi32, #tpu.memory_space<vmem>>) semaphore(%run_scoped3A : memref<!tpu.dma_semaphore, #tpu.memory_space<semaphore_mem>>) {add = true}
          %dma_wait3A_427 = arith.constant 0 : i32
          %dma_wait3A_428 = arith.constant 0 : i32
          %dma_wait3A_429 = tpu.memref_slice %arg40[%dma_wait3A_427, %dma_wait3A_428] : memref<5008x128xf32, #tpu.memory_space<vmem_shared>> -> memref<5008x128xf32, #tpu.memory_space<vmem_shared>>
          tpu.wait_indirect_dma semaphore(%run_scoped3A : memref<!tpu.dma_semaphore, #tpu.memory_space<semaphore_mem>>) src(%arg18 : memref<48x128xf32, #tpu.memory_space<vmem>>) dst(%dma_wait3A_429 : memref<5008x128xf32, #tpu.memory_space<vmem_shared>>)
          tpu.yield
        }) : () -> ()
        %add3A_419 = arith.constant 8 : i32
        %add3A_420 = arith.addi %add3A_315, %add3A_419 : i32
        %lt3A_421 = arith.cmpi slt, %add3A_420, %max3A_144 : i32
        %convert_element_type3A_422 = arith.extui %lt3A_421 : i1 to i32
        %cond3A_423 = arith.constant 0 : i32
        %cond3A_424 = arith.cmpi ne, %convert_element_type3A_422, %cond3A_423 : i32
        scf.if %cond3A_424 {
          %add3A_425 = arith.constant 8 : i32
          %add3A_426 = arith.addi %add3A_315, %add3A_425 : i32
          %mul3A_427 = arith.constant 48 : i32
          %mul3A_428 = arith.muli %add3A_426, %mul3A_427 : i32
          %add3A_429 = arith.addi %add3A_112, %mul3A_428 : i32
          %min3A_430 = arith.constant 319952 : i32
          %min3A_431 = arith.minsi %add3A_429, %min3A_430 : i32
          %multiple_of3A_432 = tpu.assume_multiple %min3A_431, 8 : i32
          %dma_start3A = tpu.memref_slice %arg3[%multiple_of3A_432] : memref<320000xi32, #tpu.memory_space<hbm>> -> memref<48xi32, #tpu.memory_space<hbm>>
          %dma_start3A_433 = tpu.memref_slice %arg3[%multiple_of3A_432] : memref<320000xi32, #tpu.memory_space<hbm>> -> memref<48xi32, #tpu.memory_space<hbm>>
          tpu.enqueue_dma source(%dma_start3A_433 : memref<48xi32, #tpu.memory_space<hbm>>) target(%arg10 : memref<48xi32, #tpu.memory_space<vmem>>) target_semaphore(%arg26 : memref<!tpu.dma_semaphore, #tpu.memory_space<semaphore_mem>>)
          %dma_start3A_434 = arith.constant 0 : i32
          %dma_start3A_435 = tpu.memref_slice %arg2[%multiple_of3A_432, %dma_start3A_434] : memref<320000x128xf32, #tpu.memory_space<hbm>> -> memref<48x128xf32, #tpu.memory_space<hbm>>
          %dma_start3A_436 = arith.constant 0 : i32
          %dma_start3A_437 = tpu.memref_slice %arg2[%multiple_of3A_432, %dma_start3A_436] : memref<320000x128xf32, #tpu.memory_space<hbm>> -> memref<48x128xf32, #tpu.memory_space<hbm>>
          tpu.enqueue_dma source(%dma_start3A_437 : memref<48x128xf32, #tpu.memory_space<hbm>>) target(%arg18 : memref<48x128xf32, #tpu.memory_space<vmem>>) target_semaphore(%arg34 : memref<!tpu.dma_semaphore, #tpu.memory_space<semaphore_mem>>)
        } else {
        }
      } else {
      }
      %mul3A_280 = arith.constant 8 : i32
      %mul3A_281 = arith.muli %while3A_247, %mul3A_280 : i32
      %add3A_282 = arith.constant 4 : i32
      %add3A_283 = arith.addi %mul3A_281, %add3A_282 : i32
      %lt3A_284 = arith.cmpi slt, %add3A_283, %max3A_144 : i32
      %convert_element_type3A_285 = arith.extui %lt3A_284 : i1 to i32
      %cond3A_286 = arith.constant 0 : i32
      %cond3A_287 = arith.cmpi ne, %convert_element_type3A_285, %cond3A_286 : i32
      scf.if %cond3A_287 {
        %mul3A_312 = arith.constant 8 : i32
        %mul3A_313 = arith.muli %while3A_247, %mul3A_312 : i32
        %add3A_314 = arith.constant 4 : i32
        %add3A_315 = arith.addi %mul3A_313, %add3A_314 : i32
        %mul3A_316 = arith.constant 48 : i32
        %mul3A_317 = arith.muli %add3A_315, %mul3A_316 : i32
        %add3A_318 = arith.addi %add3A_112, %mul3A_317 : i32
        %min3A_319 = arith.constant 319952 : i32
        %min3A_320 = arith.minsi %add3A_318, %min3A_319 : i32
        %multiple_of3A_321 = tpu.assume_multiple %min3A_320, 8 : i32
        %mul3A_322 = arith.constant 48 : i32
        %mul3A_323 = arith.muli %add3A_315, %mul3A_322 : i32
        %add3A_324 = arith.addi %add3A_112, %mul3A_323 : i32
        %dma_wait3A = tpu.memref_slice %arg3[%multiple_of3A_321] : memref<320000xi32, #tpu.memory_space<hbm>> -> memref<48xi32, #tpu.memory_space<hbm>>
        %dma_wait3A_325 = tpu.memref_slice %arg3[%multiple_of3A_321] : memref<320000xi32, #tpu.memory_space<hbm>> -> memref<48xi32, #tpu.memory_space<hbm>>
        tpu.wait_dma2 semaphore(%arg27 : memref<!tpu.dma_semaphore, #tpu.memory_space<semaphore_mem>>) src(%dma_wait3A_325 : memref<48xi32, #tpu.memory_space<hbm>>) dst(%arg11 : memref<48xi32, #tpu.memory_space<vmem>>)
        %dma_wait3A_326 = arith.constant 0 : i32
        %dma_wait3A_327 = tpu.memref_slice %arg2[%multiple_of3A_321, %dma_wait3A_326] : memref<320000x128xf32, #tpu.memory_space<hbm>> -> memref<48x128xf32, #tpu.memory_space<hbm>>
        %dma_wait3A_328 = arith.constant 0 : i32
        %dma_wait3A_329 = tpu.memref_slice %arg2[%multiple_of3A_321, %dma_wait3A_328] : memref<320000x128xf32, #tpu.memory_space<hbm>> -> memref<48x128xf32, #tpu.memory_space<hbm>>
        tpu.wait_dma2 semaphore(%arg35 : memref<!tpu.dma_semaphore, #tpu.memory_space<semaphore_mem>>) src(%dma_wait3A_329 : memref<48x128xf32, #tpu.memory_space<hbm>>) dst(%arg19 : memref<48x128xf32, #tpu.memory_space<vmem>>)
        %add3A_330 = arith.constant 48 : i32
        %add3A_331 = arith.addi %add3A_324, %add3A_330 : i32
        %min3A_332 = arith.minsi %add3A_331, %min3A_114 : i32
        %add3A_333 = arith.constant 0 : i32
        %add3A_334 = arith.addi %multiple_of3A_321, %add3A_333 : i32
        %iota3A = tpu.iota {dimensions = array<i32: 0>} : vector<16xi32>
        %add3A_335 = vector.broadcast %add3A_334 : i32 to vector<16xi32>
        %add3A_336 = arith.addi %add3A_335, %iota3A : vector<16xi32>
        %get3A_337 = arith.constant 0 : index
        %get3A_338 = tpu.vector_load %arg11[%get3A_337] {strides = array<i32>} : memref<48xi32, #tpu.memory_space<vmem>>, vector<16xi32>,
        %get3A_339 = vector.shape_cast %get3A_338 : vector<16xi32> to vector<16xi32>
        %sub3A_340 = vector.broadcast %mul3A_146 : i32 to vector<16xi32>
        %sub3A_341 = arith.subi %get3A_339, %sub3A_340 : vector<16xi32>
        %ge3A = arith.constant 0 : i32
        %ge3A_342 = vector.broadcast %ge3A : i32 to vector<16xi32>
        %ge3A_343 = arith.cmpi sge, %sub3A_341, %ge3A_342 : vector<16xi32>
        %lt3A_344 = arith.constant 5000 : i32
        %lt3A_345 = vector.broadcast %lt3A_344 : i32 to vector<16xi32>
        %lt3A_346 = arith.cmpi slt, %sub3A_341, %lt3A_345 : vector<16xi32>
        %and3A_347 = arith.andi %ge3A_343, %lt3A_346 : vector<16xi1>
        %ge3A_348 = vector.broadcast %add3A_324 : i32 to vector<16xi32>
        %ge3A_349 = arith.cmpi sge, %add3A_336, %ge3A_348 : vector<16xi32>
        %and3A_350 = arith.andi %and3A_347, %ge3A_349 : vector<16xi1>
        %lt3A_351 = vector.broadcast %min3A_332 : i32 to vector<16xi32>
        %lt3A_352 = arith.cmpi slt, %add3A_336, %lt3A_351 : vector<16xi32>
        %and3A_353 = arith.andi %and3A_350, %lt3A_352 : vector<16xi1>
        %jit3A_354 = arith.constant 5000 : i32
        %broadcast_in_dim3A = vector.broadcast %jit3A_354 : i32 to vector<16xi32>
        %select_n3A_355 = arith.select %and3A_353, %sub3A_341, %broadcast_in_dim3A : vector<16xi1>, vector<16xi32>
        %swap3A = arith.constant 0 : index
        %swap3A_356 = tpu.vector_load %arg11[%swap3A] {strides = array<i32>} : memref<48xi32, #tpu.memory_space<vmem>>, vector<16xi32>,
        %swap3A_357 = vector.shape_cast %swap3A_356 : vector<16xi32> to vector<16xi32>
        %swap3A_358 = vector.shape_cast %select_n3A_355 : vector<16xi32> to vector<16xi32>
        tpu.vector_store %arg11[%swap3A], %swap3A_358 {strides = array<i32>} : memref<48xi32, #tpu.memory_space<vmem>>, vector<16xi32>,
        %add3A_359 = arith.constant 16 : i32
        %add3A_360 = arith.addi %multiple_of3A_321, %add3A_359 : i32
        %iota3A_361 = tpu.iota {dimensions = array<i32: 0>} : vector<16xi32>
        %add3A_362 = vector.broadcast %add3A_360 : i32 to vector<16xi32>
        %add3A_363 = arith.addi %add3A_362, %iota3A_361 : vector<16xi32>
        %get3A_364 = arith.constant 16 : index
        %get3A_365 = tpu.vector_load %arg11[%get3A_364] {strides = array<i32>} : memref<48xi32, #tpu.memory_space<vmem>>, vector<16xi32>,
        %get3A_366 = vector.shape_cast %get3A_365 : vector<16xi32> to vector<16xi32>
        %sub3A_367 = vector.broadcast %mul3A_146 : i32 to vector<16xi32>
        %sub3A_368 = arith.subi %get3A_366, %sub3A_367 : vector<16xi32>
        %ge3A_369 = arith.constant 0 : i32
        %ge3A_370 = vector.broadcast %ge3A_369 : i32 to vector<16xi32>
        %ge3A_371 = arith.cmpi sge, %sub3A_368, %ge3A_370 : vector<16xi32>
        %lt3A_372 = arith.constant 5000 : i32
        %lt3A_373 = vector.broadcast %lt3A_372 : i32 to vector<16xi32>
        %lt3A_374 = arith.cmpi slt, %sub3A_368, %lt3A_373 : vector<16xi32>
        %and3A_375 = arith.andi %ge3A_371, %lt3A_374 : vector<16xi1>
        %ge3A_376 = vector.broadcast %add3A_324 : i32 to vector<16xi32>
        %ge3A_377 = arith.cmpi sge, %add3A_363, %ge3A_376 : vector<16xi32>
        %and3A_378 = arith.andi %and3A_375, %ge3A_377 : vector<16xi1>
        %lt3A_379 = vector.broadcast %min3A_332 : i32 to vector<16xi32>
        %lt3A_380 = arith.cmpi slt, %add3A_363, %lt3A_379 : vector<16xi32>
        %and3A_381 = arith.andi %and3A_378, %lt3A_380 : vector<16xi1>
        %jit3A_382 = arith.constant 5000 : i32
        %broadcast_in_dim3A_383 = vector.broadcast %jit3A_382 : i32 to vector<16xi32>
        %select_n3A_384 = arith.select %and3A_381, %sub3A_368, %broadcast_in_dim3A_383 : vector<16xi1>, vector<16xi32>
        %swap3A_385 = arith.constant 16 : index
        %swap3A_386 = tpu.vector_load %arg11[%swap3A_385] {strides = array<i32>} : memref<48xi32, #tpu.memory_space<vmem>>, vector<16xi32>,
        %swap3A_387 = vector.shape_cast %swap3A_386 : vector<16xi32> to vector<16xi32>
        %swap3A_388 = vector.shape_cast %select_n3A_384 : vector<16xi32> to vector<16xi32>
        tpu.vector_store %arg11[%swap3A_385], %swap3A_388 {strides = array<i32>} : memref<48xi32, #tpu.memory_space<vmem>>, vector<16xi32>,
        %add3A_389 = arith.constant 32 : i32
        %add3A_390 = arith.addi %multiple_of3A_321, %add3A_389 : i32
        %iota3A_391 = tpu.iota {dimensions = array<i32: 0>} : vector<16xi32>
        %add3A_392 = vector.broadcast %add3A_390 : i32 to vector<16xi32>
        %add3A_393 = arith.addi %add3A_392, %iota3A_391 : vector<16xi32>
        %get3A_394 = arith.constant 32 : index
        %get3A_395 = tpu.vector_load %arg11[%get3A_394] {strides = array<i32>} : memref<48xi32, #tpu.memory_space<vmem>>, vector<16xi32>,
        %get3A_396 = vector.shape_cast %get3A_395 : vector<16xi32> to vector<16xi32>
        %sub3A_397 = vector.broadcast %mul3A_146 : i32 to vector<16xi32>
        %sub3A_398 = arith.subi %get3A_396, %sub3A_397 : vector<16xi32>
        %ge3A_399 = arith.constant 0 : i32
        %ge3A_400 = vector.broadcast %ge3A_399 : i32 to vector<16xi32>
        %ge3A_401 = arith.cmpi sge, %sub3A_398, %ge3A_400 : vector<16xi32>
        %lt3A_402 = arith.constant 5000 : i32
        %lt3A_403 = vector.broadcast %lt3A_402 : i32 to vector<16xi32>
        %lt3A_404 = arith.cmpi slt, %sub3A_398, %lt3A_403 : vector<16xi32>
        %and3A_405 = arith.andi %ge3A_401, %lt3A_404 : vector<16xi1>
        %ge3A_406 = vector.broadcast %add3A_324 : i32 to vector<16xi32>
        %ge3A_407 = arith.cmpi sge, %add3A_393, %ge3A_406 : vector<16xi32>
        %and3A_408 = arith.andi %and3A_405, %ge3A_407 : vector<16xi1>
        %lt3A_409 = vector.broadcast %min3A_332 : i32 to vector<16xi32>
        %lt3A_410 = arith.cmpi slt, %add3A_393, %lt3A_409 : vector<16xi32>
        %and3A_411 = arith.andi %and3A_408, %lt3A_410 : vector<16xi1>
        %jit3A_412 = arith.constant 5000 : i32
        %broadcast_in_dim3A_413 = vector.broadcast %jit3A_412 : i32 to vector<16xi32>
        %select_n3A_414 = arith.select %and3A_411, %sub3A_398, %broadcast_in_dim3A_413 : vector<16xi1>, vector<16xi32>
        %swap3A_415 = arith.constant 32 : index
        %swap3A_416 = tpu.vector_load %arg11[%swap3A_415] {strides = array<i32>} : memref<48xi32, #tpu.memory_space<vmem>>, vector<16xi32>,
        %swap3A_417 = vector.shape_cast %swap3A_416 : vector<16xi32> to vector<16xi32>
        %swap3A_418 = vector.shape_cast %select_n3A_414 : vector<16xi32> to vector<16xi32>
        tpu.vector_store %arg11[%swap3A_415], %swap3A_418 {strides = array<i32>} : memref<48xi32, #tpu.memory_space<vmem>>, vector<16xi32>,
        "tpu.region"() ({
          %run_scoped3A = tpu.sem_alloc : memref<!tpu.dma_semaphore, #tpu.memory_space<semaphore_mem>>
          %dma_start3A = arith.constant 0 : i32
          %dma_start3A_425 = arith.constant 0 : i32
          %dma_start3A_426 = tpu.memref_slice %arg40[%dma_start3A, %dma_start3A_425] : memref<5008x128xf32, #tpu.memory_space<vmem_shared>> -> memref<5008x128xf32, #tpu.memory_space<vmem_shared>>
          tpu.enqueue_indirect_dma source(%arg19 : memref<48x128xf32, #tpu.memory_space<vmem>>) target(%dma_start3A_426 : memref<5008x128xf32, #tpu.memory_space<vmem_shared>>) offsets(%arg11 : memref<48xi32, #tpu.memory_space<vmem>>) semaphore(%run_scoped3A : memref<!tpu.dma_semaphore, #tpu.memory_space<semaphore_mem>>) {add = true}
          %dma_wait3A_427 = arith.constant 0 : i32
          %dma_wait3A_428 = arith.constant 0 : i32
          %dma_wait3A_429 = tpu.memref_slice %arg40[%dma_wait3A_427, %dma_wait3A_428] : memref<5008x128xf32, #tpu.memory_space<vmem_shared>> -> memref<5008x128xf32, #tpu.memory_space<vmem_shared>>
          tpu.wait_indirect_dma semaphore(%run_scoped3A : memref<!tpu.dma_semaphore, #tpu.memory_space<semaphore_mem>>) src(%arg19 : memref<48x128xf32, #tpu.memory_space<vmem>>) dst(%dma_wait3A_429 : memref<5008x128xf32, #tpu.memory_space<vmem_shared>>)
          tpu.yield
        }) : () -> ()
        %add3A_419 = arith.constant 8 : i32
        %add3A_420 = arith.addi %add3A_315, %add3A_419 : i32
        %lt3A_421 = arith.cmpi slt, %add3A_420, %max3A_144 : i32
        %convert_element_type3A_422 = arith.extui %lt3A_421 : i1 to i32
        %cond3A_423 = arith.constant 0 : i32
        %cond3A_424 = arith.cmpi ne, %convert_element_type3A_422, %cond3A_423 : i32
        scf.if %cond3A_424 {
          %add3A_425 = arith.constant 8 : i32
          %add3A_426 = arith.addi %add3A_315, %add3A_425 : i32
          %mul3A_427 = arith.constant 48 : i32
          %mul3A_428 = arith.muli %add3A_426, %mul3A_427 : i32
          %add3A_429 = arith.addi %add3A_112, %mul3A_428 : i32
          %min3A_430 = arith.constant 319952 : i32
          %min3A_431 = arith.minsi %add3A_429, %min3A_430 : i32
          %multiple_of3A_432 = tpu.assume_multiple %min3A_431, 8 : i32
          %dma_start3A = tpu.memref_slice %arg3[%multiple_of3A_432] : memref<320000xi32, #tpu.memory_space<hbm>> -> memref<48xi32, #tpu.memory_space<hbm>>
          %dma_start3A_433 = tpu.memref_slice %arg3[%multiple_of3A_432] : memref<320000xi32, #tpu.memory_space<hbm>> -> memref<48xi32, #tpu.memory_space<hbm>>
          tpu.enqueue_dma source(%dma_start3A_433 : memref<48xi32, #tpu.memory_space<hbm>>) target(%arg11 : memref<48xi32, #tpu.memory_space<vmem>>) target_semaphore(%arg27 : memref<!tpu.dma_semaphore, #tpu.memory_space<semaphore_mem>>)
          %dma_start3A_434 = arith.constant 0 : i32
          %dma_start3A_435 = tpu.memref_slice %arg2[%multiple_of3A_432, %dma_start3A_434] : memref<320000x128xf32, #tpu.memory_space<hbm>> -> memref<48x128xf32, #tpu.memory_space<hbm>>
          %dma_start3A_436 = arith.constant 0 : i32
          %dma_start3A_437 = tpu.memref_slice %arg2[%multiple_of3A_432, %dma_start3A_436] : memref<320000x128xf32, #tpu.memory_space<hbm>> -> memref<48x128xf32, #tpu.memory_space<hbm>>
          tpu.enqueue_dma source(%dma_start3A_437 : memref<48x128xf32, #tpu.memory_space<hbm>>) target(%arg19 : memref<48x128xf32, #tpu.memory_space<vmem>>) target_semaphore(%arg35 : memref<!tpu.dma_semaphore, #tpu.memory_space<semaphore_mem>>)
        } else {
        }
      } else {
      }
      %mul3A_288 = arith.constant 8 : i32
      %mul3A_289 = arith.muli %while3A_247, %mul3A_288 : i32
      %add3A_290 = arith.constant 5 : i32
      %add3A_291 = arith.addi %mul3A_289, %add3A_290 : i32
      %lt3A_292 = arith.cmpi slt, %add3A_291, %max3A_144 : i32
      %convert_element_type3A_293 = arith.extui %lt3A_292 : i1 to i32
      %cond3A_294 = arith.constant 0 : i32
      %cond3A_295 = arith.cmpi ne, %convert_element_type3A_293, %cond3A_294 : i32
      scf.if %cond3A_295 {
        %mul3A_312 = arith.constant 8 : i32
        %mul3A_313 = arith.muli %while3A_247, %mul3A_312 : i32
        %add3A_314 = arith.constant 5 : i32
        %add3A_315 = arith.addi %mul3A_313, %add3A_314 : i32
        %mul3A_316 = arith.constant 48 : i32
        %mul3A_317 = arith.muli %add3A_315, %mul3A_316 : i32
        %add3A_318 = arith.addi %add3A_112, %mul3A_317 : i32
        %min3A_319 = arith.constant 319952 : i32
        %min3A_320 = arith.minsi %add3A_318, %min3A_319 : i32
        %multiple_of3A_321 = tpu.assume_multiple %min3A_320, 8 : i32
        %mul3A_322 = arith.constant 48 : i32
        %mul3A_323 = arith.muli %add3A_315, %mul3A_322 : i32
        %add3A_324 = arith.addi %add3A_112, %mul3A_323 : i32
        %dma_wait3A = tpu.memref_slice %arg3[%multiple_of3A_321] : memref<320000xi32, #tpu.memory_space<hbm>> -> memref<48xi32, #tpu.memory_space<hbm>>
        %dma_wait3A_325 = tpu.memref_slice %arg3[%multiple_of3A_321] : memref<320000xi32, #tpu.memory_space<hbm>> -> memref<48xi32, #tpu.memory_space<hbm>>
        tpu.wait_dma2 semaphore(%arg28 : memref<!tpu.dma_semaphore, #tpu.memory_space<semaphore_mem>>) src(%dma_wait3A_325 : memref<48xi32, #tpu.memory_space<hbm>>) dst(%arg12 : memref<48xi32, #tpu.memory_space<vmem>>)
        %dma_wait3A_326 = arith.constant 0 : i32
        %dma_wait3A_327 = tpu.memref_slice %arg2[%multiple_of3A_321, %dma_wait3A_326] : memref<320000x128xf32, #tpu.memory_space<hbm>> -> memref<48x128xf32, #tpu.memory_space<hbm>>
        %dma_wait3A_328 = arith.constant 0 : i32
        %dma_wait3A_329 = tpu.memref_slice %arg2[%multiple_of3A_321, %dma_wait3A_328] : memref<320000x128xf32, #tpu.memory_space<hbm>> -> memref<48x128xf32, #tpu.memory_space<hbm>>
        tpu.wait_dma2 semaphore(%arg36 : memref<!tpu.dma_semaphore, #tpu.memory_space<semaphore_mem>>) src(%dma_wait3A_329 : memref<48x128xf32, #tpu.memory_space<hbm>>) dst(%arg20 : memref<48x128xf32, #tpu.memory_space<vmem>>)
        %add3A_330 = arith.constant 48 : i32
        %add3A_331 = arith.addi %add3A_324, %add3A_330 : i32
        %min3A_332 = arith.minsi %add3A_331, %min3A_114 : i32
        %add3A_333 = arith.constant 0 : i32
        %add3A_334 = arith.addi %multiple_of3A_321, %add3A_333 : i32
        %iota3A = tpu.iota {dimensions = array<i32: 0>} : vector<16xi32>
        %add3A_335 = vector.broadcast %add3A_334 : i32 to vector<16xi32>
        %add3A_336 = arith.addi %add3A_335, %iota3A : vector<16xi32>
        %get3A_337 = arith.constant 0 : index
        %get3A_338 = tpu.vector_load %arg12[%get3A_337] {strides = array<i32>} : memref<48xi32, #tpu.memory_space<vmem>>, vector<16xi32>,
        %get3A_339 = vector.shape_cast %get3A_338 : vector<16xi32> to vector<16xi32>
        %sub3A_340 = vector.broadcast %mul3A_146 : i32 to vector<16xi32>
        %sub3A_341 = arith.subi %get3A_339, %sub3A_340 : vector<16xi32>
        %ge3A = arith.constant 0 : i32
        %ge3A_342 = vector.broadcast %ge3A : i32 to vector<16xi32>
        %ge3A_343 = arith.cmpi sge, %sub3A_341, %ge3A_342 : vector<16xi32>
        %lt3A_344 = arith.constant 5000 : i32
        %lt3A_345 = vector.broadcast %lt3A_344 : i32 to vector<16xi32>
        %lt3A_346 = arith.cmpi slt, %sub3A_341, %lt3A_345 : vector<16xi32>
        %and3A_347 = arith.andi %ge3A_343, %lt3A_346 : vector<16xi1>
        %ge3A_348 = vector.broadcast %add3A_324 : i32 to vector<16xi32>
        %ge3A_349 = arith.cmpi sge, %add3A_336, %ge3A_348 : vector<16xi32>
        %and3A_350 = arith.andi %and3A_347, %ge3A_349 : vector<16xi1>
        %lt3A_351 = vector.broadcast %min3A_332 : i32 to vector<16xi32>
        %lt3A_352 = arith.cmpi slt, %add3A_336, %lt3A_351 : vector<16xi32>
        %and3A_353 = arith.andi %and3A_350, %lt3A_352 : vector<16xi1>
        %jit3A_354 = arith.constant 5000 : i32
        %broadcast_in_dim3A = vector.broadcast %jit3A_354 : i32 to vector<16xi32>
        %select_n3A_355 = arith.select %and3A_353, %sub3A_341, %broadcast_in_dim3A : vector<16xi1>, vector<16xi32>
        %swap3A = arith.constant 0 : index
        %swap3A_356 = tpu.vector_load %arg12[%swap3A] {strides = array<i32>} : memref<48xi32, #tpu.memory_space<vmem>>, vector<16xi32>,
        %swap3A_357 = vector.shape_cast %swap3A_356 : vector<16xi32> to vector<16xi32>
        %swap3A_358 = vector.shape_cast %select_n3A_355 : vector<16xi32> to vector<16xi32>
        tpu.vector_store %arg12[%swap3A], %swap3A_358 {strides = array<i32>} : memref<48xi32, #tpu.memory_space<vmem>>, vector<16xi32>,
        %add3A_359 = arith.constant 16 : i32
        %add3A_360 = arith.addi %multiple_of3A_321, %add3A_359 : i32
        %iota3A_361 = tpu.iota {dimensions = array<i32: 0>} : vector<16xi32>
        %add3A_362 = vector.broadcast %add3A_360 : i32 to vector<16xi32>
        %add3A_363 = arith.addi %add3A_362, %iota3A_361 : vector<16xi32>
        %get3A_364 = arith.constant 16 : index
        %get3A_365 = tpu.vector_load %arg12[%get3A_364] {strides = array<i32>} : memref<48xi32, #tpu.memory_space<vmem>>, vector<16xi32>,
        %get3A_366 = vector.shape_cast %get3A_365 : vector<16xi32> to vector<16xi32>
        %sub3A_367 = vector.broadcast %mul3A_146 : i32 to vector<16xi32>
        %sub3A_368 = arith.subi %get3A_366, %sub3A_367 : vector<16xi32>
        %ge3A_369 = arith.constant 0 : i32
        %ge3A_370 = vector.broadcast %ge3A_369 : i32 to vector<16xi32>
        %ge3A_371 = arith.cmpi sge, %sub3A_368, %ge3A_370 : vector<16xi32>
        %lt3A_372 = arith.constant 5000 : i32
        %lt3A_373 = vector.broadcast %lt3A_372 : i32 to vector<16xi32>
        %lt3A_374 = arith.cmpi slt, %sub3A_368, %lt3A_373 : vector<16xi32>
        %and3A_375 = arith.andi %ge3A_371, %lt3A_374 : vector<16xi1>
        %ge3A_376 = vector.broadcast %add3A_324 : i32 to vector<16xi32>
        %ge3A_377 = arith.cmpi sge, %add3A_363, %ge3A_376 : vector<16xi32>
        %and3A_378 = arith.andi %and3A_375, %ge3A_377 : vector<16xi1>
        %lt3A_379 = vector.broadcast %min3A_332 : i32 to vector<16xi32>
        %lt3A_380 = arith.cmpi slt, %add3A_363, %lt3A_379 : vector<16xi32>
        %and3A_381 = arith.andi %and3A_378, %lt3A_380 : vector<16xi1>
        %jit3A_382 = arith.constant 5000 : i32
        %broadcast_in_dim3A_383 = vector.broadcast %jit3A_382 : i32 to vector<16xi32>
        %select_n3A_384 = arith.select %and3A_381, %sub3A_368, %broadcast_in_dim3A_383 : vector<16xi1>, vector<16xi32>
        %swap3A_385 = arith.constant 16 : index
        %swap3A_386 = tpu.vector_load %arg12[%swap3A_385] {strides = array<i32>} : memref<48xi32, #tpu.memory_space<vmem>>, vector<16xi32>,
        %swap3A_387 = vector.shape_cast %swap3A_386 : vector<16xi32> to vector<16xi32>
        %swap3A_388 = vector.shape_cast %select_n3A_384 : vector<16xi32> to vector<16xi32>
        tpu.vector_store %arg12[%swap3A_385], %swap3A_388 {strides = array<i32>} : memref<48xi32, #tpu.memory_space<vmem>>, vector<16xi32>,
        %add3A_389 = arith.constant 32 : i32
        %add3A_390 = arith.addi %multiple_of3A_321, %add3A_389 : i32
        %iota3A_391 = tpu.iota {dimensions = array<i32: 0>} : vector<16xi32>
        %add3A_392 = vector.broadcast %add3A_390 : i32 to vector<16xi32>
        %add3A_393 = arith.addi %add3A_392, %iota3A_391 : vector<16xi32>
        %get3A_394 = arith.constant 32 : index
        %get3A_395 = tpu.vector_load %arg12[%get3A_394] {strides = array<i32>} : memref<48xi32, #tpu.memory_space<vmem>>, vector<16xi32>,
        %get3A_396 = vector.shape_cast %get3A_395 : vector<16xi32> to vector<16xi32>
        %sub3A_397 = vector.broadcast %mul3A_146 : i32 to vector<16xi32>
        %sub3A_398 = arith.subi %get3A_396, %sub3A_397 : vector<16xi32>
        %ge3A_399 = arith.constant 0 : i32
        %ge3A_400 = vector.broadcast %ge3A_399 : i32 to vector<16xi32>
        %ge3A_401 = arith.cmpi sge, %sub3A_398, %ge3A_400 : vector<16xi32>
        %lt3A_402 = arith.constant 5000 : i32
        %lt3A_403 = vector.broadcast %lt3A_402 : i32 to vector<16xi32>
        %lt3A_404 = arith.cmpi slt, %sub3A_398, %lt3A_403 : vector<16xi32>
        %and3A_405 = arith.andi %ge3A_401, %lt3A_404 : vector<16xi1>
        %ge3A_406 = vector.broadcast %add3A_324 : i32 to vector<16xi32>
        %ge3A_407 = arith.cmpi sge, %add3A_393, %ge3A_406 : vector<16xi32>
        %and3A_408 = arith.andi %and3A_405, %ge3A_407 : vector<16xi1>
        %lt3A_409 = vector.broadcast %min3A_332 : i32 to vector<16xi32>
        %lt3A_410 = arith.cmpi slt, %add3A_393, %lt3A_409 : vector<16xi32>
        %and3A_411 = arith.andi %and3A_408, %lt3A_410 : vector<16xi1>
        %jit3A_412 = arith.constant 5000 : i32
        %broadcast_in_dim3A_413 = vector.broadcast %jit3A_412 : i32 to vector<16xi32>
        %select_n3A_414 = arith.select %and3A_411, %sub3A_398, %broadcast_in_dim3A_413 : vector<16xi1>, vector<16xi32>
        %swap3A_415 = arith.constant 32 : index
        %swap3A_416 = tpu.vector_load %arg12[%swap3A_415] {strides = array<i32>} : memref<48xi32, #tpu.memory_space<vmem>>, vector<16xi32>,
        %swap3A_417 = vector.shape_cast %swap3A_416 : vector<16xi32> to vector<16xi32>
        %swap3A_418 = vector.shape_cast %select_n3A_414 : vector<16xi32> to vector<16xi32>
        tpu.vector_store %arg12[%swap3A_415], %swap3A_418 {strides = array<i32>} : memref<48xi32, #tpu.memory_space<vmem>>, vector<16xi32>,
        "tpu.region"() ({
          %run_scoped3A = tpu.sem_alloc : memref<!tpu.dma_semaphore, #tpu.memory_space<semaphore_mem>>
          %dma_start3A = arith.constant 0 : i32
          %dma_start3A_425 = arith.constant 0 : i32
          %dma_start3A_426 = tpu.memref_slice %arg40[%dma_start3A, %dma_start3A_425] : memref<5008x128xf32, #tpu.memory_space<vmem_shared>> -> memref<5008x128xf32, #tpu.memory_space<vmem_shared>>
          tpu.enqueue_indirect_dma source(%arg20 : memref<48x128xf32, #tpu.memory_space<vmem>>) target(%dma_start3A_426 : memref<5008x128xf32, #tpu.memory_space<vmem_shared>>) offsets(%arg12 : memref<48xi32, #tpu.memory_space<vmem>>) semaphore(%run_scoped3A : memref<!tpu.dma_semaphore, #tpu.memory_space<semaphore_mem>>) {add = true}
          %dma_wait3A_427 = arith.constant 0 : i32
          %dma_wait3A_428 = arith.constant 0 : i32
          %dma_wait3A_429 = tpu.memref_slice %arg40[%dma_wait3A_427, %dma_wait3A_428] : memref<5008x128xf32, #tpu.memory_space<vmem_shared>> -> memref<5008x128xf32, #tpu.memory_space<vmem_shared>>
          tpu.wait_indirect_dma semaphore(%run_scoped3A : memref<!tpu.dma_semaphore, #tpu.memory_space<semaphore_mem>>) src(%arg20 : memref<48x128xf32, #tpu.memory_space<vmem>>) dst(%dma_wait3A_429 : memref<5008x128xf32, #tpu.memory_space<vmem_shared>>)
          tpu.yield
        }) : () -> ()
        %add3A_419 = arith.constant 8 : i32
        %add3A_420 = arith.addi %add3A_315, %add3A_419 : i32
        %lt3A_421 = arith.cmpi slt, %add3A_420, %max3A_144 : i32
        %convert_element_type3A_422 = arith.extui %lt3A_421 : i1 to i32
        %cond3A_423 = arith.constant 0 : i32
        %cond3A_424 = arith.cmpi ne, %convert_element_type3A_422, %cond3A_423 : i32
        scf.if %cond3A_424 {
          %add3A_425 = arith.constant 8 : i32
          %add3A_426 = arith.addi %add3A_315, %add3A_425 : i32
          %mul3A_427 = arith.constant 48 : i32
          %mul3A_428 = arith.muli %add3A_426, %mul3A_427 : i32
          %add3A_429 = arith.addi %add3A_112, %mul3A_428 : i32
          %min3A_430 = arith.constant 319952 : i32
          %min3A_431 = arith.minsi %add3A_429, %min3A_430 : i32
          %multiple_of3A_432 = tpu.assume_multiple %min3A_431, 8 : i32
          %dma_start3A = tpu.memref_slice %arg3[%multiple_of3A_432] : memref<320000xi32, #tpu.memory_space<hbm>> -> memref<48xi32, #tpu.memory_space<hbm>>
          %dma_start3A_433 = tpu.memref_slice %arg3[%multiple_of3A_432] : memref<320000xi32, #tpu.memory_space<hbm>> -> memref<48xi32, #tpu.memory_space<hbm>>
          tpu.enqueue_dma source(%dma_start3A_433 : memref<48xi32, #tpu.memory_space<hbm>>) target(%arg12 : memref<48xi32, #tpu.memory_space<vmem>>) target_semaphore(%arg28 : memref<!tpu.dma_semaphore, #tpu.memory_space<semaphore_mem>>)
          %dma_start3A_434 = arith.constant 0 : i32
          %dma_start3A_435 = tpu.memref_slice %arg2[%multiple_of3A_432, %dma_start3A_434] : memref<320000x128xf32, #tpu.memory_space<hbm>> -> memref<48x128xf32, #tpu.memory_space<hbm>>
          %dma_start3A_436 = arith.constant 0 : i32
          %dma_start3A_437 = tpu.memref_slice %arg2[%multiple_of3A_432, %dma_start3A_436] : memref<320000x128xf32, #tpu.memory_space<hbm>> -> memref<48x128xf32, #tpu.memory_space<hbm>>
          tpu.enqueue_dma source(%dma_start3A_437 : memref<48x128xf32, #tpu.memory_space<hbm>>) target(%arg20 : memref<48x128xf32, #tpu.memory_space<vmem>>) target_semaphore(%arg36 : memref<!tpu.dma_semaphore, #tpu.memory_space<semaphore_mem>>)
        } else {
        }
      } else {
      }
      %mul3A_296 = arith.constant 8 : i32
      %mul3A_297 = arith.muli %while3A_247, %mul3A_296 : i32
      %add3A_298 = arith.constant 6 : i32
      %add3A_299 = arith.addi %mul3A_297, %add3A_298 : i32
      %lt3A_300 = arith.cmpi slt, %add3A_299, %max3A_144 : i32
      %convert_element_type3A_301 = arith.extui %lt3A_300 : i1 to i32
      %cond3A_302 = arith.constant 0 : i32
      %cond3A_303 = arith.cmpi ne, %convert_element_type3A_301, %cond3A_302 : i32
      scf.if %cond3A_303 {
        %mul3A_312 = arith.constant 8 : i32
        %mul3A_313 = arith.muli %while3A_247, %mul3A_312 : i32
        %add3A_314 = arith.constant 6 : i32
        %add3A_315 = arith.addi %mul3A_313, %add3A_314 : i32
        %mul3A_316 = arith.constant 48 : i32
        %mul3A_317 = arith.muli %add3A_315, %mul3A_316 : i32
        %add3A_318 = arith.addi %add3A_112, %mul3A_317 : i32
        %min3A_319 = arith.constant 319952 : i32
        %min3A_320 = arith.minsi %add3A_318, %min3A_319 : i32
        %multiple_of3A_321 = tpu.assume_multiple %min3A_320, 8 : i32
        %mul3A_322 = arith.constant 48 : i32
        %mul3A_323 = arith.muli %add3A_315, %mul3A_322 : i32
        %add3A_324 = arith.addi %add3A_112, %mul3A_323 : i32
        %dma_wait3A = tpu.memref_slice %arg3[%multiple_of3A_321] : memref<320000xi32, #tpu.memory_space<hbm>> -> memref<48xi32, #tpu.memory_space<hbm>>
        %dma_wait3A_325 = tpu.memref_slice %arg3[%multiple_of3A_321] : memref<320000xi32, #tpu.memory_space<hbm>> -> memref<48xi32, #tpu.memory_space<hbm>>
        tpu.wait_dma2 semaphore(%arg29 : memref<!tpu.dma_semaphore, #tpu.memory_space<semaphore_mem>>) src(%dma_wait3A_325 : memref<48xi32, #tpu.memory_space<hbm>>) dst(%arg13 : memref<48xi32, #tpu.memory_space<vmem>>)
        %dma_wait3A_326 = arith.constant 0 : i32
        %dma_wait3A_327 = tpu.memref_slice %arg2[%multiple_of3A_321, %dma_wait3A_326] : memref<320000x128xf32, #tpu.memory_space<hbm>> -> memref<48x128xf32, #tpu.memory_space<hbm>>
        %dma_wait3A_328 = arith.constant 0 : i32
        %dma_wait3A_329 = tpu.memref_slice %arg2[%multiple_of3A_321, %dma_wait3A_328] : memref<320000x128xf32, #tpu.memory_space<hbm>> -> memref<48x128xf32, #tpu.memory_space<hbm>>
        tpu.wait_dma2 semaphore(%arg37 : memref<!tpu.dma_semaphore, #tpu.memory_space<semaphore_mem>>) src(%dma_wait3A_329 : memref<48x128xf32, #tpu.memory_space<hbm>>) dst(%arg21 : memref<48x128xf32, #tpu.memory_space<vmem>>)
        %add3A_330 = arith.constant 48 : i32
        %add3A_331 = arith.addi %add3A_324, %add3A_330 : i32
        %min3A_332 = arith.minsi %add3A_331, %min3A_114 : i32
        %add3A_333 = arith.constant 0 : i32
        %add3A_334 = arith.addi %multiple_of3A_321, %add3A_333 : i32
        %iota3A = tpu.iota {dimensions = array<i32: 0>} : vector<16xi32>
        %add3A_335 = vector.broadcast %add3A_334 : i32 to vector<16xi32>
        %add3A_336 = arith.addi %add3A_335, %iota3A : vector<16xi32>
        %get3A_337 = arith.constant 0 : index
        %get3A_338 = tpu.vector_load %arg13[%get3A_337] {strides = array<i32>} : memref<48xi32, #tpu.memory_space<vmem>>, vector<16xi32>,
        %get3A_339 = vector.shape_cast %get3A_338 : vector<16xi32> to vector<16xi32>
        %sub3A_340 = vector.broadcast %mul3A_146 : i32 to vector<16xi32>
        %sub3A_341 = arith.subi %get3A_339, %sub3A_340 : vector<16xi32>
        %ge3A = arith.constant 0 : i32
        %ge3A_342 = vector.broadcast %ge3A : i32 to vector<16xi32>
        %ge3A_343 = arith.cmpi sge, %sub3A_341, %ge3A_342 : vector<16xi32>
        %lt3A_344 = arith.constant 5000 : i32
        %lt3A_345 = vector.broadcast %lt3A_344 : i32 to vector<16xi32>
        %lt3A_346 = arith.cmpi slt, %sub3A_341, %lt3A_345 : vector<16xi32>
        %and3A_347 = arith.andi %ge3A_343, %lt3A_346 : vector<16xi1>
        %ge3A_348 = vector.broadcast %add3A_324 : i32 to vector<16xi32>
        %ge3A_349 = arith.cmpi sge, %add3A_336, %ge3A_348 : vector<16xi32>
        %and3A_350 = arith.andi %and3A_347, %ge3A_349 : vector<16xi1>
        %lt3A_351 = vector.broadcast %min3A_332 : i32 to vector<16xi32>
        %lt3A_352 = arith.cmpi slt, %add3A_336, %lt3A_351 : vector<16xi32>
        %and3A_353 = arith.andi %and3A_350, %lt3A_352 : vector<16xi1>
        %jit3A_354 = arith.constant 5000 : i32
        %broadcast_in_dim3A = vector.broadcast %jit3A_354 : i32 to vector<16xi32>
        %select_n3A_355 = arith.select %and3A_353, %sub3A_341, %broadcast_in_dim3A : vector<16xi1>, vector<16xi32>
        %swap3A = arith.constant 0 : index
        %swap3A_356 = tpu.vector_load %arg13[%swap3A] {strides = array<i32>} : memref<48xi32, #tpu.memory_space<vmem>>, vector<16xi32>,
        %swap3A_357 = vector.shape_cast %swap3A_356 : vector<16xi32> to vector<16xi32>
        %swap3A_358 = vector.shape_cast %select_n3A_355 : vector<16xi32> to vector<16xi32>
        tpu.vector_store %arg13[%swap3A], %swap3A_358 {strides = array<i32>} : memref<48xi32, #tpu.memory_space<vmem>>, vector<16xi32>,
        %add3A_359 = arith.constant 16 : i32
        %add3A_360 = arith.addi %multiple_of3A_321, %add3A_359 : i32
        %iota3A_361 = tpu.iota {dimensions = array<i32: 0>} : vector<16xi32>
        %add3A_362 = vector.broadcast %add3A_360 : i32 to vector<16xi32>
        %add3A_363 = arith.addi %add3A_362, %iota3A_361 : vector<16xi32>
        %get3A_364 = arith.constant 16 : index
        %get3A_365 = tpu.vector_load %arg13[%get3A_364] {strides = array<i32>} : memref<48xi32, #tpu.memory_space<vmem>>, vector<16xi32>,
        %get3A_366 = vector.shape_cast %get3A_365 : vector<16xi32> to vector<16xi32>
        %sub3A_367 = vector.broadcast %mul3A_146 : i32 to vector<16xi32>
        %sub3A_368 = arith.subi %get3A_366, %sub3A_367 : vector<16xi32>
        %ge3A_369 = arith.constant 0 : i32
        %ge3A_370 = vector.broadcast %ge3A_369 : i32 to vector<16xi32>
        %ge3A_371 = arith.cmpi sge, %sub3A_368, %ge3A_370 : vector<16xi32>
        %lt3A_372 = arith.constant 5000 : i32
        %lt3A_373 = vector.broadcast %lt3A_372 : i32 to vector<16xi32>
        %lt3A_374 = arith.cmpi slt, %sub3A_368, %lt3A_373 : vector<16xi32>
        %and3A_375 = arith.andi %ge3A_371, %lt3A_374 : vector<16xi1>
        %ge3A_376 = vector.broadcast %add3A_324 : i32 to vector<16xi32>
        %ge3A_377 = arith.cmpi sge, %add3A_363, %ge3A_376 : vector<16xi32>
        %and3A_378 = arith.andi %and3A_375, %ge3A_377 : vector<16xi1>
        %lt3A_379 = vector.broadcast %min3A_332 : i32 to vector<16xi32>
        %lt3A_380 = arith.cmpi slt, %add3A_363, %lt3A_379 : vector<16xi32>
        %and3A_381 = arith.andi %and3A_378, %lt3A_380 : vector<16xi1>
        %jit3A_382 = arith.constant 5000 : i32
        %broadcast_in_dim3A_383 = vector.broadcast %jit3A_382 : i32 to vector<16xi32>
        %select_n3A_384 = arith.select %and3A_381, %sub3A_368, %broadcast_in_dim3A_383 : vector<16xi1>, vector<16xi32>
        %swap3A_385 = arith.constant 16 : index
        %swap3A_386 = tpu.vector_load %arg13[%swap3A_385] {strides = array<i32>} : memref<48xi32, #tpu.memory_space<vmem>>, vector<16xi32>,
        %swap3A_387 = vector.shape_cast %swap3A_386 : vector<16xi32> to vector<16xi32>
        %swap3A_388 = vector.shape_cast %select_n3A_384 : vector<16xi32> to vector<16xi32>
        tpu.vector_store %arg13[%swap3A_385], %swap3A_388 {strides = array<i32>} : memref<48xi32, #tpu.memory_space<vmem>>, vector<16xi32>,
        %add3A_389 = arith.constant 32 : i32
        %add3A_390 = arith.addi %multiple_of3A_321, %add3A_389 : i32
        %iota3A_391 = tpu.iota {dimensions = array<i32: 0>} : vector<16xi32>
        %add3A_392 = vector.broadcast %add3A_390 : i32 to vector<16xi32>
        %add3A_393 = arith.addi %add3A_392, %iota3A_391 : vector<16xi32>
        %get3A_394 = arith.constant 32 : index
        %get3A_395 = tpu.vector_load %arg13[%get3A_394] {strides = array<i32>} : memref<48xi32, #tpu.memory_space<vmem>>, vector<16xi32>,
        %get3A_396 = vector.shape_cast %get3A_395 : vector<16xi32> to vector<16xi32>
        %sub3A_397 = vector.broadcast %mul3A_146 : i32 to vector<16xi32>
        %sub3A_398 = arith.subi %get3A_396, %sub3A_397 : vector<16xi32>
        %ge3A_399 = arith.constant 0 : i32
        %ge3A_400 = vector.broadcast %ge3A_399 : i32 to vector<16xi32>
        %ge3A_401 = arith.cmpi sge, %sub3A_398, %ge3A_400 : vector<16xi32>
        %lt3A_402 = arith.constant 5000 : i32
        %lt3A_403 = vector.broadcast %lt3A_402 : i32 to vector<16xi32>
        %lt3A_404 = arith.cmpi slt, %sub3A_398, %lt3A_403 : vector<16xi32>
        %and3A_405 = arith.andi %ge3A_401, %lt3A_404 : vector<16xi1>
        %ge3A_406 = vector.broadcast %add3A_324 : i32 to vector<16xi32>
        %ge3A_407 = arith.cmpi sge, %add3A_393, %ge3A_406 : vector<16xi32>
        %and3A_408 = arith.andi %and3A_405, %ge3A_407 : vector<16xi1>
        %lt3A_409 = vector.broadcast %min3A_332 : i32 to vector<16xi32>
        %lt3A_410 = arith.cmpi slt, %add3A_393, %lt3A_409 : vector<16xi32>
        %and3A_411 = arith.andi %and3A_408, %lt3A_410 : vector<16xi1>
        %jit3A_412 = arith.constant 5000 : i32
        %broadcast_in_dim3A_413 = vector.broadcast %jit3A_412 : i32 to vector<16xi32>
        %select_n3A_414 = arith.select %and3A_411, %sub3A_398, %broadcast_in_dim3A_413 : vector<16xi1>, vector<16xi32>
        %swap3A_415 = arith.constant 32 : index
        %swap3A_416 = tpu.vector_load %arg13[%swap3A_415] {strides = array<i32>} : memref<48xi32, #tpu.memory_space<vmem>>, vector<16xi32>,
        %swap3A_417 = vector.shape_cast %swap3A_416 : vector<16xi32> to vector<16xi32>
        %swap3A_418 = vector.shape_cast %select_n3A_414 : vector<16xi32> to vector<16xi32>
        tpu.vector_store %arg13[%swap3A_415], %swap3A_418 {strides = array<i32>} : memref<48xi32, #tpu.memory_space<vmem>>, vector<16xi32>,
        "tpu.region"() ({
          %run_scoped3A = tpu.sem_alloc : memref<!tpu.dma_semaphore, #tpu.memory_space<semaphore_mem>>
          %dma_start3A = arith.constant 0 : i32
          %dma_start3A_425 = arith.constant 0 : i32
          %dma_start3A_426 = tpu.memref_slice %arg40[%dma_start3A, %dma_start3A_425] : memref<5008x128xf32, #tpu.memory_space<vmem_shared>> -> memref<5008x128xf32, #tpu.memory_space<vmem_shared>>
          tpu.enqueue_indirect_dma source(%arg21 : memref<48x128xf32, #tpu.memory_space<vmem>>) target(%dma_start3A_426 : memref<5008x128xf32, #tpu.memory_space<vmem_shared>>) offsets(%arg13 : memref<48xi32, #tpu.memory_space<vmem>>) semaphore(%run_scoped3A : memref<!tpu.dma_semaphore, #tpu.memory_space<semaphore_mem>>) {add = true}
          %dma_wait3A_427 = arith.constant 0 : i32
          %dma_wait3A_428 = arith.constant 0 : i32
          %dma_wait3A_429 = tpu.memref_slice %arg40[%dma_wait3A_427, %dma_wait3A_428] : memref<5008x128xf32, #tpu.memory_space<vmem_shared>> -> memref<5008x128xf32, #tpu.memory_space<vmem_shared>>
          tpu.wait_indirect_dma semaphore(%run_scoped3A : memref<!tpu.dma_semaphore, #tpu.memory_space<semaphore_mem>>) src(%arg21 : memref<48x128xf32, #tpu.memory_space<vmem>>) dst(%dma_wait3A_429 : memref<5008x128xf32, #tpu.memory_space<vmem_shared>>)
          tpu.yield
        }) : () -> ()
        %add3A_419 = arith.constant 8 : i32
        %add3A_420 = arith.addi %add3A_315, %add3A_419 : i32
        %lt3A_421 = arith.cmpi slt, %add3A_420, %max3A_144 : i32
        %convert_element_type3A_422 = arith.extui %lt3A_421 : i1 to i32
        %cond3A_423 = arith.constant 0 : i32
        %cond3A_424 = arith.cmpi ne, %convert_element_type3A_422, %cond3A_423 : i32
        scf.if %cond3A_424 {
          %add3A_425 = arith.constant 8 : i32
          %add3A_426 = arith.addi %add3A_315, %add3A_425 : i32
          %mul3A_427 = arith.constant 48 : i32
          %mul3A_428 = arith.muli %add3A_426, %mul3A_427 : i32
          %add3A_429 = arith.addi %add3A_112, %mul3A_428 : i32
          %min3A_430 = arith.constant 319952 : i32
          %min3A_431 = arith.minsi %add3A_429, %min3A_430 : i32
          %multiple_of3A_432 = tpu.assume_multiple %min3A_431, 8 : i32
          %dma_start3A = tpu.memref_slice %arg3[%multiple_of3A_432] : memref<320000xi32, #tpu.memory_space<hbm>> -> memref<48xi32, #tpu.memory_space<hbm>>
          %dma_start3A_433 = tpu.memref_slice %arg3[%multiple_of3A_432] : memref<320000xi32, #tpu.memory_space<hbm>> -> memref<48xi32, #tpu.memory_space<hbm>>
          tpu.enqueue_dma source(%dma_start3A_433 : memref<48xi32, #tpu.memory_space<hbm>>) target(%arg13 : memref<48xi32, #tpu.memory_space<vmem>>) target_semaphore(%arg29 : memref<!tpu.dma_semaphore, #tpu.memory_space<semaphore_mem>>)
          %dma_start3A_434 = arith.constant 0 : i32
          %dma_start3A_435 = tpu.memref_slice %arg2[%multiple_of3A_432, %dma_start3A_434] : memref<320000x128xf32, #tpu.memory_space<hbm>> -> memref<48x128xf32, #tpu.memory_space<hbm>>
          %dma_start3A_436 = arith.constant 0 : i32
          %dma_start3A_437 = tpu.memref_slice %arg2[%multiple_of3A_432, %dma_start3A_436] : memref<320000x128xf32, #tpu.memory_space<hbm>> -> memref<48x128xf32, #tpu.memory_space<hbm>>
          tpu.enqueue_dma source(%dma_start3A_437 : memref<48x128xf32, #tpu.memory_space<hbm>>) target(%arg21 : memref<48x128xf32, #tpu.memory_space<vmem>>) target_semaphore(%arg37 : memref<!tpu.dma_semaphore, #tpu.memory_space<semaphore_mem>>)
        } else {
        }
      } else {
      }
      %mul3A_304 = arith.constant 8 : i32
      %mul3A_305 = arith.muli %while3A_247, %mul3A_304 : i32
      %add3A_306 = arith.constant 7 : i32
      %add3A_307 = arith.addi %mul3A_305, %add3A_306 : i32
      %lt3A_308 = arith.cmpi slt, %add3A_307, %max3A_144 : i32
      %convert_element_type3A_309 = arith.extui %lt3A_308 : i1 to i32
      %cond3A_310 = arith.constant 0 : i32
      %cond3A_311 = arith.cmpi ne, %convert_element_type3A_309, %cond3A_310 : i32
      scf.if %cond3A_311 {
        %mul3A_312 = arith.constant 8 : i32
        %mul3A_313 = arith.muli %while3A_247, %mul3A_312 : i32
        %add3A_314 = arith.constant 7 : i32
        %add3A_315 = arith.addi %mul3A_313, %add3A_314 : i32
        %mul3A_316 = arith.constant 48 : i32
        %mul3A_317 = arith.muli %add3A_315, %mul3A_316 : i32
        %add3A_318 = arith.addi %add3A_112, %mul3A_317 : i32
        %min3A_319 = arith.constant 319952 : i32
        %min3A_320 = arith.minsi %add3A_318, %min3A_319 : i32
        %multiple_of3A_321 = tpu.assume_multiple %min3A_320, 8 : i32
        %mul3A_322 = arith.constant 48 : i32
        %mul3A_323 = arith.muli %add3A_315, %mul3A_322 : i32
        %add3A_324 = arith.addi %add3A_112, %mul3A_323 : i32
        %dma_wait3A = tpu.memref_slice %arg3[%multiple_of3A_321] : memref<320000xi32, #tpu.memory_space<hbm>> -> memref<48xi32, #tpu.memory_space<hbm>>
        %dma_wait3A_325 = tpu.memref_slice %arg3[%multiple_of3A_321] : memref<320000xi32, #tpu.memory_space<hbm>> -> memref<48xi32, #tpu.memory_space<hbm>>
        tpu.wait_dma2 semaphore(%arg30 : memref<!tpu.dma_semaphore, #tpu.memory_space<semaphore_mem>>) src(%dma_wait3A_325 : memref<48xi32, #tpu.memory_space<hbm>>) dst(%arg14 : memref<48xi32, #tpu.memory_space<vmem>>)
        %dma_wait3A_326 = arith.constant 0 : i32
        %dma_wait3A_327 = tpu.memref_slice %arg2[%multiple_of3A_321, %dma_wait3A_326] : memref<320000x128xf32, #tpu.memory_space<hbm>> -> memref<48x128xf32, #tpu.memory_space<hbm>>
        %dma_wait3A_328 = arith.constant 0 : i32
        %dma_wait3A_329 = tpu.memref_slice %arg2[%multiple_of3A_321, %dma_wait3A_328] : memref<320000x128xf32, #tpu.memory_space<hbm>> -> memref<48x128xf32, #tpu.memory_space<hbm>>
        tpu.wait_dma2 semaphore(%arg38 : memref<!tpu.dma_semaphore, #tpu.memory_space<semaphore_mem>>) src(%dma_wait3A_329 : memref<48x128xf32, #tpu.memory_space<hbm>>) dst(%arg22 : memref<48x128xf32, #tpu.memory_space<vmem>>)
        %add3A_330 = arith.constant 48 : i32
        %add3A_331 = arith.addi %add3A_324, %add3A_330 : i32
        %min3A_332 = arith.minsi %add3A_331, %min3A_114 : i32
        %add3A_333 = arith.constant 0 : i32
        %add3A_334 = arith.addi %multiple_of3A_321, %add3A_333 : i32
        %iota3A = tpu.iota {dimensions = array<i32: 0>} : vector<16xi32>
        %add3A_335 = vector.broadcast %add3A_334 : i32 to vector<16xi32>
        %add3A_336 = arith.addi %add3A_335, %iota3A : vector<16xi32>
        %get3A_337 = arith.constant 0 : index
        %get3A_338 = tpu.vector_load %arg14[%get3A_337] {strides = array<i32>} : memref<48xi32, #tpu.memory_space<vmem>>, vector<16xi32>,
        %get3A_339 = vector.shape_cast %get3A_338 : vector<16xi32> to vector<16xi32>
        %sub3A_340 = vector.broadcast %mul3A_146 : i32 to vector<16xi32>
        %sub3A_341 = arith.subi %get3A_339, %sub3A_340 : vector<16xi32>
        %ge3A = arith.constant 0 : i32
        %ge3A_342 = vector.broadcast %ge3A : i32 to vector<16xi32>
        %ge3A_343 = arith.cmpi sge, %sub3A_341, %ge3A_342 : vector<16xi32>
        %lt3A_344 = arith.constant 5000 : i32
        %lt3A_345 = vector.broadcast %lt3A_344 : i32 to vector<16xi32>
        %lt3A_346 = arith.cmpi slt, %sub3A_341, %lt3A_345 : vector<16xi32>
        %and3A_347 = arith.andi %ge3A_343, %lt3A_346 : vector<16xi1>
        %ge3A_348 = vector.broadcast %add3A_324 : i32 to vector<16xi32>
        %ge3A_349 = arith.cmpi sge, %add3A_336, %ge3A_348 : vector<16xi32>
        %and3A_350 = arith.andi %and3A_347, %ge3A_349 : vector<16xi1>
        %lt3A_351 = vector.broadcast %min3A_332 : i32 to vector<16xi32>
        %lt3A_352 = arith.cmpi slt, %add3A_336, %lt3A_351 : vector<16xi32>
        %and3A_353 = arith.andi %and3A_350, %lt3A_352 : vector<16xi1>
        %jit3A_354 = arith.constant 5000 : i32
        %broadcast_in_dim3A = vector.broadcast %jit3A_354 : i32 to vector<16xi32>
        %select_n3A_355 = arith.select %and3A_353, %sub3A_341, %broadcast_in_dim3A : vector<16xi1>, vector<16xi32>
        %swap3A = arith.constant 0 : index
        %swap3A_356 = tpu.vector_load %arg14[%swap3A] {strides = array<i32>} : memref<48xi32, #tpu.memory_space<vmem>>, vector<16xi32>,
        %swap3A_357 = vector.shape_cast %swap3A_356 : vector<16xi32> to vector<16xi32>
        %swap3A_358 = vector.shape_cast %select_n3A_355 : vector<16xi32> to vector<16xi32>
        tpu.vector_store %arg14[%swap3A], %swap3A_358 {strides = array<i32>} : memref<48xi32, #tpu.memory_space<vmem>>, vector<16xi32>,
        %add3A_359 = arith.constant 16 : i32
        %add3A_360 = arith.addi %multiple_of3A_321, %add3A_359 : i32
        %iota3A_361 = tpu.iota {dimensions = array<i32: 0>} : vector<16xi32>
        %add3A_362 = vector.broadcast %add3A_360 : i32 to vector<16xi32>
        %add3A_363 = arith.addi %add3A_362, %iota3A_361 : vector<16xi32>
        %get3A_364 = arith.constant 16 : index
        %get3A_365 = tpu.vector_load %arg14[%get3A_364] {strides = array<i32>} : memref<48xi32, #tpu.memory_space<vmem>>, vector<16xi32>,
        %get3A_366 = vector.shape_cast %get3A_365 : vector<16xi32> to vector<16xi32>
        %sub3A_367 = vector.broadcast %mul3A_146 : i32 to vector<16xi32>
        %sub3A_368 = arith.subi %get3A_366, %sub3A_367 : vector<16xi32>
        %ge3A_369 = arith.constant 0 : i32
        %ge3A_370 = vector.broadcast %ge3A_369 : i32 to vector<16xi32>
        %ge3A_371 = arith.cmpi sge, %sub3A_368, %ge3A_370 : vector<16xi32>
        %lt3A_372 = arith.constant 5000 : i32
        %lt3A_373 = vector.broadcast %lt3A_372 : i32 to vector<16xi32>
        %lt3A_374 = arith.cmpi slt, %sub3A_368, %lt3A_373 : vector<16xi32>
        %and3A_375 = arith.andi %ge3A_371, %lt3A_374 : vector<16xi1>
        %ge3A_376 = vector.broadcast %add3A_324 : i32 to vector<16xi32>
        %ge3A_377 = arith.cmpi sge, %add3A_363, %ge3A_376 : vector<16xi32>
        %and3A_378 = arith.andi %and3A_375, %ge3A_377 : vector<16xi1>
        %lt3A_379 = vector.broadcast %min3A_332 : i32 to vector<16xi32>
        %lt3A_380 = arith.cmpi slt, %add3A_363, %lt3A_379 : vector<16xi32>
        %and3A_381 = arith.andi %and3A_378, %lt3A_380 : vector<16xi1>
        %jit3A_382 = arith.constant 5000 : i32
        %broadcast_in_dim3A_383 = vector.broadcast %jit3A_382 : i32 to vector<16xi32>
        %select_n3A_384 = arith.select %and3A_381, %sub3A_368, %broadcast_in_dim3A_383 : vector<16xi1>, vector<16xi32>
        %swap3A_385 = arith.constant 16 : index
        %swap3A_386 = tpu.vector_load %arg14[%swap3A_385] {strides = array<i32>} : memref<48xi32, #tpu.memory_space<vmem>>, vector<16xi32>,
        %swap3A_387 = vector.shape_cast %swap3A_386 : vector<16xi32> to vector<16xi32>
        %swap3A_388 = vector.shape_cast %select_n3A_384 : vector<16xi32> to vector<16xi32>
        tpu.vector_store %arg14[%swap3A_385], %swap3A_388 {strides = array<i32>} : memref<48xi32, #tpu.memory_space<vmem>>, vector<16xi32>,
        %add3A_389 = arith.constant 32 : i32
        %add3A_390 = arith.addi %multiple_of3A_321, %add3A_389 : i32
        %iota3A_391 = tpu.iota {dimensions = array<i32: 0>} : vector<16xi32>
        %add3A_392 = vector.broadcast %add3A_390 : i32 to vector<16xi32>
        %add3A_393 = arith.addi %add3A_392, %iota3A_391 : vector<16xi32>
        %get3A_394 = arith.constant 32 : index
        %get3A_395 = tpu.vector_load %arg14[%get3A_394] {strides = array<i32>} : memref<48xi32, #tpu.memory_space<vmem>>, vector<16xi32>,
        %get3A_396 = vector.shape_cast %get3A_395 : vector<16xi32> to vector<16xi32>
        %sub3A_397 = vector.broadcast %mul3A_146 : i32 to vector<16xi32>
        %sub3A_398 = arith.subi %get3A_396, %sub3A_397 : vector<16xi32>
        %ge3A_399 = arith.constant 0 : i32
        %ge3A_400 = vector.broadcast %ge3A_399 : i32 to vector<16xi32>
        %ge3A_401 = arith.cmpi sge, %sub3A_398, %ge3A_400 : vector<16xi32>
        %lt3A_402 = arith.constant 5000 : i32
        %lt3A_403 = vector.broadcast %lt3A_402 : i32 to vector<16xi32>
        %lt3A_404 = arith.cmpi slt, %sub3A_398, %lt3A_403 : vector<16xi32>
        %and3A_405 = arith.andi %ge3A_401, %lt3A_404 : vector<16xi1>
        %ge3A_406 = vector.broadcast %add3A_324 : i32 to vector<16xi32>
        %ge3A_407 = arith.cmpi sge, %add3A_393, %ge3A_406 : vector<16xi32>
        %and3A_408 = arith.andi %and3A_405, %ge3A_407 : vector<16xi1>
        %lt3A_409 = vector.broadcast %min3A_332 : i32 to vector<16xi32>
        %lt3A_410 = arith.cmpi slt, %add3A_393, %lt3A_409 : vector<16xi32>
        %and3A_411 = arith.andi %and3A_408, %lt3A_410 : vector<16xi1>
        %jit3A_412 = arith.constant 5000 : i32
        %broadcast_in_dim3A_413 = vector.broadcast %jit3A_412 : i32 to vector<16xi32>
        %select_n3A_414 = arith.select %and3A_411, %sub3A_398, %broadcast_in_dim3A_413 : vector<16xi1>, vector<16xi32>
        %swap3A_415 = arith.constant 32 : index
        %swap3A_416 = tpu.vector_load %arg14[%swap3A_415] {strides = array<i32>} : memref<48xi32, #tpu.memory_space<vmem>>, vector<16xi32>,
        %swap3A_417 = vector.shape_cast %swap3A_416 : vector<16xi32> to vector<16xi32>
        %swap3A_418 = vector.shape_cast %select_n3A_414 : vector<16xi32> to vector<16xi32>
        tpu.vector_store %arg14[%swap3A_415], %swap3A_418 {strides = array<i32>} : memref<48xi32, #tpu.memory_space<vmem>>, vector<16xi32>,
        "tpu.region"() ({
          %run_scoped3A = tpu.sem_alloc : memref<!tpu.dma_semaphore, #tpu.memory_space<semaphore_mem>>
          %dma_start3A = arith.constant 0 : i32
          %dma_start3A_425 = arith.constant 0 : i32
          %dma_start3A_426 = tpu.memref_slice %arg40[%dma_start3A, %dma_start3A_425] : memref<5008x128xf32, #tpu.memory_space<vmem_shared>> -> memref<5008x128xf32, #tpu.memory_space<vmem_shared>>
          tpu.enqueue_indirect_dma source(%arg22 : memref<48x128xf32, #tpu.memory_space<vmem>>) target(%dma_start3A_426 : memref<5008x128xf32, #tpu.memory_space<vmem_shared>>) offsets(%arg14 : memref<48xi32, #tpu.memory_space<vmem>>) semaphore(%run_scoped3A : memref<!tpu.dma_semaphore, #tpu.memory_space<semaphore_mem>>) {add = true}
          %dma_wait3A_427 = arith.constant 0 : i32
          %dma_wait3A_428 = arith.constant 0 : i32
          %dma_wait3A_429 = tpu.memref_slice %arg40[%dma_wait3A_427, %dma_wait3A_428] : memref<5008x128xf32, #tpu.memory_space<vmem_shared>> -> memref<5008x128xf32, #tpu.memory_space<vmem_shared>>
          tpu.wait_indirect_dma semaphore(%run_scoped3A : memref<!tpu.dma_semaphore, #tpu.memory_space<semaphore_mem>>) src(%arg22 : memref<48x128xf32, #tpu.memory_space<vmem>>) dst(%dma_wait3A_429 : memref<5008x128xf32, #tpu.memory_space<vmem_shared>>)
          tpu.yield
        }) : () -> ()
        %add3A_419 = arith.constant 8 : i32
        %add3A_420 = arith.addi %add3A_315, %add3A_419 : i32
        %lt3A_421 = arith.cmpi slt, %add3A_420, %max3A_144 : i32
        %convert_element_type3A_422 = arith.extui %lt3A_421 : i1 to i32
        %cond3A_423 = arith.constant 0 : i32
        %cond3A_424 = arith.cmpi ne, %convert_element_type3A_422, %cond3A_423 : i32
        scf.if %cond3A_424 {
          %add3A_425 = arith.constant 8 : i32
          %add3A_426 = arith.addi %add3A_315, %add3A_425 : i32
          %mul3A_427 = arith.constant 48 : i32
          %mul3A_428 = arith.muli %add3A_426, %mul3A_427 : i32
          %add3A_429 = arith.addi %add3A_112, %mul3A_428 : i32
          %min3A_430 = arith.constant 319952 : i32
          %min3A_431 = arith.minsi %add3A_429, %min3A_430 : i32
          %multiple_of3A_432 = tpu.assume_multiple %min3A_431, 8 : i32
          %dma_start3A = tpu.memref_slice %arg3[%multiple_of3A_432] : memref<320000xi32, #tpu.memory_space<hbm>> -> memref<48xi32, #tpu.memory_space<hbm>>
          %dma_start3A_433 = tpu.memref_slice %arg3[%multiple_of3A_432] : memref<320000xi32, #tpu.memory_space<hbm>> -> memref<48xi32, #tpu.memory_space<hbm>>
          tpu.enqueue_dma source(%dma_start3A_433 : memref<48xi32, #tpu.memory_space<hbm>>) target(%arg14 : memref<48xi32, #tpu.memory_space<vmem>>) target_semaphore(%arg30 : memref<!tpu.dma_semaphore, #tpu.memory_space<semaphore_mem>>)
          %dma_start3A_434 = arith.constant 0 : i32
          %dma_start3A_435 = tpu.memref_slice %arg2[%multiple_of3A_432, %dma_start3A_434] : memref<320000x128xf32, #tpu.memory_space<hbm>> -> memref<48x128xf32, #tpu.memory_space<hbm>>
          %dma_start3A_436 = arith.constant 0 : i32
          %dma_start3A_437 = tpu.memref_slice %arg2[%multiple_of3A_432, %dma_start3A_436] : memref<320000x128xf32, #tpu.memory_space<hbm>> -> memref<48x128xf32, #tpu.memory_space<hbm>>
          tpu.enqueue_dma source(%dma_start3A_437 : memref<48x128xf32, #tpu.memory_space<hbm>>) target(%arg22 : memref<48x128xf32, #tpu.memory_space<vmem>>) target_semaphore(%arg38 : memref<!tpu.dma_semaphore, #tpu.memory_space<semaphore_mem>>)
        } else {
        }
      } else {
      }
    }
    %barrier3A_236 = arith.constant 0 : index
    tpu.barrier barrier_id(%barrier3A_236)
    %lt3A_237 = arith.constant 15 : i32
    %lt3A_238 = arith.cmpi slt, %arg1, %lt3A_237 : i32
    %convert_element_type3A_239 = arith.extui %lt3A_238 : i1 to i32
    %cond3A_240 = arith.constant 0 : i32
    %cond3A_241 = arith.cmpi ne, %convert_element_type3A_239, %cond3A_240 : i32
    scf.if %cond3A_241 {
      "tpu.region"() ({
        %run_scoped3A = tpu.sem_alloc : memref<!tpu.dma_semaphore, #tpu.memory_space<semaphore_mem>>
        %dma_start3A = arith.constant 0 : i32
        %dma_start3A_247 = tpu.memref_slice %arg6[%multiple_of3A_189, %dma_start3A] : memref<10000x128xf32, #tpu.memory_space<hbm>> -> memref<312x128xf32, #tpu.memory_space<hbm>>
        %dma_start3A_248 = arith.constant 0 : i32
        %dma_start3A_249 = tpu.memref_slice %arg40[%multiple_of3A, %dma_start3A_248] : memref<5008x128xf32, #tpu.memory_space<vmem_shared>> -> memref<312x128xf32, #tpu.memory_space<vmem_shared>>
        tpu.enqueue_dma source(%dma_start3A_249 : memref<312x128xf32, #tpu.memory_space<vmem_shared>>) target(%dma_start3A_247 : memref<312x128xf32, #tpu.memory_space<hbm>>) target_semaphore(%run_scoped3A : memref<!tpu.dma_semaphore, #tpu.memory_space<semaphore_mem>>)
        %dma_wait3A = arith.constant 0 : i32
        %dma_wait3A_250 = tpu.memref_slice %arg6[%multiple_of3A_189, %dma_wait3A] : memref<10000x128xf32, #tpu.memory_space<hbm>> -> memref<312x128xf32, #tpu.memory_space<hbm>>
        %dma_wait3A_251 = arith.constant 0 : i32
        %dma_wait3A_252 = tpu.memref_slice %arg40[%multiple_of3A, %dma_wait3A_251] : memref<5008x128xf32, #tpu.memory_space<vmem_shared>> -> memref<312x128xf32, #tpu.memory_space<vmem_shared>>
        tpu.wait_dma2 semaphore(%run_scoped3A : memref<!tpu.dma_semaphore, #tpu.memory_space<semaphore_mem>>) src(%dma_wait3A_252 : memref<312x128xf32, #tpu.memory_space<vmem_shared>>) dst(%dma_wait3A_250 : memref<312x128xf32, #tpu.memory_space<hbm>>)
        tpu.yield
      }) : () -> ()
    } else {
    }
    %eq3A_242 = arith.constant 15 : i32
    %eq3A_243 = arith.cmpi eq, %arg1, %eq3A_242 : i32
    %convert_element_type3A_244 = arith.extui %eq3A_243 : i1 to i32
    %cond3A_245 = arith.constant 0 : i32
    %cond3A_246 = arith.cmpi ne, %convert_element_type3A_244, %cond3A_245 : i32
    scf.if %cond3A_246 {
      %add3A_247 = arith.constant 4680 : i32
      %add3A_248 = arith.addi %mul3A_146, %add3A_247 : i32
      %multiple_of3A_249 = tpu.assume_multiple %add3A_248, 8 : i32
      "tpu.region"() ({
        %run_scoped3A = tpu.sem_alloc : memref<!tpu.dma_semaphore, #tpu.memory_space<semaphore_mem>>
        %dma_start3A = arith.constant 0 : i32
        %dma_start3A_250 = tpu.memref_slice %arg6[%multiple_of3A_249, %dma_start3A] : memref<10000x128xf32, #tpu.memory_space<hbm>> -> memref<320x128xf32, #tpu.memory_space<hbm>>
        %dma_start3A_251 = arith.constant 4680 : i32
        %dma_start3A_252 = arith.constant 0 : i32
        %dma_start3A_253 = tpu.memref_slice %arg40[%dma_start3A_251, %dma_start3A_252] : memref<5008x128xf32, #tpu.memory_space<vmem_shared>> -> memref<320x128xf32, #tpu.memory_space<vmem_shared>>
        tpu.enqueue_dma source(%dma_start3A_253 : memref<320x128xf32, #tpu.memory_space<vmem_shared>>) target(%dma_start3A_250 : memref<320x128xf32, #tpu.memory_space<hbm>>) target_semaphore(%run_scoped3A : memref<!tpu.dma_semaphore, #tpu.memory_space<semaphore_mem>>)
        %dma_wait3A = arith.constant 0 : i32
        %dma_wait3A_254 = tpu.memref_slice %arg6[%multiple_of3A_249, %dma_wait3A] : memref<10000x128xf32, #tpu.memory_space<hbm>> -> memref<320x128xf32, #tpu.memory_space<hbm>>
        %dma_wait3A_255 = arith.constant 4680 : i32
        %dma_wait3A_256 = arith.constant 0 : i32
        %dma_wait3A_257 = tpu.memref_slice %arg40[%dma_wait3A_255, %dma_wait3A_256] : memref<5008x128xf32, #tpu.memory_space<vmem_shared>> -> memref<320x128xf32, #tpu.memory_space<vmem_shared>>
        tpu.wait_dma2 semaphore(%run_scoped3A : memref<!tpu.dma_semaphore, #tpu.memory_space<semaphore_mem>>) src(%dma_wait3A_257 : memref<320x128xf32, #tpu.memory_space<vmem_shared>>) dst(%dma_wait3A_254 : memref<320x128xf32, #tpu.memory_space<hbm>>)
        tpu.yield
      }) : () -> ()
    } else {
    }
    return
  }
}

</mosaic_0001>

<sc_bundles>
// kernel: kernel.3.cloned.1.call-start
scs
__scs_entry_jumppad:
0x0: {  	(pc) =	sbr.rel $0x88, $3  }
0x1: {  	(tag) =	ssettag $0x0;
	lr =	simm.s32 $0x1  }
0x2: {  	[smem:$0x3F9E] =	sst lr;
	_ =	strace $0xD0000000  }
0x3: {  	_ = 	snop  }
0x4: {  	_ = 	snop  }
0x5: {  	_ = 	snop  }
0x6: {  	_ = 	snop  }
0x7: {  	_ = 	snop  }
__scs_overlays_trampoline_lowered:
0x8: {  	[smem:$0x3FAD] =	sst s0  }
0x9: {  	[smem:$0x3FAE] =	sst s1  }
0xa: {  	[smem:$0x3FAF] =	sst s2  }
0xb: {  	[smem:$0x3FB0] =	sst s3  }
0xc: {  	[smem:$0x3FB1] =	sst s4  }
0xd: {  	[smem:$0x3FB2] =	sst s5  }
0xe: {  	[smem:$0x3FB3] =	sst s6  }
0xf: {  	[smem:$0x3FB4] =	sst s7  }
0x10: {  	[smem:$0x3FB5] =	sst s8  }
0x11: {  	[smem:$0x3FB6] =	sst s9;
	s0 =	simm.s32 @!p0 $0x0  }
0x12: {  	s1 =	sld [smem:$0x3F9C];
	s0 =	simm.s32 @p0 $0x1  }
0x13: {  	[smem:$0x3FB7] =	sst s0;
	s0 =	simm.s32 @!p1 $0x0  }
0x14: {  	s2 =	sld [smem:$0x3F9B];
	s0 =	simm.s32 @p1 $0x1  }
0x15: {  	[smem:$0x3FB8] =	sst s0;
	s0 =	simm.s32 @!p2 $0x0  }
0x16: {  	s3 =	sld [smem:$0x3FDB];
	s0 =	simm.s32 @p2 $0x1  }
0x17: {  	s4 =	simm.s32 $0x1BF5;
	[smem:$0x3FBA] =	sst s0  }
0x18: {  	s0 =	sld [smem:$0x3F9D];
	_ =	swait.ge [sflag:s4], $0x0  }
0x19: {  	s7 =	sld [smem:$0x3F9E]  }
0x1a: {  	s8 =	sadd.s32 $0xFFFFE003, lr  }
0x1b: {  	s9 =	sadd.s32 $0xFFFFFEF7, lr;
	s5 =	simm.s32 $0xFFFFFFFF;
	p2 =	slt.u32 s8, $0xFFFFF086  }
0x1c: {  	p1 =	slt.u32 s9, $0xF7A;
	s5 =	simm.s32 @!p2 $0x0  }
0x1d: {  	s5 =	simm.s32 @p1 $0x1;
	p0 =	seq.s32 s7, s2  }
0x1e: {  	s7 =	smul.u32 @!p0 $0xF7A, s2;
	p2 =	seq.s32 @!p0 s5, $0x0  }
0x1f: {  	s9 =	smul.u32 $0xF7A, s1;
	s8 =	simm.s32 @!p0 $0x1BF5;
	p2 =	por !p2, p0  }
0x20: {  	[sflag:s8] =	ssyncset.s32 @!p0 $0xFFFFF086;
	s6 =	sadd.s32 @!p0 s3, s7;
	s7 =	simm.s32 @!p0 $0x108  }
0x21: {  	s3 =	sadd.s32 s3, s9;
	s6 =	sadd.s32 @!p0 $0x88, s6;
	s7 =	simm.s32 @p2 $0x1082  }
0x22: {  	[simem:s7], [sflag:s8] =	dma.local @!p0 [hbm:s6], $0xF7A  }
0x23: {  	s9 =	sor.u32 $0xD0000000, s2;
	s6 =	simm.s32 $0x108;
	_ =	swait.ge @!p0 [sflag:s8], $0x0  }
0x24: {  	s3 =	sadd.s32 $0x88, s3;
	s6 =	simm.s32 @!p1 $0x1082;
	[sflag:s4] =	ssyncset.s32 $0xFFFFF086  }
0x25: {  	[simem:s6], [sflag:s4] =	dma.local [hbm:s3], $0xF7A  }
0x26: {  	[smem:$0x3F9E] =	sst s1;
	(tag) =	ssettag s2;
	_ =	strace s9  }
0x27: {  	s1 =	sld [smem:$0x3FAE]  }
0x28: {  	s2 =	sld [smem:$0x3FAF]  }
0x29: {  	s4 =	sld [smem:$0x3FB1]  }
0x2a: {  	p0 =	seq.s32 s5, $0x0;
	s5 =	sld [smem:$0x3FB2]  }
0x2b: {  	s6 =	sld [smem:$0x3FB3]  }
0x2c: {  	s7 =	sld [smem:$0x3FB4]  }
0x2d: {  	s3 =	simm.s32 $0x108;
	s8 =	sld [smem:$0x3FB5]  }
0x2e: {  	s3 =	simm.s32 @!p0 $0x1082;
	s9 =	sld [smem:$0x3FB6]  }
0x2f: {  	lr =	sadd.s32 s0, s3;
	s0 =	sld [smem:$0x3FAD]  }
0x30: {  	s3 =	sld [smem:$0x3FB0]  }
0x31: {  	[smem:$0x3FB9] =	sst s10  }
0x32: {  	s10 =	sld [smem:$0x3FB7];
	_ =	sdelay $0x3  }
0x33: {  	p0 =	seq.s32 s10, $0x1;
	s10 =	sld [smem:$0x3FB9];
	_ =	sdelay $0x3  }
0x34: {  	[smem:$0x3FB9] =	sst s10  }
0x35: {  	s10 =	sld [smem:$0x3FB8];
	_ =	sdelay $0x3  }
0x36: {  	p1 =	seq.s32 s10, $0x1;
	s10 =	sld [smem:$0x3FB9];
	_ =	sdelay $0x3  }
0x37: {  	[smem:$0x3FB9] =	sst s10  }
0x38: {  	s10 =	sld [smem:$0x3FBA]  }
0x39: {  	_ = 	snop;
	(pc) =	sbr.ind lr, $3  }
0x3a: {  	_ = 	snop  }
0x3b: {  	_ = 	snop  }
0x3c: {  	p2 =	seq.s32 s10, $0x1;
	s10 =	sld [smem:$0x3FB9]  }
0x3d: {  	_ =	shalt  }
0x3e: {  	_ =	shalt  }
0x3f: {  	_ =	shalt  }
0x40: {  	_ =	shalt  }
0x41: {  	_ =	shalt  }
0x42: {  	_ =	shalt  }
0x43: {  	_ =	shalt  }
0x44: {  	_ =	shalt  }
0x45: {  	_ =	shalt  }
0x46: {  	_ =	shalt  }
0x47: {  	_ =	shalt  }
0x48: {  	_ =	shalt  }
0x49: {  	_ =	shalt  }
0x4a: {  	_ =	shalt  }
0x4b: {  	_ =	shalt  }
0x4c: {  	_ =	shalt  }
0x4d: {  	_ =	shalt  }
0x4e: {  	_ =	shalt  }
0x4f: {  	_ =	shalt  }
0x50: {  	_ =	shalt  }
0x51: {  	_ =	shalt  }
0x52: {  	_ =	shalt  }
0x53: {  	_ =	shalt  }
0x54: {  	_ =	shalt  }
0x55: {  	_ =	shalt  }
0x56: {  	_ =	shalt  }
0x57: {  	_ =	shalt  }
0x58: {  	_ =	shalt  }
0x59: {  	_ =	shalt  }
0x5a: {  	_ =	shalt  }
0x5b: {  	_ =	shalt  }
0x5c: {  	_ =	shalt  }
0x5d: {  	_ =	shalt  }
0x5e: {  	_ =	shalt  }
0x5f: {  	_ =	shalt  }
0x60: {  	_ =	shalt  }
0x61: {  	_ =	shalt  }
0x62: {  	_ =	shalt  }
0x63: {  	_ =	shalt  }
0x64: {  	_ =	shalt  }
0x65: {  	_ =	shalt  }
0x66: {  	_ =	shalt  }
0x67: {  	_ =	shalt  }
0x68: {  	_ =	shalt  }
0x69: {  	_ =	shalt  }
0x6a: {  	_ =	shalt  }
0x6b: {  	_ =	shalt  }
0x6c: {  	_ =	shalt  }
0x6d: {  	_ =	shalt  }
0x6e: {  	_ =	shalt  }
0x6f: {  	_ =	shalt  }
0x70: {  	_ =	shalt  }
0x71: {  	_ =	shalt  }
0x72: {  	_ =	shalt  }
0x73: {  	_ =	shalt  }
0x74: {  	_ =	shalt  }
0x75: {  	_ =	shalt  }
0x76: {  	_ =	shalt  }
0x77: {  	_ =	shalt  }
0x78: {  	_ =	shalt  }
0x79: {  	_ =	shalt  }
0x7a: {  	_ =	shalt  }
0x7b: {  	_ =	shalt  }
0x7c: {  	_ =	shalt  }
0x7d: {  	_ =	shalt  }
0x7e: {  	_ =	shalt  }
0x7f: {  	_ =	shalt  }
0x80: {  	_ =	shalt  }
0x81: {  	_ =	shalt  }
0x82: {  	_ =	shalt  }
0x83: {  	_ =	shalt  }
0x84: {  	_ =	shalt  }
0x85: {  	_ =	shalt  }
0x86: {  	_ =	shalt  }
0x87: {  	_ =	shalt  }
.Lfunc_end0:
.L_simem_size_0:
called_computation_lowered:
.L_overlay_start_0:
0x88: {  	s2 =	sld [smem:$0x3FD9]  }
0x89: {  	s3 =	sld [smem:$0x3FFE];
	_ =	sdelay $0x1  }
0x8a: {  	s1 =	srdreg.scid  }
0x8b: {  	s0 =	sand.u32 $0x1, s1  }
0x8c: {  	s17 =	sshll.u32 s0, $0xA;
	s2 =	sadd.s32 s3, s2  }
0x8d: {  	s2 =	sadd.s32 s2, s17  }
0x8e: {  	[smem:$0x3FC5] =	sst s2  }
0x8f: {  	_ = 	snop  }
0x90: {  	s2 =	sld [smem:$0x3FC9]  }
0x91: {  	s18 =	sld [smem:$0x3FC8]  }
0x92: {  	s4 =	sld [smem:$0x3FC7]  }
0x93: {  	s5 =	sld [smem:$0x3FD0];
	(tm) =	ssettm $0x1  }
0x94: {  	s6 =	sld [smem:$0x3FFB];
	_ =	sdelay $0x3  }
0x95: {  	_ =	strace s6  }
0x96: {  	s6 =	sld [smem:$0x3FFC];
	_ =	sdelay $0x3  }
0x97: {  	_ =	strace s6  }
0x98: {  	s6 =	sld [smem:$0x3FFD];
	_ =	sdelay $0x3  }
0x99: {  	_ =	strace s6  }
0x9a: {  	_ =	strace $0x8FFFFFFF  }
0x9b: {  	s19 =	sld [smem:$0x3FDB];
	_ =	sdelay $0x1  }
0x9c: {  	s7 =	simm.s32 $_scs_section_size  }
0x9d: {  	s8 =	simm.s32 $_size__tile_overlayer_lowered;
	s9 =	simm.s32 $_tile_overlayer_lowered  }
0x9e: {  	s22 =	simm.s32 $0x1BFF;
	s21 =	sshll.u32 s9, $0x1;
	s6 =	sadd.s32 s7, s19  }
0x9f: {  	s10 =	simm.s32 $0x0;
	s20 =	sshll.u32 s8, $0x1;
	s8 =	sadd.s32 s21, s6  }
0xa0: {  	[timem:s10], [sflag:s22] =	dma.local [hbm:s8], s20  }
0xa1: {  	_ =	swait.ge [sflag:s22], s20  }
0xa2: {  	s7 =	ssub.s32 $0x0, s20;
	[sflag:s22] =	ssyncset.done $0x0  }
0xa3: {  	[sflag:s22] =	ssyncadd.s32 s7;
	_ =	sdelay $0x1  }
0xa4: {  	s23 =	simm.s32 $0x1B8B  }
0xa5: {  	_ =	swait.ge [sflag:s23], $0x1  }
0xa6: {  	[sflag:s23] =	ssyncset.done $0x0  }
0xa7: {  	s25 =	simm.s32 $0x1B8E;
	s24 =	sld [smem:$0x3FFE];
	[sflag:s23] =	ssyncadd.s32 $0xFFFFFFFF  }
0xa8: {  	s26 =	simm.s32 $execute0_lowered;
	[smem:$0x3FD2] =	sst s25  }
0xa9: {  	s8 =	sshll.u32 s26, $0x1;
	_ =	strace $0x80000046;
	[dreg:$0x1] =	wrdreg $0xFFFFFFFF  }
0xaa: {  	s28 =	simm.s32 $_size_execute0_lowered;
	s6 =	sadd.s32 s6, s8;
	[dreg:$0x0] =	wrdreg $0x0  }
0xab: {  	s8 =	sshll.u32 s28, $0x1;
	[dreg:$0x2] =	wrdreg s6  }
0xac: {  	[dreg:$0x3] =	wrdreg s8  }
0xad: {  	[dreg:$0x4] =	wrdreg $0xC0  }
0xae: {  	_ =	task [dreg:s10], $0x5FFFF  }
0xaf: {  	[dreg:$0x1] =	wrdreg $0xFFFFFFFF  }
0xb0: {  	[dreg:$0x0] =	wrdreg $0x60  }
0xb1: {  	[dreg:$0x2] =	wrdreg s2  }
0xb2: {  	[dreg:$0x3] =	wrdreg s18  }
0xb3: {  	[dreg:$0x4] =	wrdreg s24  }
0xb4: {  	[dreg:$0x5] =	wrdreg s4  }
0xb5: {  	[dreg:$0x6] =	wrdreg s5  }
0xb6: {  	[dreg:$0x7] =	wrdreg $0xC4800  }
0xb7: {  	[dreg:$0x8] =	wrdreg $0x9  }
0xb8: {  	_ =	task.clear_ibuf [dreg:s10], $0x9FFFF;
	_ =	strace $0x90000046  }
0xb9: {  	s29 =	simm.s32 $0x9;
	_ =	strace $0x80000048  }
0xba: {  	_ =	swait.ge [sflag:s29], $0x1  }
0xbb: {  	[sflag:s29] =	ssyncadd.s32 $0xFFFFFFFF  }
0xbc: {  	_ =	strace $0x90000048  }
0xbd: {  	_ =	sfence  }
0xbe: {  	s30 =	sld [smem:$0x0];
	_ =	sdelay $0x2  }
0xbf: {  	s31 =	sshll.u32 s1, $0xD;
	s1 =	sshrl.u32 s1, $0x2  }
0xc0: {  	s3 =	sand.u32 $0x4000, s31;
	s1 =	sadd.s32 s1, s30  }
0xc1: {  	s0 =	sor.u32 s3, s0;
	s1 =	sshll.u32 s1, $0x11  }
0xc2: {  	s0 =	sor.u32 s1, s0  }
0xc3: {  	s0 =	sadd.s32 $0x8F2B, s0  }
0xc4: {  	[sflag:s0] =	ssyncadd.remote.s32 $0x1  }
0xc5: {  	_ =	sfence.sel $0xFFFF  }
0xc6: {  	[dreg:$0x0] =	wrdreg $0xFFFFFFFF;
	(pc) =	sbr.abs _section_cstart, $3  }
0xc7: {  	[dreg:$0x1] =	wrdreg $0xFFFFFFFF  }
0xc8: {  	_ =	task.clear_ibuf [dreg:s10], $0x2FFFF;
	_ =	strace $0x9FFFFFFF  }
0xc9: {  	(tm) =	ssettm $0x7FFFFFFF  }
tec
execute0_lowered:
.L_overlay_start_1:
0x0: {  	(tag) =	ssettag $0x1  }
0x1: {  	s0 =	rddreg [dreg:$0x0]  }
0x2: {  	s1 =	rddreg [dreg:$0x1]  }
0x3: {  	s2 =	rddreg [dreg:$0x3]  }
0x4: {  	s3 =	rddreg [dreg:$0x4]  }
0x5: {  	s4 =	srdreg.scid;
	s5 =	rddreg [dreg:$0x5]  }
0x6: {  	s6 =	stileid.u32;
	s10 =	simm.s32 $0x0;
	s14 =	simm.s32 $0x0  }
0x7: {  	s15 =	simm.s32 $0x11;
	s16 =	simm.s32 $0x1;
	s19 =	simm.s32 $0x9  }
0x8: {  	s28 =	simm.s32 $0xB;
	s31 =	simm.s32 $0x4;
	s13 =	simm.s32 $0x7  }
0x9: {  	s29 =	simm.s32 $0x10;
	s4 =	sand.u32 $0x1, s4;
	s7 =	smul.u32 $0x138, s6  }
0xa: {  	s9 =	smul.u32 $0x27000, s6;
	[smem:$0x7FF] =	sst s10;
	s24 =	sadd.s32 $0x92400, s5  }
0xb: {  	p1 =	seq.s32 s6, $0xF;
	s10 =	simm.s32 $0xE;
	s11 =	smul.u32 $0x1388, s4  }
0xc: {  	s6 =	simm.s32 $0x0;
	s8 =	ssub.s32 $0x2, s4;
	s12 =	smul.u32 $0x9C400, s4  }
0xd: {  	_ =	strace $0x80000047;
	[dreg:$0x9] =	wrdreg s24;
	p5 =	seq.s32 s4, $0x0  }
0xe: {  	s4 =	simm.s32 $0xF;
	s20 =	sshrl.u32 s8, $0x1;
	s9 =	sshrl.u32 s9, $0x2  }
0xf: {  	s8 =	ssub.s32 s8, s20;
	s7 =	sadd.s32 s7, s11;
	s21 =	sshrl.u32 s12, $0x3  }
0x10: {  	s9 =	sadd.s32 s9, s5;
	s20 =	simm.s32 $0x30;
	s7 =	sshll.u32 s7, $0x4  }
0x11: {  	[dreg:$0x7] =	wrdreg s9;
	s23 =	sadd.s32 $0x12480, s21;
	s30 =	smax.u32 s8, $0x1  }
0x12: {  	s8 =	simm.s32 $0xD;
	s9 =	simm.s32 $0x6;
	s22 =	sadd.s32 s2, s7  }
0x13: {  	s2 =	sadd.s32 s2, s23;
	s25 =	sadd.s32 s3, s7;
	[dreg:$0xd] =	wrdreg s30  }
.Ltmp0:
0x14: {  	s26 =	sadd.s32 s3, s23;
	[dreg:$0x8] =	wrdreg s22;
	(pc) =	sbr.rel .LBB2_1-.Ltmp0, $4  }
0x15: {  	s23 =	simm.s32 $0xA;
	s3 =	simm.s32 $0xC;
	[dreg:$0xa] =	wrdreg s2  }
0x16: {  	s7 =	simm.s32 $0x5;
	[dreg:$0xb] =	wrdreg s25;
	s2 =	simm.s32 @!p5 $0x0  }
0x17: {  	[dreg:$0xc] =	wrdreg s26;
	s22 =	simm.s32 $0x2;
	s2 =	simm.s32 @p5 $0x1  }
0x18: {  	v1 =	vlaneseq.u32;
	v0 =	vmov s11;
	s26 =	simm.s32 $0x3;
	s25 =	simm.s32 $0x8;
	[smem:$0x7FD] =	sst s2  }
.LBB2_22:
0x19: {  	[bflag:$0x0] =	sbarrier.arrive $0xFFFF  }
0x1a: {  	s2 =	rddreg [dreg:$0xc]  }
0x1b: {  	s11 =	simm.s32 @p1 $0x1FD1;
	s6 =	rddreg [dreg:$0xf]  }
0x1c: {  	[hbm:s2], [sflag:s11] =	dma.local @p1 [spmem:s6], $0x1400  }
0x1d: {  	s2 =	simm.s32 @p1 $0x11  }
0x1e: {  	_ =	swait.ge @p1 [sflag:s2], $0x1400  }
0x1f: {  	s6 =	rddreg [dreg:$0x10]  }
0x20: {  	[sflag:s2] =	ssyncset.done @p1 $0x0;
	s11 =	rddreg [dreg:$0x11]  }
0x21: {  	[sflag:s2] =	ssyncadd.s32 @p1 $0xFFFFEC00;
	s2 =	rddreg [dreg:$0xb]  }
0x22: {  	[hbm:s2], [sflag:s6] =	dma.local @!p1 [spmem:s11], $0x1380  }
0x23: {  	s11 =	simm.s32 @!p1 $0x11  }
0x24: {  	_ =	swait.ge @!p1 [sflag:s11], $0x1380  }
0x25: {  	s24 =	rddreg [dreg:$0xe]  }
0x26: {  	s30 =	rddreg [dreg:$0xd];
	s6 =	sadd.s32 $0x1, s24  }
0x27: {  	p0 =	sne.s32 s6, s30  }
.Ltmp1:
0x28: {  	_ = 	snop;
	(pc) =	sbr.rel @!p0 .LBB2_23-.Ltmp1, $3  }
0x29: {  	_ =	sdelay $0x1  }
0x2a: {  	[sflag:s11] =	ssyncset.done @!p1 $0x0  }
0x2b: {  	[sflag:s11] =	ssyncadd.s32 @!p1 $0xFFFFEC80  }
.LBB2_1:
0x2c: {  	[dreg:$0xe] =	wrdreg s6  }
0x2d: {  	s2 =	rddreg [dreg:$0x2];
	s30 =	simm.s32 $0xC400  }
0x2e: {  	[tilespmem:s30], [sflag:$0x11] =	stream.linear.gather [hbm4b:s2+s14], $0x80, $0x38;
	[tilespmem:$0x16100] =	vst v63  }
0x2f: {  	_ =	swait.ge [sflag:s15], $0x80  }
0x30: {  	[sflag:s15] =	ssyncset.done $0x0  }
0x31: {  	[sflag:s15] =	ssyncadd.s32 $0xFFFFFF80  }
0x32: {  	v2 =	vld [tilespmem:$0xC400];
	_ =	sdelay $0x4  }
0x33: {  	(v2sf) =	vpush v2, $0x0;
	_ =	sdelay $0xe  }
0x34: {  	s11 =	spop (v2sf)  }
0x35: {  	s12 =	sand.u32 $0x7, s11  }
0x36: {  	p2 =	slt.s32 s11, $0x1;
	s6 =	sadd.s32 $0x7, s11;
	s21 =	sshra.s32 s11, $0x1F  }
0x37: {  	p3 =	sne.s32 s12, $0x0;
	s24 =	sand.u32 $0x7, s6;
	s30 =	sshra.s32 s6, $0x1F  }
0x38: {  	p0 =	slt.s32 s6, $0x1;
	s21 =	sshrl.u32 s21, $0x1D;
	p4 =	sne.s32 s24, $0x0  }
0x39: {  	p2 =	por !p2, !p3;
	s17 =	sshrl.u32 s30, $0x1D;
	p3 =	por !p0, !p4  }
0x3a: {  	s24 =	simm.s32 $0x1;
	s12 =	sadd.s32 s17, s6;
	p3 =	por !p3, !p3  }
0x3b: {  	s11 =	sadd.s32 s21, s11;
	s12 =	sshrl.u32 s12, $0x3;
	s24 =	simm.s32 @!p3 $0x0  }
0x3c: {  	s21 =	simm.s32 $0x1;
	p2 =	por !p2, !p2;
	s12 =	ssub.s32 s12, s24  }
0x3d: {  	s18 =	sshrl.u32 s11, $0x3;
	s21 =	simm.s32 @!p2 $0x0;
	s6 =	sshll.u32 s12, $0x3  }
0x3e: {  	s24 =	ssub.s32 s18, s21;
	p2 =	slt.s32 s6, $0x4E200  }
0x3f: {  	s12 =	sshll.u32 s24, $0x3;
	s6 =	simm.s32 @!p2 $0x4E200  }
0x40: {  	s12 =	simm.s32 @p5 $0x0;
	s6 =	simm.s32 @!p5 $0x4E200  }
0x41: {  	s30 =	ssub.s32 s6, s12  }
0x42: {  	s21 =	sadd.s32 $0xF, s30  }
0x43: {  	s2 =	sshra.s32 s21, $0x1F  }
0x44: {  	s11 =	sshrl.u32 s2, $0x1C  }
0x45: {  	s21 =	sadd.s32 s11, s21  }
0x46: {  	s21 =	sshra.s32 s21, $0x4  }
0x47: {  	s21 =	sadd.s32 s2, s21  }
0x48: {  	s24 =	sadd.s32 $0x7, s21  }
0x49: {  	s17 =	sand.u32 $0x7, s24  }
0x4a: {  	p6 =	slt.s32 s21, $0xFFFFFFFA;
	p0 =	sne.s32 s17, $0x0  }
0x4b: {  	s18 =	sshrl.u32 s24, $0x1D;
	p2 =	por !p6, !p0  }
0x4c: {  	s21 =	sadd.s32 s18, s24;
	s24 =	simm.s32 $0x1;
	p2 =	por !p2, !p2  }
0x4d: {  	s21 =	sshrl.u32 s21, $0x3;
	s24 =	simm.s32 @!p2 $0x0  }
0x4e: {  	s21 =	ssub.s32 s21, s24  }
0x4f: {  	s30 =	stileid.u32;
	s21 =	sshll.u32 s21, $0x3  }
0x50: {  	s2 =	smul.u32 s30, s21;
	_ =	sdelay $0x1  }
0x51: {  	s12 =	sadd.s32 s12, s2  }
0x52: {  	s21 =	sadd.s32 s21, s12  }
0x53: {  	p2 =	slt.s32 s21, s6  }
0x54: {  	s6 =	smov.u32 @p2 s21  }
0x55: {  	s21 =	ssub.s32 s6, s12  }
0x56: {  	s11 =	sadd.s32 $0x2F, s21  }
0x57: {  	s17 =	smulhi.u32 $0x2AAAAAAB, s11;
	s18 =	sshra.s32 s11, $0x1F  }
0x58: {  	s2 =	smul.u32 $0x2AAAAAAB, s18;
	_ =	sdelay $0x1  }
0x59: {  	s2 =	sadd.s32 s2, s17  }
0x5a: {  	s30 =	sshrl.u32 s2, $0x1F;
	s2 =	sshra.s32 s2, $0x3  }
0x5b: {  	s2 =	sadd.s32 s30, s2  }
0x5c: {  	s30 =	smul.u32 $0xFFFFFFD0, s2  }
0x5d: {  	s21 =	ssub.s32 $0xFFFFFFD1, s21  }
0x5e: {  	p4 =	slt.s32 s11, $0x1;
	p6 =	sne.s32 s30, s21  }
0x5f: {  	p2 =	por !p4, !p6  }
0x60: {  	s21 =	simm.s32 $0x1;
	p2 =	por !p2, !p2  }
0x61: {  	s21 =	simm.s32 @!p2 $0x0  }
0x62: {  	s21 =	ssub.s32 s2, s21  }
0x63: {  	p2 =	slt.s32 s21, $0x1  }
0x64: {  	p3 =	slt.s32 @!p2 s12, $0x4E1D0  }
0x65: {  	s2 =	smov.u32 s12;
	p3 =	por !p3, p2  }
0x66: {  	s2 =	simm.s32 @p3 $0x4E1D0  }
0x67: {  	s24 =	sshrl.u32 @!p2 s2, $0x3  }
0x68: {  	s30 =	simm.s32 @!p2 $0x0;
	s2 =	sshll.u32 @!p2 s2, $0x4;
	s24 =	sadd.s32 @!p2 s1, s24  }
0x69: {  	[tilespmem:s30], [sflag:$0x1] =	stream.linear.gather @!p2 [hbm4b:s24+s30], $0x30, $0x38;
	[tilespmem:$0x16100] =	vst v63  }
0x6a: {  	p3 =	seq.s32 @!p2 s21, $0x1;
	s2 =	sadd.s32 @!p2 s0, s2;
	s24 =	simm.s32 @!p2 $0x400  }
0x6b: {  	[tilespmem:s24], [sflag:$0x9] =	stream.linear.gather @!p2 [hbm4b:s2+s30], $0x1800, $0x38;
	[tilespmem:$0x16100] =	vst v63  }
0x6c: {  	p2 =	por p2, p3  }
0x6d: {  	s2 =	sadd.s32 @!p2 $0x30, s12  }
0x6e: {  	p3 =	slt.s32 @!p2 s2, $0x4E1D0  }
0x6f: {  	p3 =	por !p3, p2  }
0x70: {  	s2 =	simm.s32 @p3 $0x4E1D0  }
0x71: {  	s30 =	simm.s32 @!p2 $0x0;
	s24 =	sshrl.u32 @!p2 s2, $0x3  }
0x72: {  	s17 =	simm.s32 @!p2 $0x80;
	s2 =	sshll.u32 @!p2 s2, $0x4;
	s24 =	sadd.s32 @!p2 s1, s24  }
0x73: {  	[tilespmem:s17], [sflag:$0x2] =	stream.linear.gather @!p2 [hbm4b:s24+s30], $0x30, $0x38;
	[tilespmem:$0x16100] =	vst v63  }
0x74: {  	p3 =	slt.u32 @!p2 s21, $0x3;
	s2 =	sadd.s32 @!p2 s0, s2;
	s17 =	simm.s32 @!p2 $0x1C00  }
0x75: {  	[tilespmem:s17], [sflag:$0xA] =	stream.linear.gather @!p2 [hbm4b:s2+s30], $0x1800, $0x38;
	[tilespmem:$0x16100] =	vst v63  }
0x76: {  	p2 =	por p2, p3  }
0x77: {  	s2 =	sadd.s32 @!p2 $0x60, s12  }
0x78: {  	p3 =	slt.s32 @!p2 s2, $0x4E1D0  }
0x79: {  	p3 =	por !p3, p2  }
0x7a: {  	s2 =	simm.s32 @p3 $0x4E1D0  }
0x7b: {  	s24 =	simm.s32 @!p2 $0x0;
	s17 =	sshrl.u32 @!p2 s2, $0x3  }
0x7c: {  	s30 =	simm.s32 @!p2 $0x100;
	s2 =	sshll.u32 @!p2 s2, $0x4;
	s17 =	sadd.s32 @!p2 s1, s17  }
0x7d: {  	[tilespmem:s30], [sflag:$0x3] =	stream.linear.gather @!p2 [hbm4b:s17+s24], $0x30, $0x38;
	[tilespmem:$0x16100] =	vst v63  }
0x7e: {  	p3 =	seq.s32 @!p2 s21, $0x3;
	s2 =	sadd.s32 @!p2 s0, s2;
	s17 =	simm.s32 @!p2 $0x3400  }
0x7f: {  	[tilespmem:s17], [sflag:$0xB] =	stream.linear.gather @!p2 [hbm4b:s2+s24], $0x1800, $0x38;
	[tilespmem:$0x16100] =	vst v63  }
0x80: {  	p2 =	por p2, p3  }
0x81: {  	s2 =	sadd.s32 @!p2 $0x90, s12  }
0x82: {  	p3 =	slt.s32 @!p2 s2, $0x4E1D0  }
0x83: {  	p3 =	por !p3, p2  }
0x84: {  	s2 =	simm.s32 @p3 $0x4E1D0  }
0x85: {  	s24 =	simm.s32 @!p2 $0x0;
	s17 =	sshrl.u32 @!p2 s2, $0x3  }
0x86: {  	s30 =	simm.s32 @!p2 $0x180;
	s2 =	sshll.u32 @!p2 s2, $0x4;
	s17 =	sadd.s32 @!p2 s1, s17  }
0x87: {  	[tilespmem:s30], [sflag:$0x4] =	stream.linear.gather @!p2 [hbm4b:s17+s24], $0x30, $0x38;
	[tilespmem:$0x16100] =	vst v63  }
0x88: {  	p3 =	slt.u32 @!p2 s21, $0x5;
	s2 =	sadd.s32 @!p2 s0, s2;
	s17 =	simm.s32 @!p2 $0x4C00  }
0x89: {  	[tilespmem:s17], [sflag:$0xC] =	stream.linear.gather @!p2 [hbm4b:s2+s24], $0x1800, $0x38;
	[tilespmem:$0x16100] =	vst v63  }
0x8a: {  	p2 =	por p2, p3  }
.Ltmp2:
0x8b: {  	_ = 	snop;
	(pc) =	sbr.rel @p2 .LBB2_3-.Ltmp2, $1  }
0x8c: {  	_ =	sdelay $0x3  }
0x8d: {  	s2 =	sadd.s32 $0xC0, s12  }
0x8e: {  	p2 =	slt.s32 s2, $0x4E1D0  }
0x8f: {  	s2 =	simm.s32 @!p2 $0x4E1D0  }
0x90: {  	s11 =	simm.s32 $0x0;
	s17 =	sshrl.u32 s2, $0x3  }
0x91: {  	s14 =	simm.s32 $0x200;
	s2 =	sshll.u32 s2, $0x4;
	s17 =	sadd.s32 s1, s17  }
0x92: {  	[tilespmem:s14], [sflag:$0x5] =	stream.linear.gather [hbm4b:s17+s11], $0x30, $0x38;
	[tilespmem:$0x16100] =	vst v63  }
0x93: {  	s24 =	simm.s32 $0x6400;
	p2 =	seq.s32 s21, $0x5;
	s2 =	sadd.s32 s0, s2  }
0x94: {  	[tilespmem:s24], [sflag:$0xD] =	stream.linear.gather [hbm4b:s2+s11], $0x1800, $0x38;
	[tilespmem:$0x16100] =	vst v63  }
0x95: {  	s2 =	sadd.s32 @!p2 $0xF0, s12  }
0x96: {  	p3 =	slt.s32 @!p2 s2, $0x4E1D0  }
0x97: {  	p3 =	por !p3, p2  }
0x98: {  	s2 =	simm.s32 @p3 $0x4E1D0  }
0x99: {  	s30 =	simm.s32 @!p2 $0x280;
	s24 =	simm.s32 @!p2 $0x0;
	s17 =	sshrl.u32 @!p2 s2, $0x3  }
0x9a: {  	p3 =	slt.u32 @!p2 s21, $0x7;
	s2 =	sshll.u32 @!p2 s2, $0x4;
	s17 =	sadd.s32 @!p2 s1, s17  }
0x9b: {  	[tilespmem:s30], [sflag:$0x6] =	stream.linear.gather @!p2 [hbm4b:s17+s24], $0x30, $0x38;
	[tilespmem:$0x16100] =	vst v63  }
0x9c: {  	p4 =	por p3, p2;
	s2 =	sadd.s32 @!p2 s0, s2;
	s17 =	simm.s32 @!p2 $0x7C00  }
0x9d: {  	[tilespmem:s17], [sflag:$0xE] =	stream.linear.gather @!p2 [hbm4b:s2+s24], $0x1800, $0x38;
	[tilespmem:$0x16100] =	vst v63  }
0x9e: {  	s2 =	sadd.s32 @!p4 $0x120, s12  }
0x9f: {  	p5 =	slt.s32 @!p4 s2, $0x4E1D0  }
0xa0: {  	p5 =	por @!p2 !p5, p3  }
0xa1: {  	p5 =	por !p5, p2  }
0xa2: {  	p6 =	seq.s32 @!p4 s21, $0x7;
	s2 =	simm.s32 @!p5 $0x4E1D0  }
0xa3: {  	s30 =	simm.s32 @!p4 $0x300;
	s24 =	simm.s32 @!p4 $0x0;
	s17 =	sshrl.u32 @!p4 s2, $0x3  }
0xa4: {  	p5 =	por @!p2 p6, p3;
	s2 =	sshll.u32 @!p4 s2, $0x4;
	s17 =	sadd.s32 @!p4 s1, s17  }
0xa5: {  	[tilespmem:s30], [sflag:$0x7] =	stream.linear.gather @!p4 [hbm4b:s17+s24], $0x30, $0x38;
	[tilespmem:$0x16100] =	vst v63  }
0xa6: {  	p5 =	por p5, p2;
	s2 =	sadd.s32 @!p4 s0, s2;
	s17 =	simm.s32 @!p4 $0x9400  }
0xa7: {  	[tilespmem:s17], [sflag:$0xF] =	stream.linear.gather @!p4 [hbm4b:s2+s24], $0x1800, $0x38;
	[tilespmem:$0x16100] =	vst v63  }
0xa8: {  	s2 =	sadd.s32 @!p5 $0x150, s12  }
0xa9: {  	p0 =	slt.s32 @!p5 s2, $0x4E1D0  }
0xaa: {  	p0 =	por @!p4 !p0, p6  }
0xab: {  	p0 =	por @!p2 !p0, p3  }
0xac: {  	p0 =	por !p0, p2  }
0xad: {  	s2 =	simm.s32 @p0 $0x4E1D0  }
0xae: {  	s17 =	sshrl.u32 @!p5 s2, $0x3  }
0xaf: {  	s30 =	simm.s32 @!p5 $0x380;
	s24 =	simm.s32 @!p5 $0x0;
	s17 =	sadd.s32 @!p5 s1, s17  }
0xb0: {  	[tilespmem:s30], [sflag:$0x8] =	stream.linear.gather @!p5 [hbm4b:s17+s24], $0x30, $0x38;
	[tilespmem:$0x16100] =	vst v63  }
0xb1: {  	s2 =	sshll.u32 @!p5 s2, $0x4;
	s30 =	sld [smem:$0x7FD]  }
0xb2: {  	s2 =	sadd.s32 @!p5 s0, s2;
	s17 =	simm.s32 @!p5 $0xAC00  }
0xb3: {  	[tilespmem:s17], [sflag:$0x10] =	stream.linear.gather @!p5 [hbm4b:s2+s24], $0x1800, $0x38;
	[tilespmem:$0x16100] =	vst v63  }
0xb4: {  	s14 =	simm.s32 $0x0;
	p5 =	seq.s32 s30, $0x1  }
.LBB2_3:
0xb5: {  	s2 =	rddreg [dreg:$0x9]  }
0xb6: {  	s11 =	sshrl.u32 @p1 s2, $0x3;
	s2 =	rddreg [dreg:$0xa]  }
0xb7: {  	s17 =	simm.s32 @p1 $0x1FD1;
	[dreg:$0xf] =	wrdreg s11  }
0xb8: {  	[spmem:s11], [sflag:s17] =	dma.local @p1 [hbm:s2], $0x1400  }
0xb9: {  	s11 =	simm.s32 @p1 $0x11  }
0xba: {  	s2 =	stileid.u32;
	_ =	swait.ge @p1 [sflag:s11], $0x1400  }
0xbb: {  	p0 =	sgt.s32 s21, $0x0;
	s2 =	sshll.u32 @!p1 s2, $0x6;
	[sflag:s11] =	ssyncset.done @p1 $0x0  }
0xbc: {  	[sflag:s11] =	ssyncadd.s32 @p1 $0xFFFFEC00;
	s11 =	sor.u32 @!p1 $0x1C11, s2;
	s2 =	rddreg [dreg:$0x7]  }
0xbd: {  	s21 =	simm.s32 @!p0 $0x0;
	s17 =	sshrl.u32 @!p1 s2, $0x3;
	s2 =	rddreg [dreg:$0x8]  }
0xbe: {  	s30 =	sadd.s32 $0x7, s21;
	[dreg:$0x10] =	wrdreg s11  }
0xbf: {  	s24 =	sshrl.u32 s30, $0x3;
	[dreg:$0x11] =	wrdreg s17  }
0xc0: {  	[spmem:s17], [sflag:s11] =	dma.local @!p1 [hbm:s2], $0x1380  }
0xc1: {  	p0 =	seq.s32 s24, $0x0;
	s11 =	simm.s32 @!p1 $0x11  }
.Ltmp3:
0xc2: {  	_ =	swait.ge @!p1 [sflag:s11], $0x1380;
	(pc) =	sbr.rel @p0 .LBB2_22-.Ltmp3, $3  }
0xc3: {  	[sflag:s11] =	ssyncset.done @!p1 $0x0  }
0xc4: {  	[sflag:s11] =	ssyncadd.s32 @!p1 $0xFFFFEC80  }
0xc5: {  	[bflag:$0x0] =	sbarrier.arrive $0xFFFF;
	_ =	sdelay $0x1  }
.Ltmp4:
0xc6: {  	(pc) =	sbr.rel .LBB2_5-.Ltmp4, $2  }
0xc7: {  	_ =	sdelay $0x2  }
0xc8: {  	s24 =	sshll.u32 s24, $0x3;
	s30 =	simm.s32 $0x0  }
.LBB2_21:
0xc9: {  	s30 =	sadd.s32 $0x8, s30  }
0xca: {  	p0 =	sne.s32 s24, s30  }
.Ltmp5:
0xcb: {  	_ = 	snop;
	(pc) =	sbr.rel @!p0 .LBB2_22-.Ltmp5, $2  }
0xcc: {  	_ =	sdelay $0x2  }
0xcd: {  	s12 =	sadd.s32 $0x180, s12  }
.LBB2_5:
0xce: {  	p0 =	sge.u32 s30, s21  }
.Ltmp6:
0xcf: {  	_ = 	snop;
	(pc) =	sbr.rel @p0 .LBB2_7-.Ltmp6, $1  }
0xd0: {  	_ =	sdelay $0x3  }
0xd1: {  	_ =	swait.ge [sflag:s16], $0x30  }
0xd2: {  	[sflag:s16] =	ssyncset.done $0x0  }
0xd3: {  	[sflag:s16] =	ssyncadd.s32 $0xFFFFFFD0  }
0xd4: {  	_ =	swait.ge [sflag:s19], $0x1800  }
0xd5: {  	[sflag:s19] =	ssyncset.done $0x0  }
0xd6: {  	[sflag:s19] =	ssyncadd.s32 $0xFFFFE800  }
0xd7: {  	p0 =	slt.s32 s12, $0x4E1D0;
	s2 =	smov.u32 s12;
	v2 =	vld [tilespmem:$0x0]  }
0xd8: {  	s17 =	sadd.s32 $0x30, s12;
	s2 =	simm.s32 @!p0 $0x4E1D0;
	v5 =	vld [tilespmem:$0x20]  }
0xd9: {  	s11 =	smov.u32 s6;
	p0 =	slt.s32 s17, s6;
	v4 =	vadd.s32 s2, v1;
	s18 =	sadd.s32 $0x10, s2;
	v3 =	vld [tilespmem:$0x10]  }
0xda: {  	s11 =	smov.u32 @p0 s17;
	s2 =	sadd.s32 $0x20, s2;
	vm1 =	vge.s32 v4, s12;
	v62 =	vadd.s32 s18, v1  }
0xdb: {  	vm10 =	vlt.s32 v4, s11;
	v63 =	vadd.s32 s2, v1;
	vm12 =	vge.s32 v62, s12  }
0xdc: {  	vm2 =	vlt.s32 v62, s11;
	vm3 =	vge.s32 v63, s12;
	v2 =	vsub.s32 v2, v0  }
0xdd: {  	vm14 =	vlt.s32 v63, s11;
	v5 =	vsub.s32 v5, v0;
	vm0 =	vlt.u32 v2, $0x1388  }
0xde: {  	v3 =	vsub.s32 v3, v0;
	vm13 =	vlt.u32 v5, $0x1388;
	vm0 =	vmand vm1, vm0  }
0xdf: {  	s18 =	sadd.s32 $0x8, s30;
	vm11 =	vlt.u32 v3, $0x1388;
	vm1 =	vmand vm3, vm13;
	vm0 =	vmand vm10, vm0  }
0xe0: {  	p2 =	sge.u32 s18, s21;
	vm15 =	vmand vm14, vm1;
	v2 =	vnsel vm0, $0x1388, v2;
	vm0 =	vmand vm12, vm11  }
0xe1: {  	s2 =	sadd.s32 @!p2 $0x180, s12;
	vm0 =	vmand vm2, vm0;
	[tilespmem:$0x0] =	vst v2;
	v2 =	vnsel vm15, $0x1388, v5  }
0xe2: {  	p0 =	slt.s32 @!p2 s2, $0x4E1D0;
	v3 =	vnsel vm0, $0x1388, v3;
	[tilespmem:$0x20] =	vst v2  }
0xe3: {  	s17 =	simm.s32 $0x400;
	p0 =	por !p0, p2;
	[tilespmem:$0x10] =	vst v3  }
0xe4: {  	[spmem:s5] =	stream.indirect.scatter.add.f32 [tilespmem:s17], [sflag:$0x11], $0x80, s14, s20, $0xb8;
	[tilespmem:$0x16100] =	vst v63  }
0xe5: {  	s2 =	simm.s32 @p0 $0x4E1D0;
	_ =	swait.ge [sflag:s15], $0x1800  }
0xe6: {  	s11 =	sshrl.u32 @!p2 s2, $0x3;
	s2 =	sshll.u32 @!p2 s2, $0x4;
	[sflag:s15] =	ssyncset.done $0x0  }
0xe7: {  	s11 =	sadd.s32 @!p2 s1, s11;
	s17 =	simm.s32 @!p2 $0x0;
	[sflag:s15] =	ssyncadd.s32 $0xFFFFE800  }
0xe8: {  	[tilespmem:s17], [sflag:$0x1] =	stream.linear.gather @!p2 [hbm4b:s11+s17], $0x30, $0x38;
	[tilespmem:$0x16100] =	vst v63  }
0xe9: {  	s2 =	sadd.s32 @!p2 s0, s2;
	s11 =	simm.s32 @!p2 $0x400  }
0xea: {  	[tilespmem:s11], [sflag:$0x9] =	stream.linear.gather @!p2 [hbm4b:s2+s17], $0x1800, $0x38;
	[tilespmem:$0x16100] =	vst v63  }
.LBB2_7:
0xeb: {  	s2 =	sadd.s32 $0x1, s30  }
0xec: {  	p0 =	sge.u32 s2, s21  }
.Ltmp7:
0xed: {  	_ = 	snop;
	(pc) =	sbr.rel @p0 .LBB2_9-.Ltmp7, $1  }
0xee: {  	_ =	sdelay $0x3  }
0xef: {  	_ =	swait.ge [sflag:s22], $0x30  }
0xf0: {  	[sflag:s22] =	ssyncset.done $0x0  }
0xf1: {  	[sflag:s22] =	ssyncadd.s32 $0xFFFFFFD0  }
0xf2: {  	_ =	swait.ge [sflag:s23], $0x1800  }
0xf3: {  	[sflag:s23] =	ssyncset.done $0x0  }
0xf4: {  	s2 =	sadd.s32 $0x30, s12;
	[sflag:s23] =	ssyncadd.s32 $0xFFFFE800  }
0xf5: {  	s17 =	sadd.s32 $0x60, s12;
	p0 =	slt.s32 s2, $0x4E1D0;
	s11 =	smov.u32 s2;
	v2 =	vld [tilespmem:$0x80]  }
0xf6: {  	s18 =	smov.u32 s6;
	s11 =	simm.s32 @!p0 $0x4E1D0;
	p0 =	slt.s32 s17, s6;
	v5 =	vld [tilespmem:$0xA0]  }
0xf7: {  	v4 =	vadd.s32 s11, v1;
	s18 =	smov.u32 @p0 s17;
	s17 =	sadd.s32 $0x10, s11;
	v3 =	vld [tilespmem:$0x90]  }
0xf8: {  	s11 =	sadd.s32 $0x20, s11;
	vm1 =	vge.s32 v4, s2;
	v62 =	vadd.s32 s17, v1  }
0xf9: {  	vm10 =	vlt.s32 v4, s18;
	v63 =	vadd.s32 s11, v1;
	vm12 =	vge.s32 v62, s2  }
0xfa: {  	vm2 =	vlt.s32 v62, s18;
	vm3 =	vge.s32 v63, s2;
	v2 =	vsub.s32 v2, v0  }
0xfb: {  	vm14 =	vlt.s32 v63, s18;
	v5 =	vsub.s32 v5, v0;
	vm0 =	vlt.u32 v2, $0x1388  }
0xfc: {  	v3 =	vsub.s32 v3, v0;
	vm13 =	vlt.u32 v5, $0x1388;
	vm0 =	vmand vm1, vm0  }
0xfd: {  	s18 =	sadd.s32 $0x9, s30;
	vm11 =	vlt.u32 v3, $0x1388;
	vm1 =	vmand vm3, vm13;
	vm0 =	vmand vm10, vm0  }
0xfe: {  	p2 =	sge.u32 s18, s21;
	vm15 =	vmand vm14, vm1;
	v2 =	vnsel vm0, $0x1388, v2;
	vm0 =	vmand vm12, vm11  }
0xff: {  	s2 =	sadd.s32 @!p2 $0x1B0, s12;
	vm0 =	vmand vm2, vm0;
	[tilespmem:$0x80] =	vst v2;
	v2 =	vnsel vm15, $0x1388, v5  }
0x100: {  	p0 =	slt.s32 @!p2 s2, $0x4E1D0;
	v3 =	vnsel vm0, $0x1388, v3;
	[tilespmem:$0xA0] =	vst v2  }
0x101: {  	s11 =	simm.s32 $0x80;
	s17 =	simm.s32 $0x1C00;
	p0 =	por !p0, p2;
	[tilespmem:$0x90] =	vst v3  }
0x102: {  	[spmem:s5] =	stream.indirect.scatter.add.f32 [tilespmem:s17], [sflag:$0x11], $0x80, s11, s20, $0xb8;
	[tilespmem:$0x16100] =	vst v63  }
0x103: {  	s18 =	simm.s32 @!p2 $0x80;
	s2 =	simm.s32 @p0 $0x4E1D0;
	_ =	swait.ge [sflag:s15], $0x1800  }
0x104: {  	s11 =	sshrl.u32 @!p2 s2, $0x3;
	s17 =	simm.s32 @!p2 $0x0;
	[sflag:s15] =	ssyncset.done $0x0  }
0x105: {  	s2 =	sshll.u32 @!p2 s2, $0x4;
	s11 =	sadd.s32 @!p2 s1, s11;
	[sflag:s15] =	ssyncadd.s32 $0xFFFFE800  }
0x106: {  	[tilespmem:s18], [sflag:$0x2] =	stream.linear.gather @!p2 [hbm4b:s11+s17], $0x30, $0x38;
	[tilespmem:$0x16100] =	vst v63  }
0x107: {  	s2 =	sadd.s32 @!p2 s0, s2;
	s11 =	simm.s32 @!p2 $0x1C00  }
0x108: {  	[tilespmem:s11], [sflag:$0xA] =	stream.linear.gather @!p2 [hbm4b:s2+s17], $0x1800, $0x38;
	[tilespmem:$0x16100] =	vst v63  }
.LBB2_9:
0x109: {  	s2 =	sadd.s32 $0x2, s30  }
0x10a: {  	p0 =	sge.u32 s2, s21  }
.Ltmp8:
0x10b: {  	_ = 	snop;
	(pc) =	sbr.rel @p0 .LBB2_11-.Ltmp8, $1  }
0x10c: {  	_ =	sdelay $0x3  }
0x10d: {  	_ =	swait.ge [sflag:s26], $0x30  }
0x10e: {  	[sflag:s26] =	ssyncset.done $0x0  }
0x10f: {  	[sflag:s26] =	ssyncadd.s32 $0xFFFFFFD0  }
0x110: {  	_ =	swait.ge [sflag:s28], $0x1800  }
0x111: {  	[sflag:s28] =	ssyncset.done $0x0  }
0x112: {  	s2 =	sadd.s32 $0x60, s12;
	[sflag:s28] =	ssyncadd.s32 $0xFFFFE800  }
0x113: {  	s17 =	sadd.s32 $0x90, s12;
	p0 =	slt.s32 s2, $0x4E1D0;
	s11 =	smov.u32 s2;
	v2 =	vld [tilespmem:$0x100]  }
0x114: {  	s18 =	smov.u32 s6;
	s11 =	simm.s32 @!p0 $0x4E1D0;
	p0 =	slt.s32 s17, s6;
	v5 =	vld [tilespmem:$0x120]  }
0x115: {  	v4 =	vadd.s32 s11, v1;
	s18 =	smov.u32 @p0 s17;
	s17 =	sadd.s32 $0x10, s11;
	v3 =	vld [tilespmem:$0x110]  }
0x116: {  	s11 =	sadd.s32 $0x20, s11;
	vm1 =	vge.s32 v4, s2;
	v62 =	vadd.s32 s17, v1  }
0x117: {  	vm10 =	vlt.s32 v4, s18;
	v63 =	vadd.s32 s11, v1;
	vm12 =	vge.s32 v62, s2  }
0x118: {  	vm2 =	vlt.s32 v62, s18;
	vm3 =	vge.s32 v63, s2;
	v2 =	vsub.s32 v2, v0  }
0x119: {  	vm14 =	vlt.s32 v63, s18;
	v5 =	vsub.s32 v5, v0;
	vm0 =	vlt.u32 v2, $0x1388  }
0x11a: {  	v3 =	vsub.s32 v3, v0;
	vm13 =	vlt.u32 v5, $0x1388;
	vm0 =	vmand vm1, vm0  }
0x11b: {  	s18 =	sadd.s32 $0xA, s30;
	vm11 =	vlt.u32 v3, $0x1388;
	vm1 =	vmand vm3, vm13;
	vm0 =	vmand vm10, vm0  }
0x11c: {  	p2 =	sge.u32 s18, s21;
	vm15 =	vmand vm14, vm1;
	v2 =	vnsel vm0, $0x1388, v2;
	vm0 =	vmand vm12, vm11  }
0x11d: {  	s2 =	sadd.s32 @!p2 $0x1E0, s12;
	vm0 =	vmand vm2, vm0;
	[tilespmem:$0x100] =	vst v2;
	v2 =	vnsel vm15, $0x1388, v5  }
0x11e: {  	p0 =	slt.s32 @!p2 s2, $0x4E1D0;
	v3 =	vnsel vm0, $0x1388, v3;
	[tilespmem:$0x120] =	vst v2  }
0x11f: {  	s11 =	simm.s32 $0x100;
	s17 =	simm.s32 $0x3400;
	p0 =	por !p0, p2;
	[tilespmem:$0x110] =	vst v3  }
0x120: {  	[spmem:s5] =	stream.indirect.scatter.add.f32 [tilespmem:s17], [sflag:$0x11], $0x80, s11, s20, $0xb8;
	[tilespmem:$0x16100] =	vst v63  }
0x121: {  	s18 =	simm.s32 @!p2 $0x100;
	s2 =	simm.s32 @p0 $0x4E1D0;
	_ =	swait.ge [sflag:s15], $0x1800  }
0x122: {  	s11 =	sshrl.u32 @!p2 s2, $0x3;
	s17 =	simm.s32 @!p2 $0x0;
	[sflag:s15] =	ssyncset.done $0x0  }
0x123: {  	s2 =	sshll.u32 @!p2 s2, $0x4;
	s11 =	sadd.s32 @!p2 s1, s11;
	[sflag:s15] =	ssyncadd.s32 $0xFFFFE800  }
0x124: {  	[tilespmem:s18], [sflag:$0x3] =	stream.linear.gather @!p2 [hbm4b:s11+s17], $0x30, $0x38;
	[tilespmem:$0x16100] =	vst v63  }
0x125: {  	s2 =	sadd.s32 @!p2 s0, s2;
	s11 =	simm.s32 @!p2 $0x3400  }
0x126: {  	[tilespmem:s11], [sflag:$0xB] =	stream.linear.gather @!p2 [hbm4b:s2+s17], $0x1800, $0x38;
	[tilespmem:$0x16100] =	vst v63  }
.LBB2_11:
0x127: {  	s2 =	sadd.s32 $0x3, s30  }
0x128: {  	p0 =	sge.u32 s2, s21  }
.Ltmp9:
0x129: {  	_ = 	snop;
	(pc) =	sbr.rel @p0 .LBB2_13-.Ltmp9, $1  }
0x12a: {  	_ =	sdelay $0x3  }
0x12b: {  	_ =	swait.ge [sflag:s31], $0x30  }
0x12c: {  	[sflag:s31] =	ssyncset.done $0x0  }
0x12d: {  	[sflag:s31] =	ssyncadd.s32 $0xFFFFFFD0  }
0x12e: {  	_ =	swait.ge [sflag:s3], $0x1800  }
0x12f: {  	[sflag:s3] =	ssyncset.done $0x0  }
0x130: {  	s2 =	sadd.s32 $0x90, s12;
	[sflag:s3] =	ssyncadd.s32 $0xFFFFE800  }
0x131: {  	s17 =	sadd.s32 $0xC0, s12;
	p0 =	slt.s32 s2, $0x4E1D0;
	s11 =	smov.u32 s2;
	v2 =	vld [tilespmem:$0x180]  }
0x132: {  	s18 =	smov.u32 s6;
	s11 =	simm.s32 @!p0 $0x4E1D0;
	p0 =	slt.s32 s17, s6;
	v5 =	vld [tilespmem:$0x1A0]  }
0x133: {  	v4 =	vadd.s32 s11, v1;
	s18 =	smov.u32 @p0 s17;
	s17 =	sadd.s32 $0x10, s11;
	v3 =	vld [tilespmem:$0x190]  }
0x134: {  	s11 =	sadd.s32 $0x20, s11;
	vm1 =	vge.s32 v4, s2;
	v62 =	vadd.s32 s17, v1  }
0x135: {  	vm10 =	vlt.s32 v4, s18;
	v63 =	vadd.s32 s11, v1;
	vm12 =	vge.s32 v62, s2  }
0x136: {  	vm2 =	vlt.s32 v62, s18;
	vm3 =	vge.s32 v63, s2;
	v2 =	vsub.s32 v2, v0  }
0x137: {  	vm14 =	vlt.s32 v63, s18;
	v5 =	vsub.s32 v5, v0;
	vm0 =	vlt.u32 v2, $0x1388  }
0x138: {  	v3 =	vsub.s32 v3, v0;
	vm13 =	vlt.u32 v5, $0x1388;
	vm0 =	vmand vm1, vm0  }
0x139: {  	s18 =	sadd.s32 $0xB, s30;
	vm11 =	vlt.u32 v3, $0x1388;
	vm1 =	vmand vm3, vm13;
	vm0 =	vmand vm10, vm0  }
0x13a: {  	p2 =	sge.u32 s18, s21;
	vm15 =	vmand vm14, vm1;
	v2 =	vnsel vm0, $0x1388, v2;
	vm0 =	vmand vm12, vm11  }
0x13b: {  	s2 =	sadd.s32 @!p2 $0x210, s12;
	vm0 =	vmand vm2, vm0;
	[tilespmem:$0x180] =	vst v2;
	v2 =	vnsel vm15, $0x1388, v5  }
0x13c: {  	p0 =	slt.s32 @!p2 s2, $0x4E1D0;
	v3 =	vnsel vm0, $0x1388, v3;
	[tilespmem:$0x1A0] =	vst v2  }
0x13d: {  	s11 =	simm.s32 $0x180;
	s17 =	simm.s32 $0x4C00;
	p0 =	por !p0, p2;
	[tilespmem:$0x190] =	vst v3  }
0x13e: {  	[spmem:s5] =	stream.indirect.scatter.add.f32 [tilespmem:s17], [sflag:$0x11], $0x80, s11, s20, $0xb8;
	[tilespmem:$0x16100] =	vst v63  }
0x13f: {  	s18 =	simm.s32 @!p2 $0x180;
	s2 =	simm.s32 @p0 $0x4E1D0;
	_ =	swait.ge [sflag:s15], $0x1800  }
0x140: {  	s11 =	sshrl.u32 @!p2 s2, $0x3;
	s17 =	simm.s32 @!p2 $0x0;
	[sflag:s15] =	ssyncset.done $0x0  }
0x141: {  	s2 =	sshll.u32 @!p2 s2, $0x4;
	s11 =	sadd.s32 @!p2 s1, s11;
	[sflag:s15] =	ssyncadd.s32 $0xFFFFE800  }
0x142: {  	[tilespmem:s18], [sflag:$0x4] =	stream.linear.gather @!p2 [hbm4b:s11+s17], $0x30, $0x38;
	[tilespmem:$0x16100] =	vst v63  }
0x143: {  	s2 =	sadd.s32 @!p2 s0, s2;
	s11 =	simm.s32 @!p2 $0x4C00  }
0x144: {  	[tilespmem:s11], [sflag:$0xC] =	stream.linear.gather @!p2 [hbm4b:s2+s17], $0x1800, $0x38;
	[tilespmem:$0x16100] =	vst v63  }
.LBB2_13:
0x145: {  	s2 =	sadd.s32 $0x4, s30  }
0x146: {  	p0 =	sge.u32 s2, s21  }
.Ltmp10:
0x147: {  	_ = 	snop;
	(pc) =	sbr.rel @p0 .LBB2_15-.Ltmp10, $1  }
0x148: {  	_ =	sdelay $0x3  }
0x149: {  	_ =	swait.ge [sflag:s7], $0x30  }
0x14a: {  	[sflag:s7] =	ssyncset.done $0x0  }
0x14b: {  	[sflag:s7] =	ssyncadd.s32 $0xFFFFFFD0  }
0x14c: {  	_ =	swait.ge [sflag:s8], $0x1800  }
0x14d: {  	[sflag:s8] =	ssyncset.done $0x0  }
0x14e: {  	s2 =	sadd.s32 $0xC0, s12;
	[sflag:s8] =	ssyncadd.s32 $0xFFFFE800  }
0x14f: {  	s17 =	sadd.s32 $0xF0, s12;
	p0 =	slt.s32 s2, $0x4E1D0;
	s11 =	smov.u32 s2;
	v2 =	vld [tilespmem:$0x200]  }
0x150: {  	s18 =	smov.u32 s6;
	s11 =	simm.s32 @!p0 $0x4E1D0;
	p0 =	slt.s32 s17, s6;
	v5 =	vld [tilespmem:$0x220]  }
0x151: {  	v4 =	vadd.s32 s11, v1;
	s18 =	smov.u32 @p0 s17;
	s17 =	sadd.s32 $0x10, s11;
	v3 =	vld [tilespmem:$0x210]  }
0x152: {  	s11 =	sadd.s32 $0x20, s11;
	vm1 =	vge.s32 v4, s2;
	v62 =	vadd.s32 s17, v1  }
0x153: {  	vm10 =	vlt.s32 v4, s18;
	v63 =	vadd.s32 s11, v1;
	vm12 =	vge.s32 v62, s2  }
0x154: {  	vm2 =	vlt.s32 v62, s18;
	vm3 =	vge.s32 v63, s2;
	v2 =	vsub.s32 v2, v0  }
0x155: {  	vm14 =	vlt.s32 v63, s18;
	v5 =	vsub.s32 v5, v0;
	vm0 =	vlt.u32 v2, $0x1388  }
0x156: {  	v3 =	vsub.s32 v3, v0;
	vm13 =	vlt.u32 v5, $0x1388;
	vm0 =	vmand vm1, vm0  }
0x157: {  	s18 =	sadd.s32 $0xC, s30;
	vm11 =	vlt.u32 v3, $0x1388;
	vm1 =	vmand vm3, vm13;
	vm0 =	vmand vm10, vm0  }
0x158: {  	p2 =	sge.u32 s18, s21;
	vm15 =	vmand vm14, vm1;
	v2 =	vnsel vm0, $0x1388, v2;
	vm0 =	vmand vm12, vm11  }
0x159: {  	s2 =	sadd.s32 @!p2 $0x240, s12;
	vm0 =	vmand vm2, vm0;
	[tilespmem:$0x200] =	vst v2;
	v2 =	vnsel vm15, $0x1388, v5  }
0x15a: {  	p0 =	slt.s32 @!p2 s2, $0x4E1D0;
	v3 =	vnsel vm0, $0x1388, v3;
	[tilespmem:$0x220] =	vst v2  }
0x15b: {  	s11 =	simm.s32 $0x200;
	s17 =	simm.s32 $0x6400;
	p0 =	por !p0, p2;
	[tilespmem:$0x210] =	vst v3  }
0x15c: {  	[spmem:s5] =	stream.indirect.scatter.add.f32 [tilespmem:s17], [sflag:$0x11], $0x80, s11, s20, $0xb8;
	[tilespmem:$0x16100] =	vst v63  }
0x15d: {  	s18 =	simm.s32 @!p2 $0x200;
	s2 =	simm.s32 @p0 $0x4E1D0;
	_ =	swait.ge [sflag:s15], $0x1800  }
0x15e: {  	s11 =	sshrl.u32 @!p2 s2, $0x3;
	s17 =	simm.s32 @!p2 $0x0;
	[sflag:s15] =	ssyncset.done $0x0  }
0x15f: {  	s2 =	sshll.u32 @!p2 s2, $0x4;
	s11 =	sadd.s32 @!p2 s1, s11;
	[sflag:s15] =	ssyncadd.s32 $0xFFFFE800  }
0x160: {  	[tilespmem:s18], [sflag:$0x5] =	stream.linear.gather @!p2 [hbm4b:s11+s17], $0x30, $0x38;
	[tilespmem:$0x16100] =	vst v63  }
0x161: {  	s2 =	sadd.s32 @!p2 s0, s2;
	s11 =	simm.s32 @!p2 $0x6400  }
0x162: {  	[tilespmem:s11], [sflag:$0xD] =	stream.linear.gather @!p2 [hbm4b:s2+s17], $0x1800, $0x38;
	[tilespmem:$0x16100] =	vst v63  }
.LBB2_15:
0x163: {  	s2 =	sadd.s32 $0x5, s30  }
0x164: {  	p0 =	sge.u32 s2, s21  }
.Ltmp11:
0x165: {  	_ = 	snop;
	(pc) =	sbr.rel @p0 .LBB2_17-.Ltmp11, $1  }
0x166: {  	_ =	sdelay $0x3  }
0x167: {  	_ =	swait.ge [sflag:s9], $0x30  }
0x168: {  	[sflag:s9] =	ssyncset.done $0x0  }
0x169: {  	[sflag:s9] =	ssyncadd.s32 $0xFFFFFFD0  }
0x16a: {  	_ =	swait.ge [sflag:s10], $0x1800  }
0x16b: {  	[sflag:s10] =	ssyncset.done $0x0  }
0x16c: {  	s2 =	sadd.s32 $0xF0, s12;
	[sflag:s10] =	ssyncadd.s32 $0xFFFFE800  }
0x16d: {  	s17 =	sadd.s32 $0x120, s12;
	p0 =	slt.s32 s2, $0x4E1D0;
	s11 =	smov.u32 s2;
	v2 =	vld [tilespmem:$0x280]  }
0x16e: {  	s18 =	smov.u32 s6;
	s11 =	simm.s32 @!p0 $0x4E1D0;
	p0 =	slt.s32 s17, s6;
	v5 =	vld [tilespmem:$0x2A0]  }
0x16f: {  	v4 =	vadd.s32 s11, v1;
	s18 =	smov.u32 @p0 s17;
	s17 =	sadd.s32 $0x10, s11;
	v3 =	vld [tilespmem:$0x290]  }
0x170: {  	s11 =	sadd.s32 $0x20, s11;
	vm1 =	vge.s32 v4, s2;
	v62 =	vadd.s32 s17, v1  }
0x171: {  	vm10 =	vlt.s32 v4, s18;
	v63 =	vadd.s32 s11, v1;
	vm12 =	vge.s32 v62, s2  }
0x172: {  	vm2 =	vlt.s32 v62, s18;
	vm3 =	vge.s32 v63, s2;
	v2 =	vsub.s32 v2, v0  }
0x173: {  	vm14 =	vlt.s32 v63, s18;
	v5 =	vsub.s32 v5, v0;
	vm0 =	vlt.u32 v2, $0x1388  }
0x174: {  	v3 =	vsub.s32 v3, v0;
	vm13 =	vlt.u32 v5, $0x1388;
	vm0 =	vmand vm1, vm0  }
0x175: {  	s18 =	sadd.s32 $0xD, s30;
	vm11 =	vlt.u32 v3, $0x1388;
	vm1 =	vmand vm3, vm13;
	vm0 =	vmand vm10, vm0  }
0x176: {  	p2 =	sge.u32 s18, s21;
	vm15 =	vmand vm14, vm1;
	v2 =	vnsel vm0, $0x1388, v2;
	vm0 =	vmand vm12, vm11  }
0x177: {  	s2 =	sadd.s32 @!p2 $0x270, s12;
	vm0 =	vmand vm2, vm0;
	[tilespmem:$0x280] =	vst v2;
	v2 =	vnsel vm15, $0x1388, v5  }
0x178: {  	p0 =	slt.s32 @!p2 s2, $0x4E1D0;
	v3 =	vnsel vm0, $0x1388, v3;
	[tilespmem:$0x2A0] =	vst v2  }
0x179: {  	s11 =	simm.s32 $0x280;
	s17 =	simm.s32 $0x7C00;
	p0 =	por !p0, p2;
	[tilespmem:$0x290] =	vst v3  }
0x17a: {  	[spmem:s5] =	stream.indirect.scatter.add.f32 [tilespmem:s17], [sflag:$0x11], $0x80, s11, s20, $0xb8;
	[tilespmem:$0x16100] =	vst v63  }
0x17b: {  	s18 =	simm.s32 @!p2 $0x280;
	s2 =	simm.s32 @p0 $0x4E1D0;
	_ =	swait.ge [sflag:s15], $0x1800  }
0x17c: {  	s11 =	sshrl.u32 @!p2 s2, $0x3;
	s17 =	simm.s32 @!p2 $0x0;
	[sflag:s15] =	ssyncset.done $0x0  }
0x17d: {  	s2 =	sshll.u32 @!p2 s2, $0x4;
	s11 =	sadd.s32 @!p2 s1, s11;
	[sflag:s15] =	ssyncadd.s32 $0xFFFFE800  }
0x17e: {  	[tilespmem:s18], [sflag:$0x6] =	stream.linear.gather @!p2 [hbm4b:s11+s17], $0x30, $0x38;
	[tilespmem:$0x16100] =	vst v63  }
0x17f: {  	s2 =	sadd.s32 @!p2 s0, s2;
	s11 =	simm.s32 @!p2 $0x7C00  }
0x180: {  	[tilespmem:s11], [sflag:$0xE] =	stream.linear.gather @!p2 [hbm4b:s2+s17], $0x1800, $0x38;
	[tilespmem:$0x16100] =	vst v63  }
.LBB2_17:
0x181: {  	s2 =	sadd.s32 $0x6, s30  }
0x182: {  	p0 =	sge.u32 s2, s21  }
.Ltmp12:
0x183: {  	_ = 	snop;
	(pc) =	sbr.rel @p0 .LBB2_19-.Ltmp12, $1  }
0x184: {  	_ =	sdelay $0x3  }
0x185: {  	_ =	swait.ge [sflag:s13], $0x30  }
0x186: {  	[sflag:s13] =	ssyncset.done $0x0  }
0x187: {  	[sflag:s13] =	ssyncadd.s32 $0xFFFFFFD0  }
0x188: {  	_ =	swait.ge [sflag:s4], $0x1800  }
0x189: {  	[sflag:s4] =	ssyncset.done $0x0  }
0x18a: {  	s2 =	sadd.s32 $0x120, s12;
	[sflag:s4] =	ssyncadd.s32 $0xFFFFE800  }
0x18b: {  	s17 =	sadd.s32 $0x150, s12;
	p0 =	slt.s32 s2, $0x4E1D0;
	s11 =	smov.u32 s2;
	v2 =	vld [tilespmem:$0x300]  }
0x18c: {  	s18 =	smov.u32 s6;
	s11 =	simm.s32 @!p0 $0x4E1D0;
	p0 =	slt.s32 s17, s6;
	v5 =	vld [tilespmem:$0x320]  }
0x18d: {  	v4 =	vadd.s32 s11, v1;
	s18 =	smov.u32 @p0 s17;
	s17 =	sadd.s32 $0x10, s11;
	v3 =	vld [tilespmem:$0x310]  }
0x18e: {  	s11 =	sadd.s32 $0x20, s11;
	vm1 =	vge.s32 v4, s2;
	v62 =	vadd.s32 s17, v1  }
0x18f: {  	vm10 =	vlt.s32 v4, s18;
	v63 =	vadd.s32 s11, v1;
	vm12 =	vge.s32 v62, s2  }
0x190: {  	vm2 =	vlt.s32 v62, s18;
	vm3 =	vge.s32 v63, s2;
	v2 =	vsub.s32 v2, v0  }
0x191: {  	vm14 =	vlt.s32 v63, s18;
	v5 =	vsub.s32 v5, v0;
	vm0 =	vlt.u32 v2, $0x1388  }
0x192: {  	v3 =	vsub.s32 v3, v0;
	vm13 =	vlt.u32 v5, $0x1388;
	vm0 =	vmand vm1, vm0  }
0x193: {  	s18 =	sadd.s32 $0xE, s30;
	vm11 =	vlt.u32 v3, $0x1388;
	vm1 =	vmand vm3, vm13;
	vm0 =	vmand vm10, vm0  }
0x194: {  	p2 =	sge.u32 s18, s21;
	vm15 =	vmand vm14, vm1;
	v2 =	vnsel vm0, $0x1388, v2;
	vm0 =	vmand vm12, vm11  }
0x195: {  	s2 =	sadd.s32 @!p2 $0x2A0, s12;
	vm0 =	vmand vm2, vm0;
	[tilespmem:$0x300] =	vst v2;
	v2 =	vnsel vm15, $0x1388, v5  }
0x196: {  	p0 =	slt.s32 @!p2 s2, $0x4E1D0;
	v3 =	vnsel vm0, $0x1388, v3;
	[tilespmem:$0x320] =	vst v2  }
0x197: {  	s11 =	simm.s32 $0x300;
	s17 =	simm.s32 $0x9400;
	p0 =	por !p0, p2;
	[tilespmem:$0x310] =	vst v3  }
0x198: {  	[spmem:s5] =	stream.indirect.scatter.add.f32 [tilespmem:s17], [sflag:$0x11], $0x80, s11, s20, $0xb8;
	[tilespmem:$0x16100] =	vst v63  }
0x199: {  	s18 =	simm.s32 @!p2 $0x300;
	s2 =	simm.s32 @p0 $0x4E1D0;
	_ =	swait.ge [sflag:s15], $0x1800  }
0x19a: {  	s11 =	sshrl.u32 @!p2 s2, $0x3;
	s17 =	simm.s32 @!p2 $0x0;
	[sflag:s15] =	ssyncset.done $0x0  }
0x19b: {  	s2 =	sshll.u32 @!p2 s2, $0x4;
	s11 =	sadd.s32 @!p2 s1, s11;
	[sflag:s15] =	ssyncadd.s32 $0xFFFFE800  }
0x19c: {  	[tilespmem:s18], [sflag:$0x7] =	stream.linear.gather @!p2 [hbm4b:s11+s17], $0x30, $0x38;
	[tilespmem:$0x16100] =	vst v63  }
0x19d: {  	s2 =	sadd.s32 @!p2 s0, s2;
	s11 =	simm.s32 @!p2 $0x9400  }
0x19e: {  	[tilespmem:s11], [sflag:$0xF] =	stream.linear.gather @!p2 [hbm4b:s2+s17], $0x1800, $0x38;
	[tilespmem:$0x16100] =	vst v63  }
.LBB2_19:
0x19f: {  	s2 =	sadd.s32 $0x7, s30  }
0x1a0: {  	p0 =	sge.u32 s2, s21  }
.Ltmp13:
0x1a1: {  	_ = 	snop;
	(pc) =	sbr.rel @p0 .LBB2_21-.Ltmp13, $1  }
0x1a2: {  	_ =	sdelay $0x3  }
0x1a3: {  	_ =	swait.ge [sflag:s25], $0x30  }
0x1a4: {  	[sflag:s25] =	ssyncset.done $0x0  }
0x1a5: {  	[sflag:s25] =	ssyncadd.s32 $0xFFFFFFD0  }
0x1a6: {  	_ =	swait.ge [sflag:s29], $0x1800  }
0x1a7: {  	[sflag:s29] =	ssyncset.done $0x0  }
0x1a8: {  	s2 =	sadd.s32 $0x150, s12;
	[sflag:s29] =	ssyncadd.s32 $0xFFFFE800  }
0x1a9: {  	s17 =	sadd.s32 $0x180, s12;
	p0 =	slt.s32 s2, $0x4E1D0;
	s11 =	smov.u32 s2;
	v2 =	vld [tilespmem:$0x380]  }
0x1aa: {  	s18 =	smov.u32 s6;
	s11 =	simm.s32 @!p0 $0x4E1D0;
	p0 =	slt.s32 s17, s6;
	v5 =	vld [tilespmem:$0x3A0]  }
0x1ab: {  	v4 =	vadd.s32 s11, v1;
	s18 =	smov.u32 @p0 s17;
	s17 =	sadd.s32 $0x10, s11;
	v3 =	vld [tilespmem:$0x390]  }
0x1ac: {  	s11 =	sadd.s32 $0x20, s11;
	vm1 =	vge.s32 v4, s2;
	v62 =	vadd.s32 s17, v1  }
0x1ad: {  	vm10 =	vlt.s32 v4, s18;
	v63 =	vadd.s32 s11, v1;
	vm12 =	vge.s32 v62, s2  }
0x1ae: {  	vm2 =	vlt.s32 v62, s18;
	vm3 =	vge.s32 v63, s2;
	v2 =	vsub.s32 v2, v0  }
0x1af: {  	vm14 =	vlt.s32 v63, s18;
	v5 =	vsub.s32 v5, v0;
	vm0 =	vlt.u32 v2, $0x1388  }
0x1b0: {  	s18 =	sadd.s32 $0xF, s30;
	v3 =	vsub.s32 v3, v0;
	vm13 =	vlt.u32 v5, $0x1388;
	vm0 =	vmand vm1, vm0  }
0x1b1: {  	p2 =	sge.u32 s18, s21;
	vm11 =	vlt.u32 v3, $0x1388;
	vm1 =	vmand vm3, vm13;
	vm0 =	vmand vm10, vm0  }
0x1b2: {  	s2 =	sadd.s32 @!p2 $0x2D0, s12;
	vm15 =	vmand vm14, vm1;
	v2 =	vnsel vm0, $0x1388, v2;
	vm0 =	vmand vm12, vm11  }
0x1b3: {  	p0 =	slt.s32 @!p2 s2, $0x4E1D0;
	vm0 =	vmand vm2, vm0;
	[tilespmem:$0x380] =	vst v2;
	v2 =	vnsel vm15, $0x1388, v5  }
0x1b4: {  	p0 =	por !p0, p2;
	v3 =	vnsel vm0, $0x1388, v3;
	[tilespmem:$0x3A0] =	vst v2  }
0x1b5: {  	s11 =	simm.s32 $0x380;
	s17 =	simm.s32 $0xAC00;
	s2 =	simm.s32 @p0 $0x4E1D0;
	[tilespmem:$0x390] =	vst v3  }
0x1b6: {  	[spmem:s5] =	stream.indirect.scatter.add.f32 [tilespmem:s17], [sflag:$0x11], $0x80, s11, s20, $0xb8;
	[tilespmem:$0x16100] =	vst v63  }
0x1b7: {  	s18 =	simm.s32 @!p2 $0x380;
	s11 =	sshrl.u32 @!p2 s2, $0x3;
	_ =	swait.ge [sflag:s15], $0x1800  }
.Ltmp14:
0x1b8: {  	s17 =	simm.s32 @!p2 $0x0;
	[sflag:s15] =	ssyncset.done $0x0;
	(pc) =	sbr.rel .LBB2_21-.Ltmp14, $4  }
0x1b9: {  	s2 =	sshll.u32 @!p2 s2, $0x4;
	s11 =	sadd.s32 @!p2 s1, s11;
	[sflag:s15] =	ssyncadd.s32 $0xFFFFE800  }
0x1ba: {  	[tilespmem:s18], [sflag:$0x8] =	stream.linear.gather @!p2 [hbm4b:s11+s17], $0x30, $0x38;
	[tilespmem:$0x16100] =	vst v63  }
0x1bb: {  	s2 =	sadd.s32 @!p2 s0, s2;
	s11 =	simm.s32 @!p2 $0xAC00  }
0x1bc: {  	[tilespmem:s11], [sflag:$0x10] =	stream.linear.gather @!p2 [hbm4b:s2+s17], $0x1800, $0x38;
	[tilespmem:$0x16100] =	vst v63  }
.LBB2_23:
0x1bd: {  	_ =	sfence.sel $0x180000  }
0x1be: {  	[bflag:$0x0] =	sbarrier.arrive $0xFFFF  }
0x1bf: {  	_ =	strace $0x90000047  }
0x1c0: {  	s0 =	stileid.u32;
	[bflag:$0x2] =	sbarrier.arrive $0xFFFF  }
0x1c1: {  	p0 =	sne.s32 s0, $0x0;
	s0 =	rddreg [dreg:$0x6]  }
0x1c2: {  	s0 =	sadd.s32 @!p0 $0x100000, s0  }
0x1c3: {  	[sflag:s0] =	ssyncadd.tile.s32 @!p0 $0x1;
	_ =	shalt  }
.Lfunc_end2:
_tile_overlayer_lowered:
.L_overlay_start_2:
0x1c4: {  	(tag) =	ssettag $0x2  }
0x1c5: {  	s0 =	rddreg [dreg:$0x0];
	s2 =	stileid.u32  }
0x1c6: {  	s1 =	rddreg [dreg:$0x1];
	p0 =	sne.s32 s2, $0x0  }
0x1c7: {  	s3 =	rddreg [dreg:$0x2];
	[bflag:$0x3] =	sbarrier.arrive $0xFFFF;
	s2 =	simm.s32 @!p0 $0x1C11  }
0x1c8: {  	[timem:s3], [sflag:s2] =	dma.local @!p0 [hbm:s0], s1  }
0x1c9: {  	s0 =	simm.s32 @!p0 $0x11  }
0x1ca: {  	_ =	swait.ge @!p0 [sflag:s0], s1  }
0x1cb: {  	s1 =	ssub.s32 @!p0 $0x0, s1;
	[sflag:s0] =	ssyncset.done @!p0 $0x0  }
0x1cc: {  	[sflag:s0] =	ssyncadd.s32 @!p0 s1  }
0x1cd: {  	[bflag:$0x3] =	sbarrier.arrive $0xFFFF  }
0x1ce: {  	_ =	shalt  }

</sc_bundles>
